<compile_context>
chip_gen: v7x
topology: tpu7x:2x2x1
jax: 0.10.2.dev20260603
libtpu: 0.0.44.dev20260713+nightly
codegen_flags: <defaults>
</compile_context>

<pallas_src>
import functools

import jax
import jax.numpy as jnp
from jax import lax
from jax.experimental import pallas as pl
from jax.experimental.pallas import tpu as pltpu
from jax.experimental.pallas import tpu_sc as plsc

N_USER = 50000
N_STORE = 10000
N_FOOD = 50000
D = 128
E = 320000

NC = 2
NS = 16
NW = NC * NS
EPW = E // NW
B = 80
NBLK = EPW // B

CHUNK_U = 6400
N_CHUNK_U = 8
CHUNK_S = 6400
N_CHUNK_S = 2
U_PAD = N_CHUNK_U * CHUNK_U
S_PAD = N_CHUNK_S * CHUNK_S
ACC_ROWS = CHUNK_U + 8
TRASH = CHUNK_U
CW = 128


def _sc_accumulate(store_emb, su_src, user_emb, us_src, food_emb, os_src,
                   su_loc, us_loc, os_loc, ones_rows, zero_rows):
  mesh = plsc.VectorSubcoreMesh(core_axis_name="c", subcore_axis_name="s")
  f32 = jnp.float32

  @functools.partial(
      pl.kernel,
      mesh=mesh,
      out_type=[
          jax.ShapeDtypeStruct((NC * U_PAD, D), f32),
          jax.ShapeDtypeStruct((NC * U_PAD, CW), f32),
          jax.ShapeDtypeStruct((NC * S_PAD, D), f32),
          jax.ShapeDtypeStruct((NC * S_PAD, CW), f32),
          jax.ShapeDtypeStruct((NC * S_PAD, D), f32),
          jax.ShapeDtypeStruct((NC * S_PAD, CW), f32),
      ],
      scratch_types=[
          pltpu.VMEM((B,), jnp.int32),
          pltpu.VMEM((B,), jnp.int32),
          pltpu.VMEM((B, D), f32),
          pltpu.VMEM((B, CW), f32),
          pltpu.VMEM_SHARED((ACC_ROWS, D), f32),
          pltpu.VMEM_SHARED((ACC_ROWS, CW), f32),
          pltpu.SemaphoreType.DMA,
      ],
  )
  def k(store_t, su_s, user_t, us_s, food_t, os_s, su_l, us_l, os_l,
        ones_h, zrow_h,
        u_sum, u_cnt, a_sum, a_cnt, b_sum, b_cnt,
        src_v, loc_v, rows_v, ones_v, acc, cacc, sem):
    cid = lax.axis_index("c")
    sid = lax.axis_index("s")
    wid = sid * NC + cid
    pltpu.sync_copy(ones_h, ones_v)

    def relation(table, src_h, loc_h, loc_off, nrows, out_sum, out_cnt,
                 out_rows, out_base):
      rpt = nrows // NS
      pltpu.sync_copy(zrow_h.at[pl.ds(0, rpt)], acc.at[pl.ds(sid * rpt, rpt)])
      pltpu.sync_copy(zrow_h.at[pl.ds(0, rpt)], cacc.at[pl.ds(sid * rpt, rpt)])
      plsc.subcore_barrier()

      def body(blk, carry):
        off = wid * EPW + blk * B
        pltpu.sync_copy(src_h.at[pl.ds(off, B)], src_v)
        pltpu.sync_copy(loc_h.at[pl.ds(loc_off + off, B)], loc_v)
        pltpu.async_copy(table.at[src_v], rows_v, sem).wait()
        pltpu.sync_copy(rows_v, acc.at[loc_v], add=True)
        pltpu.sync_copy(ones_v, cacc.at[loc_v], add=True)
        return carry

      lax.fori_loop(0, NBLK, body, 0)
      plsc.subcore_barrier()
      row0 = cid * out_rows + out_base + sid * rpt
      pltpu.sync_copy(acc.at[pl.ds(sid * rpt, rpt)],
                      out_sum.at[pl.ds(row0, rpt)])
      pltpu.sync_copy(cacc.at[pl.ds(sid * rpt, rpt)],
                      out_cnt.at[pl.ds(row0, rpt)])
      plsc.subcore_barrier()

    for cb in range(N_CHUNK_U):
      relation(store_t, su_s, su_l, cb * E, CHUNK_U, u_sum, u_cnt,
               U_PAD, cb * CHUNK_U)
    for cb in range(N_CHUNK_S):
      relation(user_t, us_s, us_l, cb * E, CHUNK_S, a_sum, a_cnt,
               S_PAD, cb * CHUNK_S)
    for cb in range(N_CHUNK_S):
      relation(food_t, os_s, os_l, cb * E, CHUNK_S, b_sum, b_cnt,
               S_PAD, cb * CHUNK_S)

  return k(store_emb, su_src, user_emb, us_src, food_emb, os_src,
           su_loc, us_loc, os_loc, ones_rows, zero_rows)


def _finalize_user(u_sum, u_cnt):
  RB = 512
  nb = U_PAD // RB

  def body(s0, s1, c0, c1, o_ref):
    s = s0[...] + s1[...]
    c = c0[:, 0:1] + c1[:, 0:1]
    o_ref[...] = s / jnp.maximum(c, 1.0)

  return pl.pallas_call(
      body,
      grid=(nb,),
      in_specs=[
          pl.BlockSpec((RB, D), lambda i: (i, 0)),
          pl.BlockSpec((RB, D), lambda i: (i + nb, 0)),
          pl.BlockSpec((RB, CW), lambda i: (i, 0)),
          pl.BlockSpec((RB, CW), lambda i: (i + nb, 0)),
      ],
      out_specs=pl.BlockSpec((RB, D), lambda i: (i, 0)),
      out_shape=jax.ShapeDtypeStruct((U_PAD, D), jnp.float32),
  )(u_sum, u_sum, u_cnt, u_cnt)


def _finalize_store(a_sum, a_cnt, b_sum, b_cnt):
  RB = 512
  nb = S_PAD // RB

  def body(as0, as1, ac0, ac1, bs0, bs1, bc0, bc1, o_ref):
    a = (as0[...] + as1[...]) / jnp.maximum(ac0[:, 0:1] + ac1[:, 0:1], 1.0)
    b = (bs0[...] + bs1[...]) / jnp.maximum(bc0[:, 0:1] + bc1[:, 0:1], 1.0)
    o_ref[...] = a + b

  return pl.pallas_call(
      body,
      grid=(nb,),
      in_specs=[
          pl.BlockSpec((RB, D), lambda i: (i, 0)),
          pl.BlockSpec((RB, D), lambda i: (i + nb, 0)),
          pl.BlockSpec((RB, CW), lambda i: (i, 0)),
          pl.BlockSpec((RB, CW), lambda i: (i + nb, 0)),
          pl.BlockSpec((RB, D), lambda i: (i, 0)),
          pl.BlockSpec((RB, D), lambda i: (i + nb, 0)),
          pl.BlockSpec((RB, CW), lambda i: (i, 0)),
          pl.BlockSpec((RB, CW), lambda i: (i + nb, 0)),
      ],
      out_specs=pl.BlockSpec((RB, D), lambda i: (i, 0)),
      out_shape=jax.ShapeDtypeStruct((S_PAD, D), jnp.float32),
  )(a_sum, a_sum, a_cnt, a_cnt, b_sum, b_sum, b_cnt, b_cnt)


def kernel(user_emb, store_emb, food_emb, us_src, us_dst, su_src, su_dst,
           so_src, so_dst, os_src, os_dst):
  def chunked_loc(dst, n_chunk, chunk):
    parts = []
    for cb in range(n_chunk):
      l = dst - cb * chunk
      parts.append(jnp.where((l >= 0) & (l < chunk), l, TRASH))
    return jnp.concatenate(parts, axis=0)

  su_loc = chunked_loc(su_dst, N_CHUNK_U, CHUNK_U)
  us_loc = chunked_loc(us_dst, N_CHUNK_S, CHUNK_S)
  os_loc = chunked_loc(os_dst, N_CHUNK_S, CHUNK_S)
  ones_rows = jnp.ones((B, CW), jnp.float32)
  zero_rows = jnp.zeros((CHUNK_U // NS, D), jnp.float32)
  u_sum, u_cnt, a_sum, a_cnt, b_sum, b_cnt = _sc_accumulate(
      store_emb, su_src, user_emb, us_src, food_emb, os_src,
      su_loc, us_loc, os_loc, ones_rows, zero_rows)
  user_h = _finalize_user(u_sum, u_cnt)[:N_USER]
  store_h = _finalize_store(a_sum, a_cnt, b_sum, b_cnt)[:N_STORE]
  return (user_h, store_h)

# --- scband reference (transcript-rebuilt; emitter-appended) ---
"""Pipeline reference for scband-multi-graphlayer-62311385530492 (READ-ONLY COPY).

The authoritative reference and input builder live on the scoring server;
editing this copy changes nothing except your own understanding.
"""

import jax, jax.numpy as jnp
import numpy as np

N_USER = 50000
N_STORE = 10000
N_FOOD = 50000
D = 128
E = 320000


def setup_inputs(seed: int = 0) -> dict:
    key = jax.random.key(seed)
    ks = jax.random.split(key, 11)
    return {
        "user_emb": jax.random.normal(ks[0], (N_USER, D), dtype=jnp.float32),
        "store_emb": jax.random.normal(ks[1], (N_STORE, D), dtype=jnp.float32),
        "food_emb": jax.random.normal(ks[2], (N_FOOD, D), dtype=jnp.float32),
        "us_src": jax.random.randint(ks[3], (E,), 0, N_USER, dtype=jnp.int32),
        "us_dst": jax.random.randint(ks[4], (E,), 0, N_STORE, dtype=jnp.int32),
        "su_src": jax.random.randint(ks[5], (E,), 0, N_STORE, dtype=jnp.int32),
        "su_dst": jax.random.randint(ks[6], (E,), 0, N_USER, dtype=jnp.int32),
        "so_src": jax.random.randint(ks[7], (E,), 0, N_STORE, dtype=jnp.int32),
        "so_dst": jax.random.randint(ks[8], (E,), 0, N_FOOD, dtype=jnp.int32),
        "os_src": jax.random.randint(ks[9], (E,), 0, N_FOOD, dtype=jnp.int32),
        "os_dst": jax.random.randint(ks[10], (E,), 0, N_STORE, dtype=jnp.int32),
    }


def _mean_agg(src_emb, src_idx, dst_idx, n_dst):
    # DGL copy_u('h','m') then mean('m','h'): gather source feats, scatter-mean by dst.
    msgs = jnp.take(src_emb, src_idx, axis=0)
    s = jax.ops.segment_sum(msgs, dst_idx, num_segments=n_dst)
    cnt = jax.ops.segment_sum(jnp.ones((dst_idx.shape[0],), dtype=src_emb.dtype), dst_idx, num_segments=n_dst)
    # DGL mean gives 0 for zero-in-degree nodes (s is already 0 there).
    return s / jnp.maximum(cnt, 1.0)[:, None]


def reference(user_emb, store_emb, food_emb, us_src, us_dst, su_src, su_dst, so_src, so_dst, os_src, os_dst):
    # ctype='store': relations {us, su, so, os}; cross-type reducer aggr_type='sum'.
    # user <- su (store->user)
    user_h = _mean_agg(store_emb, su_src, su_dst, N_USER)
    # store <- us (user->store) and os (food->store), combined with cross-reducer sum
    store_from_us = _mean_agg(user_emb, us_src, us_dst, N_STORE)
    store_from_os = _mean_agg(food_emb, os_src, os_dst, N_STORE)
    store_h = store_from_us + store_from_os
    # food <- so is computed inside local_scope in the original but never returned
    # (dead w.r.t. the returned tuple), so it is omitted here.
    return (user_h, store_h)

if __name__ == "__main__":
    import jax
    _d = setup_inputs()
    print(jax.jit(kernel)(*tuple(_d.values())))

</pallas_src>

<mosaic_0001>
#map = affine_map<(d0, d1) -> (0, 0)>
#map1 = affine_map<(d0, d1) -> (0)>
module attributes {stable_mosaic.version = 14 : i64} {
  func.func @k(%arg0: i32, %arg1: i32, %arg2: memref<10000x128xf32, #tpu.memory_space<hbm>>, %arg3: memref<320000xi32, #tpu.memory_space<hbm>>, %arg4: memref<50000x128xf32, #tpu.memory_space<hbm>>, %arg5: memref<320000xi32, #tpu.memory_space<hbm>>, %arg6: memref<50000x128xf32, #tpu.memory_space<hbm>>, %arg7: memref<320000xi32, #tpu.memory_space<hbm>>, %arg8: memref<2560000xi32, #tpu.memory_space<hbm>>, %arg9: memref<640000xi32, #tpu.memory_space<hbm>>, %arg10: memref<640000xi32, #tpu.memory_space<hbm>>, %arg11: memref<80x128xf32, #tpu.memory_space<hbm>>, %arg12: memref<400x128xf32, #tpu.memory_space<hbm>>, %arg13: memref<102400x128xf32, #tpu.memory_space<hbm>>, %arg14: memref<102400x128xf32, #tpu.memory_space<hbm>>, %arg15: memref<25600x128xf32, #tpu.memory_space<hbm>>, %arg16: memref<25600x128xf32, #tpu.memory_space<hbm>>, %arg17: memref<25600x128xf32, #tpu.memory_space<hbm>>, %arg18: memref<25600x128xf32, #tpu.memory_space<hbm>>, %arg19: memref<80xi32, #tpu.memory_space<vmem>>, %arg20: memref<80xi32, #tpu.memory_space<vmem>>, %arg21: memref<80x128xf32, #tpu.memory_space<vmem>>, %arg22: memref<80x128xf32, #tpu.memory_space<vmem>>, %arg23: memref<6408x128xf32, #tpu.memory_space<vmem_shared>>, %arg24: memref<6408x128xf32, #tpu.memory_space<vmem_shared>>, %arg25: memref<!tpu.dma_semaphore, #tpu.memory_space<semaphore_mem>>) attributes {dimension_semantics = [#tpu.dimension_semantics<core_parallel>, #tpu.dimension_semantics<subcore_parallel>], iteration_bounds = array<i64: 2, 16>, scalar_prefetch = 0 : i64, scratch_operands = 7 : i64, tpu.core_type = #tpu.core_type<sc_vector_subcore>, window_params = [{transform_indices = #map}, {transform_indices = #map1}, {transform_indices = #map}, {transform_indices = #map1}, {transform_indices = #map}, {transform_indices = #map1}, {transform_indices = #map1}, {transform_indices = #map1}, {transform_indices = #map1}, {transform_indices = #map}, {transform_indices = #map}, {transform_indices = #map}, {transform_indices = #map}, {transform_indices = #map}, {transform_indices = #map}, {transform_indices = #map}, {transform_indices = #map}]} {
    %mul3A = arith.constant 2 : i32
    %mul3A_0 = arith.muli %arg1, %mul3A : i32
    %add3A = arith.addi %mul3A_0, %arg0 : i32
    "tpu.region"() ({
      %run_scoped3A = tpu.sem_alloc : memref<!tpu.dma_semaphore, #tpu.memory_space<semaphore_mem>>
      tpu.enqueue_dma source(%arg11 : memref<80x128xf32, #tpu.memory_space<hbm>>) target(%arg22 : memref<80x128xf32, #tpu.memory_space<vmem>>) target_semaphore(%run_scoped3A : memref<!tpu.dma_semaphore, #tpu.memory_space<semaphore_mem>>)
      tpu.wait_dma2 semaphore(%run_scoped3A : memref<!tpu.dma_semaphore, #tpu.memory_space<semaphore_mem>>) src(%arg11 : memref<80x128xf32, #tpu.memory_space<hbm>>) dst(%arg22 : memref<80x128xf32, #tpu.memory_space<vmem>>)
      tpu.yield
    }) : () -> ()
    %mul3A_1 = arith.constant 400 : i32
    %mul3A_2 = arith.muli %arg1, %mul3A_1 : i32
    "tpu.region"() ({
      %run_scoped3A = tpu.sem_alloc : memref<!tpu.dma_semaphore, #tpu.memory_space<semaphore_mem>>
      %dma_start3A = arith.constant 0 : i32
      %dma_start3A_287 = tpu.memref_slice %arg23[%mul3A_2, %dma_start3A] : memref<6408x128xf32, #tpu.memory_space<vmem_shared>> -> memref<400x128xf32, #tpu.memory_space<vmem_shared>>
      %dma_start3A_288 = arith.constant 0 : i32
      %dma_start3A_289 = arith.constant 0 : i32
      %dma_start3A_290 = tpu.memref_slice %arg12[%dma_start3A_288, %dma_start3A_289] : memref<400x128xf32, #tpu.memory_space<hbm>> -> memref<400x128xf32, #tpu.memory_space<hbm>>
      tpu.enqueue_dma source(%dma_start3A_290 : memref<400x128xf32, #tpu.memory_space<hbm>>) target(%dma_start3A_287 : memref<400x128xf32, #tpu.memory_space<vmem_shared>>) target_semaphore(%run_scoped3A : memref<!tpu.dma_semaphore, #tpu.memory_space<semaphore_mem>>)
      %dma_wait3A = arith.constant 0 : i32
      %dma_wait3A_291 = tpu.memref_slice %arg23[%mul3A_2, %dma_wait3A] : memref<6408x128xf32, #tpu.memory_space<vmem_shared>> -> memref<400x128xf32, #tpu.memory_space<vmem_shared>>
      %dma_wait3A_292 = arith.constant 0 : i32
      %dma_wait3A_293 = arith.constant 0 : i32
      %dma_wait3A_294 = tpu.memref_slice %arg12[%dma_wait3A_292, %dma_wait3A_293] : memref<400x128xf32, #tpu.memory_space<hbm>> -> memref<400x128xf32, #tpu.memory_space<hbm>>
      tpu.wait_dma2 semaphore(%run_scoped3A : memref<!tpu.dma_semaphore, #tpu.memory_space<semaphore_mem>>) src(%dma_wait3A_294 : memref<400x128xf32, #tpu.memory_space<hbm>>) dst(%dma_wait3A_291 : memref<400x128xf32, #tpu.memory_space<vmem_shared>>)
      tpu.yield
    }) : () -> ()
    %mul3A_3 = arith.constant 400 : i32
    %mul3A_4 = arith.muli %arg1, %mul3A_3 : i32
    "tpu.region"() ({
      %run_scoped3A = tpu.sem_alloc : memref<!tpu.dma_semaphore, #tpu.memory_space<semaphore_mem>>
      %dma_start3A = arith.constant 0 : i32
      %dma_start3A_287 = tpu.memref_slice %arg24[%mul3A_4, %dma_start3A] : memref<6408x128xf32, #tpu.memory_space<vmem_shared>> -> memref<400x128xf32, #tpu.memory_space<vmem_shared>>
      %dma_start3A_288 = arith.constant 0 : i32
      %dma_start3A_289 = arith.constant 0 : i32
      %dma_start3A_290 = tpu.memref_slice %arg12[%dma_start3A_288, %dma_start3A_289] : memref<400x128xf32, #tpu.memory_space<hbm>> -> memref<400x128xf32, #tpu.memory_space<hbm>>
      tpu.enqueue_dma source(%dma_start3A_290 : memref<400x128xf32, #tpu.memory_space<hbm>>) target(%dma_start3A_287 : memref<400x128xf32, #tpu.memory_space<vmem_shared>>) target_semaphore(%run_scoped3A : memref<!tpu.dma_semaphore, #tpu.memory_space<semaphore_mem>>)
      %dma_wait3A = arith.constant 0 : i32
      %dma_wait3A_291 = tpu.memref_slice %arg24[%mul3A_4, %dma_wait3A] : memref<6408x128xf32, #tpu.memory_space<vmem_shared>> -> memref<400x128xf32, #tpu.memory_space<vmem_shared>>
      %dma_wait3A_292 = arith.constant 0 : i32
      %dma_wait3A_293 = arith.constant 0 : i32
      %dma_wait3A_294 = tpu.memref_slice %arg12[%dma_wait3A_292, %dma_wait3A_293] : memref<400x128xf32, #tpu.memory_space<hbm>> -> memref<400x128xf32, #tpu.memory_space<hbm>>
      tpu.wait_dma2 semaphore(%run_scoped3A : memref<!tpu.dma_semaphore, #tpu.memory_space<semaphore_mem>>) src(%dma_wait3A_294 : memref<400x128xf32, #tpu.memory_space<hbm>>) dst(%dma_wait3A_291 : memref<400x128xf32, #tpu.memory_space<vmem_shared>>)
      tpu.yield
    }) : () -> ()
    %barrier3A = arith.constant 0 : index
    tpu.barrier barrier_id(%barrier3A)
    %scan3A = arith.constant 0 : i32
    %scan3A_5 = arith.constant 0 : i32
    %scan3A_6 = arith.constant 125 : i32
    %scan3A_7 = arith.addi %scan3A_5, %scan3A_6 : i32
    %scan3A_8 = arith.constant 1 : i32
    scf.for %scan3A_287 = %scan3A_5 to %scan3A_7 step %scan3A_8  : i32 {
      %mul3A_288 = arith.constant 10000 : i32
      %mul3A_289 = arith.muli %add3A, %mul3A_288 : i32
      %mul3A_290 = arith.constant 80 : i32
      %mul3A_291 = arith.muli %scan3A_287, %mul3A_290 : i32
      %add3A_292 = arith.addi %mul3A_289, %mul3A_291 : i32
      "tpu.region"() ({
        %run_scoped3A = tpu.sem_alloc : memref<!tpu.dma_semaphore, #tpu.memory_space<semaphore_mem>>
        %dma_start3A_299 = tpu.memref_slice %arg3[%add3A_292] : memref<320000xi32, #tpu.memory_space<hbm>> -> memref<80xi32, #tpu.memory_space<hbm>>
        %dma_start3A_300 = tpu.memref_slice %arg3[%add3A_292] : memref<320000xi32, #tpu.memory_space<hbm>> -> memref<80xi32, #tpu.memory_space<hbm>>
        tpu.enqueue_dma source(%dma_start3A_300 : memref<80xi32, #tpu.memory_space<hbm>>) target(%arg19 : memref<80xi32, #tpu.memory_space<vmem>>) target_semaphore(%run_scoped3A : memref<!tpu.dma_semaphore, #tpu.memory_space<semaphore_mem>>)
        %dma_wait3A_301 = tpu.memref_slice %arg3[%add3A_292] : memref<320000xi32, #tpu.memory_space<hbm>> -> memref<80xi32, #tpu.memory_space<hbm>>
        %dma_wait3A_302 = tpu.memref_slice %arg3[%add3A_292] : memref<320000xi32, #tpu.memory_space<hbm>> -> memref<80xi32, #tpu.memory_space<hbm>>
        tpu.wait_dma2 semaphore(%run_scoped3A : memref<!tpu.dma_semaphore, #tpu.memory_space<semaphore_mem>>) src(%dma_wait3A_302 : memref<80xi32, #tpu.memory_space<hbm>>) dst(%arg19 : memref<80xi32, #tpu.memory_space<vmem>>)
        tpu.yield
      }) : () -> ()
      %add3A_293 = arith.constant 0 : i32
      %add3A_294 = arith.addi %add3A_293, %add3A_292 : i32
      "tpu.region"() ({
        %run_scoped3A = tpu.sem_alloc : memref<!tpu.dma_semaphore, #tpu.memory_space<semaphore_mem>>
        %dma_start3A_299 = tpu.memref_slice %arg8[%add3A_294] : memref<2560000xi32, #tpu.memory_space<hbm>> -> memref<80xi32, #tpu.memory_space<hbm>>
        %dma_start3A_300 = tpu.memref_slice %arg8[%add3A_294] : memref<2560000xi32, #tpu.memory_space<hbm>> -> memref<80xi32, #tpu.memory_space<hbm>>
        tpu.enqueue_dma source(%dma_start3A_300 : memref<80xi32, #tpu.memory_space<hbm>>) target(%arg20 : memref<80xi32, #tpu.memory_space<vmem>>) target_semaphore(%run_scoped3A : memref<!tpu.dma_semaphore, #tpu.memory_space<semaphore_mem>>)
        %dma_wait3A_301 = tpu.memref_slice %arg8[%add3A_294] : memref<2560000xi32, #tpu.memory_space<hbm>> -> memref<80xi32, #tpu.memory_space<hbm>>
        %dma_wait3A_302 = tpu.memref_slice %arg8[%add3A_294] : memref<2560000xi32, #tpu.memory_space<hbm>> -> memref<80xi32, #tpu.memory_space<hbm>>
        tpu.wait_dma2 semaphore(%run_scoped3A : memref<!tpu.dma_semaphore, #tpu.memory_space<semaphore_mem>>) src(%dma_wait3A_302 : memref<80xi32, #tpu.memory_space<hbm>>) dst(%arg20 : memref<80xi32, #tpu.memory_space<vmem>>)
        tpu.yield
      }) : () -> ()
      %dma_start3A = arith.constant 0 : i32
      %dma_start3A_295 = arith.constant 0 : i32
      %dma_start3A_296 = tpu.memref_slice %arg2[%dma_start3A, %dma_start3A_295] : memref<10000x128xf32, #tpu.memory_space<hbm>> -> memref<10000x128xf32, #tpu.memory_space<hbm>>
      tpu.enqueue_indirect_dma source(%dma_start3A_296 : memref<10000x128xf32, #tpu.memory_space<hbm>>) target(%arg21 : memref<80x128xf32, #tpu.memory_space<vmem>>) offsets(%arg19 : memref<80xi32, #tpu.memory_space<vmem>>) semaphore(%arg25 : memref<!tpu.dma_semaphore, #tpu.memory_space<semaphore_mem>>)
      %dma_wait3A = arith.constant 0 : i32
      %dma_wait3A_297 = arith.constant 0 : i32
      %dma_wait3A_298 = tpu.memref_slice %arg2[%dma_wait3A, %dma_wait3A_297] : memref<10000x128xf32, #tpu.memory_space<hbm>> -> memref<10000x128xf32, #tpu.memory_space<hbm>>
      tpu.wait_indirect_dma semaphore(%arg25 : memref<!tpu.dma_semaphore, #tpu.memory_space<semaphore_mem>>) src(%dma_wait3A_298 : memref<10000x128xf32, #tpu.memory_space<hbm>>) dst(%arg21 : memref<80x128xf32, #tpu.memory_space<vmem>>)
      "tpu.region"() ({
        %run_scoped3A = tpu.sem_alloc : memref<!tpu.dma_semaphore, #tpu.memory_space<semaphore_mem>>
        %dma_start3A_299 = arith.constant 0 : i32
        %dma_start3A_300 = arith.constant 0 : i32
        %dma_start3A_301 = tpu.memref_slice %arg23[%dma_start3A_299, %dma_start3A_300] : memref<6408x128xf32, #tpu.memory_space<vmem_shared>> -> memref<6408x128xf32, #tpu.memory_space<vmem_shared>>
        tpu.enqueue_indirect_dma source(%arg21 : memref<80x128xf32, #tpu.memory_space<vmem>>) target(%dma_start3A_301 : memref<6408x128xf32, #tpu.memory_space<vmem_shared>>) offsets(%arg20 : memref<80xi32, #tpu.memory_space<vmem>>) semaphore(%run_scoped3A : memref<!tpu.dma_semaphore, #tpu.memory_space<semaphore_mem>>) {add = true}
        %dma_wait3A_302 = arith.constant 0 : i32
        %dma_wait3A_303 = arith.constant 0 : i32
        %dma_wait3A_304 = tpu.memref_slice %arg23[%dma_wait3A_302, %dma_wait3A_303] : memref<6408x128xf32, #tpu.memory_space<vmem_shared>> -> memref<6408x128xf32, #tpu.memory_space<vmem_shared>>
        tpu.wait_indirect_dma semaphore(%run_scoped3A : memref<!tpu.dma_semaphore, #tpu.memory_space<semaphore_mem>>) src(%arg21 : memref<80x128xf32, #tpu.memory_space<vmem>>) dst(%dma_wait3A_304 : memref<6408x128xf32, #tpu.memory_space<vmem_shared>>)
        tpu.yield
      }) : () -> ()
      "tpu.region"() ({
        %run_scoped3A = tpu.sem_alloc : memref<!tpu.dma_semaphore, #tpu.memory_space<semaphore_mem>>
        %dma_start3A_299 = arith.constant 0 : i32
        %dma_start3A_300 = arith.constant 0 : i32
        %dma_start3A_301 = tpu.memref_slice %arg24[%dma_start3A_299, %dma_start3A_300] : memref<6408x128xf32, #tpu.memory_space<vmem_shared>> -> memref<6408x128xf32, #tpu.memory_space<vmem_shared>>
        tpu.enqueue_indirect_dma source(%arg22 : memref<80x128xf32, #tpu.memory_space<vmem>>) target(%dma_start3A_301 : memref<6408x128xf32, #tpu.memory_space<vmem_shared>>) offsets(%arg20 : memref<80xi32, #tpu.memory_space<vmem>>) semaphore(%run_scoped3A : memref<!tpu.dma_semaphore, #tpu.memory_space<semaphore_mem>>) {add = true}
        %dma_wait3A_302 = arith.constant 0 : i32
        %dma_wait3A_303 = arith.constant 0 : i32
        %dma_wait3A_304 = tpu.memref_slice %arg24[%dma_wait3A_302, %dma_wait3A_303] : memref<6408x128xf32, #tpu.memory_space<vmem_shared>> -> memref<6408x128xf32, #tpu.memory_space<vmem_shared>>
        tpu.wait_indirect_dma semaphore(%run_scoped3A : memref<!tpu.dma_semaphore, #tpu.memory_space<semaphore_mem>>) src(%arg22 : memref<80x128xf32, #tpu.memory_space<vmem>>) dst(%dma_wait3A_304 : memref<6408x128xf32, #tpu.memory_space<vmem_shared>>)
        tpu.yield
      }) : () -> ()
    }
    %scan3A_9 = arith.constant 125 : i32
    %barrier3A_10 = arith.constant 0 : index
    tpu.barrier barrier_id(%barrier3A_10)
    %mul3A_11 = arith.constant 51200 : i32
    %mul3A_12 = arith.muli %arg0, %mul3A_11 : i32
    %add3A_13 = arith.constant 0 : i32
    %add3A_14 = arith.addi %mul3A_12, %add3A_13 : i32
    %mul3A_15 = arith.constant 400 : i32
    %mul3A_16 = arith.muli %arg1, %mul3A_15 : i32
    %add3A_17 = arith.addi %add3A_14, %mul3A_16 : i32
    %mul3A_18 = arith.constant 400 : i32
    %mul3A_19 = arith.muli %arg1, %mul3A_18 : i32
    "tpu.region"() ({
      %run_scoped3A = tpu.sem_alloc : memref<!tpu.dma_semaphore, #tpu.memory_space<semaphore_mem>>
      %dma_start3A = arith.constant 0 : i32
      %dma_start3A_287 = tpu.memref_slice %arg13[%add3A_17, %dma_start3A] : memref<102400x128xf32, #tpu.memory_space<hbm>> -> memref<400x128xf32, #tpu.memory_space<hbm>>
      %dma_start3A_288 = arith.constant 0 : i32
      %dma_start3A_289 = tpu.memref_slice %arg23[%mul3A_19, %dma_start3A_288] : memref<6408x128xf32, #tpu.memory_space<vmem_shared>> -> memref<400x128xf32, #tpu.memory_space<vmem_shared>>
      tpu.enqueue_dma source(%dma_start3A_289 : memref<400x128xf32, #tpu.memory_space<vmem_shared>>) target(%dma_start3A_287 : memref<400x128xf32, #tpu.memory_space<hbm>>) target_semaphore(%run_scoped3A : memref<!tpu.dma_semaphore, #tpu.memory_space<semaphore_mem>>)
      %dma_wait3A = arith.constant 0 : i32
      %dma_wait3A_290 = tpu.memref_slice %arg13[%add3A_17, %dma_wait3A] : memref<102400x128xf32, #tpu.memory_space<hbm>> -> memref<400x128xf32, #tpu.memory_space<hbm>>
      %dma_wait3A_291 = arith.constant 0 : i32
      %dma_wait3A_292 = tpu.memref_slice %arg23[%mul3A_19, %dma_wait3A_291] : memref<6408x128xf32, #tpu.memory_space<vmem_shared>> -> memref<400x128xf32, #tpu.memory_space<vmem_shared>>
      tpu.wait_dma2 semaphore(%run_scoped3A : memref<!tpu.dma_semaphore, #tpu.memory_space<semaphore_mem>>) src(%dma_wait3A_292 : memref<400x128xf32, #tpu.memory_space<vmem_shared>>) dst(%dma_wait3A_290 : memref<400x128xf32, #tpu.memory_space<hbm>>)
      tpu.yield
    }) : () -> ()
    %mul3A_20 = arith.constant 400 : i32
    %mul3A_21 = arith.muli %arg1, %mul3A_20 : i32
    "tpu.region"() ({
      %run_scoped3A = tpu.sem_alloc : memref<!tpu.dma_semaphore, #tpu.memory_space<semaphore_mem>>
      %dma_start3A = arith.constant 0 : i32
      %dma_start3A_287 = tpu.memref_slice %arg14[%add3A_17, %dma_start3A] : memref<102400x128xf32, #tpu.memory_space<hbm>> -> memref<400x128xf32, #tpu.memory_space<hbm>>
      %dma_start3A_288 = arith.constant 0 : i32
      %dma_start3A_289 = tpu.memref_slice %arg24[%mul3A_21, %dma_start3A_288] : memref<6408x128xf32, #tpu.memory_space<vmem_shared>> -> memref<400x128xf32, #tpu.memory_space<vmem_shared>>
      tpu.enqueue_dma source(%dma_start3A_289 : memref<400x128xf32, #tpu.memory_space<vmem_shared>>) target(%dma_start3A_287 : memref<400x128xf32, #tpu.memory_space<hbm>>) target_semaphore(%run_scoped3A : memref<!tpu.dma_semaphore, #tpu.memory_space<semaphore_mem>>)
      %dma_wait3A = arith.constant 0 : i32
      %dma_wait3A_290 = tpu.memref_slice %arg14[%add3A_17, %dma_wait3A] : memref<102400x128xf32, #tpu.memory_space<hbm>> -> memref<400x128xf32, #tpu.memory_space<hbm>>
      %dma_wait3A_291 = arith.constant 0 : i32
      %dma_wait3A_292 = tpu.memref_slice %arg24[%mul3A_21, %dma_wait3A_291] : memref<6408x128xf32, #tpu.memory_space<vmem_shared>> -> memref<400x128xf32, #tpu.memory_space<vmem_shared>>
      tpu.wait_dma2 semaphore(%run_scoped3A : memref<!tpu.dma_semaphore, #tpu.memory_space<semaphore_mem>>) src(%dma_wait3A_292 : memref<400x128xf32, #tpu.memory_space<vmem_shared>>) dst(%dma_wait3A_290 : memref<400x128xf32, #tpu.memory_space<hbm>>)
      tpu.yield
    }) : () -> ()
    %barrier3A_22 = arith.constant 0 : index
    tpu.barrier barrier_id(%barrier3A_22)
    %mul3A_23 = arith.constant 400 : i32
    %mul3A_24 = arith.muli %arg1, %mul3A_23 : i32
    "tpu.region"() ({
      %run_scoped3A = tpu.sem_alloc : memref<!tpu.dma_semaphore, #tpu.memory_space<semaphore_mem>>
      %dma_start3A = arith.constant 0 : i32
      %dma_start3A_287 = tpu.memref_slice %arg23[%mul3A_24, %dma_start3A] : memref<6408x128xf32, #tpu.memory_space<vmem_shared>> -> memref<400x128xf32, #tpu.memory_space<vmem_shared>>
      %dma_start3A_288 = arith.constant 0 : i32
      %dma_start3A_289 = arith.constant 0 : i32
      %dma_start3A_290 = tpu.memref_slice %arg12[%dma_start3A_288, %dma_start3A_289] : memref<400x128xf32, #tpu.memory_space<hbm>> -> memref<400x128xf32, #tpu.memory_space<hbm>>
      tpu.enqueue_dma source(%dma_start3A_290 : memref<400x128xf32, #tpu.memory_space<hbm>>) target(%dma_start3A_287 : memref<400x128xf32, #tpu.memory_space<vmem_shared>>) target_semaphore(%run_scoped3A : memref<!tpu.dma_semaphore, #tpu.memory_space<semaphore_mem>>)
      %dma_wait3A = arith.constant 0 : i32
      %dma_wait3A_291 = tpu.memref_slice %arg23[%mul3A_24, %dma_wait3A] : memref<6408x128xf32, #tpu.memory_space<vmem_shared>> -> memref<400x128xf32, #tpu.memory_space<vmem_shared>>
      %dma_wait3A_292 = arith.constant 0 : i32
      %dma_wait3A_293 = arith.constant 0 : i32
      %dma_wait3A_294 = tpu.memref_slice %arg12[%dma_wait3A_292, %dma_wait3A_293] : memref<400x128xf32, #tpu.memory_space<hbm>> -> memref<400x128xf32, #tpu.memory_space<hbm>>
      tpu.wait_dma2 semaphore(%run_scoped3A : memref<!tpu.dma_semaphore, #tpu.memory_space<semaphore_mem>>) src(%dma_wait3A_294 : memref<400x128xf32, #tpu.memory_space<hbm>>) dst(%dma_wait3A_291 : memref<400x128xf32, #tpu.memory_space<vmem_shared>>)
      tpu.yield
    }) : () -> ()
    %mul3A_25 = arith.constant 400 : i32
    %mul3A_26 = arith.muli %arg1, %mul3A_25 : i32
    "tpu.region"() ({
      %run_scoped3A = tpu.sem_alloc : memref<!tpu.dma_semaphore, #tpu.memory_space<semaphore_mem>>
      %dma_start3A = arith.constant 0 : i32
      %dma_start3A_287 = tpu.memref_slice %arg24[%mul3A_26, %dma_start3A] : memref<6408x128xf32, #tpu.memory_space<vmem_shared>> -> memref<400x128xf32, #tpu.memory_space<vmem_shared>>
      %dma_start3A_288 = arith.constant 0 : i32
      %dma_start3A_289 = arith.constant 0 : i32
      %dma_start3A_290 = tpu.memref_slice %arg12[%dma_start3A_288, %dma_start3A_289] : memref<400x128xf32, #tpu.memory_space<hbm>> -> memref<400x128xf32, #tpu.memory_space<hbm>>
      tpu.enqueue_dma source(%dma_start3A_290 : memref<400x128xf32, #tpu.memory_space<hbm>>) target(%dma_start3A_287 : memref<400x128xf32, #tpu.memory_space<vmem_shared>>) target_semaphore(%run_scoped3A : memref<!tpu.dma_semaphore, #tpu.memory_space<semaphore_mem>>)
      %dma_wait3A = arith.constant 0 : i32
      %dma_wait3A_291 = tpu.memref_slice %arg24[%mul3A_26, %dma_wait3A] : memref<6408x128xf32, #tpu.memory_space<vmem_shared>> -> memref<400x128xf32, #tpu.memory_space<vmem_shared>>
      %dma_wait3A_292 = arith.constant 0 : i32
      %dma_wait3A_293 = arith.constant 0 : i32
      %dma_wait3A_294 = tpu.memref_slice %arg12[%dma_wait3A_292, %dma_wait3A_293] : memref<400x128xf32, #tpu.memory_space<hbm>> -> memref<400x128xf32, #tpu.memory_space<hbm>>
      tpu.wait_dma2 semaphore(%run_scoped3A : memref<!tpu.dma_semaphore, #tpu.memory_space<semaphore_mem>>) src(%dma_wait3A_294 : memref<400x128xf32, #tpu.memory_space<hbm>>) dst(%dma_wait3A_291 : memref<400x128xf32, #tpu.memory_space<vmem_shared>>)
      tpu.yield
    }) : () -> ()
    %barrier3A_27 = arith.constant 0 : index
    tpu.barrier barrier_id(%barrier3A_27)
    %scan3A_28 = arith.constant 0 : i32
    %scan3A_29 = arith.constant 0 : i32
    %scan3A_30 = arith.constant 125 : i32
    %scan3A_31 = arith.addi %scan3A_29, %scan3A_30 : i32
    %scan3A_32 = arith.constant 1 : i32
    scf.for %scan3A_287 = %scan3A_29 to %scan3A_31 step %scan3A_32  : i32 {
      %mul3A_288 = arith.constant 10000 : i32
      %mul3A_289 = arith.muli %add3A, %mul3A_288 : i32
      %mul3A_290 = arith.constant 80 : i32
      %mul3A_291 = arith.muli %scan3A_287, %mul3A_290 : i32
      %add3A_292 = arith.addi %mul3A_289, %mul3A_291 : i32
      "tpu.region"() ({
        %run_scoped3A = tpu.sem_alloc : memref<!tpu.dma_semaphore, #tpu.memory_space<semaphore_mem>>
        %dma_start3A_299 = tpu.memref_slice %arg3[%add3A_292] : memref<320000xi32, #tpu.memory_space<hbm>> -> memref<80xi32, #tpu.memory_space<hbm>>
        %dma_start3A_300 = tpu.memref_slice %arg3[%add3A_292] : memref<320000xi32, #tpu.memory_space<hbm>> -> memref<80xi32, #tpu.memory_space<hbm>>
        tpu.enqueue_dma source(%dma_start3A_300 : memref<80xi32, #tpu.memory_space<hbm>>) target(%arg19 : memref<80xi32, #tpu.memory_space<vmem>>) target_semaphore(%run_scoped3A : memref<!tpu.dma_semaphore, #tpu.memory_space<semaphore_mem>>)
        %dma_wait3A_301 = tpu.memref_slice %arg3[%add3A_292] : memref<320000xi32, #tpu.memory_space<hbm>> -> memref<80xi32, #tpu.memory_space<hbm>>
        %dma_wait3A_302 = tpu.memref_slice %arg3[%add3A_292] : memref<320000xi32, #tpu.memory_space<hbm>> -> memref<80xi32, #tpu.memory_space<hbm>>
        tpu.wait_dma2 semaphore(%run_scoped3A : memref<!tpu.dma_semaphore, #tpu.memory_space<semaphore_mem>>) src(%dma_wait3A_302 : memref<80xi32, #tpu.memory_space<hbm>>) dst(%arg19 : memref<80xi32, #tpu.memory_space<vmem>>)
        tpu.yield
      }) : () -> ()
      %add3A_293 = arith.constant 320000 : i32
      %add3A_294 = arith.addi %add3A_293, %add3A_292 : i32
      "tpu.region"() ({
        %run_scoped3A = tpu.sem_alloc : memref<!tpu.dma_semaphore, #tpu.memory_space<semaphore_mem>>
        %dma_start3A_299 = tpu.memref_slice %arg8[%add3A_294] : memref<2560000xi32, #tpu.memory_space<hbm>> -> memref<80xi32, #tpu.memory_space<hbm>>
        %dma_start3A_300 = tpu.memref_slice %arg8[%add3A_294] : memref<2560000xi32, #tpu.memory_space<hbm>> -> memref<80xi32, #tpu.memory_space<hbm>>
        tpu.enqueue_dma source(%dma_start3A_300 : memref<80xi32, #tpu.memory_space<hbm>>) target(%arg20 : memref<80xi32, #tpu.memory_space<vmem>>) target_semaphore(%run_scoped3A : memref<!tpu.dma_semaphore, #tpu.memory_space<semaphore_mem>>)
        %dma_wait3A_301 = tpu.memref_slice %arg8[%add3A_294] : memref<2560000xi32, #tpu.memory_space<hbm>> -> memref<80xi32, #tpu.memory_space<hbm>>
        %dma_wait3A_302 = tpu.memref_slice %arg8[%add3A_294] : memref<2560000xi32, #tpu.memory_space<hbm>> -> memref<80xi32, #tpu.memory_space<hbm>>
        tpu.wait_dma2 semaphore(%run_scoped3A : memref<!tpu.dma_semaphore, #tpu.memory_space<semaphore_mem>>) src(%dma_wait3A_302 : memref<80xi32, #tpu.memory_space<hbm>>) dst(%arg20 : memref<80xi32, #tpu.memory_space<vmem>>)
        tpu.yield
      }) : () -> ()
      %dma_start3A = arith.constant 0 : i32
      %dma_start3A_295 = arith.constant 0 : i32
      %dma_start3A_296 = tpu.memref_slice %arg2[%dma_start3A, %dma_start3A_295] : memref<10000x128xf32, #tpu.memory_space<hbm>> -> memref<10000x128xf32, #tpu.memory_space<hbm>>
      tpu.enqueue_indirect_dma source(%dma_start3A_296 : memref<10000x128xf32, #tpu.memory_space<hbm>>) target(%arg21 : memref<80x128xf32, #tpu.memory_space<vmem>>) offsets(%arg19 : memref<80xi32, #tpu.memory_space<vmem>>) semaphore(%arg25 : memref<!tpu.dma_semaphore, #tpu.memory_space<semaphore_mem>>)
      %dma_wait3A = arith.constant 0 : i32
      %dma_wait3A_297 = arith.constant 0 : i32
      %dma_wait3A_298 = tpu.memref_slice %arg2[%dma_wait3A, %dma_wait3A_297] : memref<10000x128xf32, #tpu.memory_space<hbm>> -> memref<10000x128xf32, #tpu.memory_space<hbm>>
      tpu.wait_indirect_dma semaphore(%arg25 : memref<!tpu.dma_semaphore, #tpu.memory_space<semaphore_mem>>) src(%dma_wait3A_298 : memref<10000x128xf32, #tpu.memory_space<hbm>>) dst(%arg21 : memref<80x128xf32, #tpu.memory_space<vmem>>)
      "tpu.region"() ({
        %run_scoped3A = tpu.sem_alloc : memref<!tpu.dma_semaphore, #tpu.memory_space<semaphore_mem>>
        %dma_start3A_299 = arith.constant 0 : i32
        %dma_start3A_300 = arith.constant 0 : i32
        %dma_start3A_301 = tpu.memref_slice %arg23[%dma_start3A_299, %dma_start3A_300] : memref<6408x128xf32, #tpu.memory_space<vmem_shared>> -> memref<6408x128xf32, #tpu.memory_space<vmem_shared>>
        tpu.enqueue_indirect_dma source(%arg21 : memref<80x128xf32, #tpu.memory_space<vmem>>) target(%dma_start3A_301 : memref<6408x128xf32, #tpu.memory_space<vmem_shared>>) offsets(%arg20 : memref<80xi32, #tpu.memory_space<vmem>>) semaphore(%run_scoped3A : memref<!tpu.dma_semaphore, #tpu.memory_space<semaphore_mem>>) {add = true}
        %dma_wait3A_302 = arith.constant 0 : i32
        %dma_wait3A_303 = arith.constant 0 : i32
        %dma_wait3A_304 = tpu.memref_slice %arg23[%dma_wait3A_302, %dma_wait3A_303] : memref<6408x128xf32, #tpu.memory_space<vmem_shared>> -> memref<6408x128xf32, #tpu.memory_space<vmem_shared>>
        tpu.wait_indirect_dma semaphore(%run_scoped3A : memref<!tpu.dma_semaphore, #tpu.memory_space<semaphore_mem>>) src(%arg21 : memref<80x128xf32, #tpu.memory_space<vmem>>) dst(%dma_wait3A_304 : memref<6408x128xf32, #tpu.memory_space<vmem_shared>>)
        tpu.yield
      }) : () -> ()
      "tpu.region"() ({
        %run_scoped3A = tpu.sem_alloc : memref<!tpu.dma_semaphore, #tpu.memory_space<semaphore_mem>>
        %dma_start3A_299 = arith.constant 0 : i32
        %dma_start3A_300 = arith.constant 0 : i32
        %dma_start3A_301 = tpu.memref_slice %arg24[%dma_start3A_299, %dma_start3A_300] : memref<6408x128xf32, #tpu.memory_space<vmem_shared>> -> memref<6408x128xf32, #tpu.memory_space<vmem_shared>>
        tpu.enqueue_indirect_dma source(%arg22 : memref<80x128xf32, #tpu.memory_space<vmem>>) target(%dma_start3A_301 : memref<6408x128xf32, #tpu.memory_space<vmem_shared>>) offsets(%arg20 : memref<80xi32, #tpu.memory_space<vmem>>) semaphore(%run_scoped3A : memref<!tpu.dma_semaphore, #tpu.memory_space<semaphore_mem>>) {add = true}
        %dma_wait3A_302 = arith.constant 0 : i32
        %dma_wait3A_303 = arith.constant 0 : i32
        %dma_wait3A_304 = tpu.memref_slice %arg24[%dma_wait3A_302, %dma_wait3A_303] : memref<6408x128xf32, #tpu.memory_space<vmem_shared>> -> memref<6408x128xf32, #tpu.memory_space<vmem_shared>>
        tpu.wait_indirect_dma semaphore(%run_scoped3A : memref<!tpu.dma_semaphore, #tpu.memory_space<semaphore_mem>>) src(%arg22 : memref<80x128xf32, #tpu.memory_space<vmem>>) dst(%dma_wait3A_304 : memref<6408x128xf32, #tpu.memory_space<vmem_shared>>)
        tpu.yield
      }) : () -> ()
    }
    %scan3A_33 = arith.constant 125 : i32
    %barrier3A_34 = arith.constant 0 : index
    tpu.barrier barrier_id(%barrier3A_34)
    %mul3A_35 = arith.constant 51200 : i32
    %mul3A_36 = arith.muli %arg0, %mul3A_35 : i32
    %add3A_37 = arith.constant 6400 : i32
    %add3A_38 = arith.addi %mul3A_36, %add3A_37 : i32
    %mul3A_39 = arith.constant 400 : i32
    %mul3A_40 = arith.muli %arg1, %mul3A_39 : i32
    %add3A_41 = arith.addi %add3A_38, %mul3A_40 : i32
    %mul3A_42 = arith.constant 400 : i32
    %mul3A_43 = arith.muli %arg1, %mul3A_42 : i32
    "tpu.region"() ({
      %run_scoped3A = tpu.sem_alloc : memref<!tpu.dma_semaphore, #tpu.memory_space<semaphore_mem>>
      %dma_start3A = arith.constant 0 : i32
      %dma_start3A_287 = tpu.memref_slice %arg13[%add3A_41, %dma_start3A] : memref<102400x128xf32, #tpu.memory_space<hbm>> -> memref<400x128xf32, #tpu.memory_space<hbm>>
      %dma_start3A_288 = arith.constant 0 : i32
      %dma_start3A_289 = tpu.memref_slice %arg23[%mul3A_43, %dma_start3A_288] : memref<6408x128xf32, #tpu.memory_space<vmem_shared>> -> memref<400x128xf32, #tpu.memory_space<vmem_shared>>
      tpu.enqueue_dma source(%dma_start3A_289 : memref<400x128xf32, #tpu.memory_space<vmem_shared>>) target(%dma_start3A_287 : memref<400x128xf32, #tpu.memory_space<hbm>>) target_semaphore(%run_scoped3A : memref<!tpu.dma_semaphore, #tpu.memory_space<semaphore_mem>>)
      %dma_wait3A = arith.constant 0 : i32
      %dma_wait3A_290 = tpu.memref_slice %arg13[%add3A_41, %dma_wait3A] : memref<102400x128xf32, #tpu.memory_space<hbm>> -> memref<400x128xf32, #tpu.memory_space<hbm>>
      %dma_wait3A_291 = arith.constant 0 : i32
      %dma_wait3A_292 = tpu.memref_slice %arg23[%mul3A_43, %dma_wait3A_291] : memref<6408x128xf32, #tpu.memory_space<vmem_shared>> -> memref<400x128xf32, #tpu.memory_space<vmem_shared>>
      tpu.wait_dma2 semaphore(%run_scoped3A : memref<!tpu.dma_semaphore, #tpu.memory_space<semaphore_mem>>) src(%dma_wait3A_292 : memref<400x128xf32, #tpu.memory_space<vmem_shared>>) dst(%dma_wait3A_290 : memref<400x128xf32, #tpu.memory_space<hbm>>)
      tpu.yield
    }) : () -> ()
    %mul3A_44 = arith.constant 400 : i32
    %mul3A_45 = arith.muli %arg1, %mul3A_44 : i32
    "tpu.region"() ({
      %run_scoped3A = tpu.sem_alloc : memref<!tpu.dma_semaphore, #tpu.memory_space<semaphore_mem>>
      %dma_start3A = arith.constant 0 : i32
      %dma_start3A_287 = tpu.memref_slice %arg14[%add3A_41, %dma_start3A] : memref<102400x128xf32, #tpu.memory_space<hbm>> -> memref<400x128xf32, #tpu.memory_space<hbm>>
      %dma_start3A_288 = arith.constant 0 : i32
      %dma_start3A_289 = tpu.memref_slice %arg24[%mul3A_45, %dma_start3A_288] : memref<6408x128xf32, #tpu.memory_space<vmem_shared>> -> memref<400x128xf32, #tpu.memory_space<vmem_shared>>
      tpu.enqueue_dma source(%dma_start3A_289 : memref<400x128xf32, #tpu.memory_space<vmem_shared>>) target(%dma_start3A_287 : memref<400x128xf32, #tpu.memory_space<hbm>>) target_semaphore(%run_scoped3A : memref<!tpu.dma_semaphore, #tpu.memory_space<semaphore_mem>>)
      %dma_wait3A = arith.constant 0 : i32
      %dma_wait3A_290 = tpu.memref_slice %arg14[%add3A_41, %dma_wait3A] : memref<102400x128xf32, #tpu.memory_space<hbm>> -> memref<400x128xf32, #tpu.memory_space<hbm>>
      %dma_wait3A_291 = arith.constant 0 : i32
      %dma_wait3A_292 = tpu.memref_slice %arg24[%mul3A_45, %dma_wait3A_291] : memref<6408x128xf32, #tpu.memory_space<vmem_shared>> -> memref<400x128xf32, #tpu.memory_space<vmem_shared>>
      tpu.wait_dma2 semaphore(%run_scoped3A : memref<!tpu.dma_semaphore, #tpu.memory_space<semaphore_mem>>) src(%dma_wait3A_292 : memref<400x128xf32, #tpu.memory_space<vmem_shared>>) dst(%dma_wait3A_290 : memref<400x128xf32, #tpu.memory_space<hbm>>)
      tpu.yield
    }) : () -> ()
    %barrier3A_46 = arith.constant 0 : index
    tpu.barrier barrier_id(%barrier3A_46)
    %mul3A_47 = arith.constant 400 : i32
    %mul3A_48 = arith.muli %arg1, %mul3A_47 : i32
    "tpu.region"() ({
      %run_scoped3A = tpu.sem_alloc : memref<!tpu.dma_semaphore, #tpu.memory_space<semaphore_mem>>
      %dma_start3A = arith.constant 0 : i32
      %dma_start3A_287 = tpu.memref_slice %arg23[%mul3A_48, %dma_start3A] : memref<6408x128xf32, #tpu.memory_space<vmem_shared>> -> memref<400x128xf32, #tpu.memory_space<vmem_shared>>
      %dma_start3A_288 = arith.constant 0 : i32
      %dma_start3A_289 = arith.constant 0 : i32
      %dma_start3A_290 = tpu.memref_slice %arg12[%dma_start3A_288, %dma_start3A_289] : memref<400x128xf32, #tpu.memory_space<hbm>> -> memref<400x128xf32, #tpu.memory_space<hbm>>
      tpu.enqueue_dma source(%dma_start3A_290 : memref<400x128xf32, #tpu.memory_space<hbm>>) target(%dma_start3A_287 : memref<400x128xf32, #tpu.memory_space<vmem_shared>>) target_semaphore(%run_scoped3A : memref<!tpu.dma_semaphore, #tpu.memory_space<semaphore_mem>>)
      %dma_wait3A = arith.constant 0 : i32
      %dma_wait3A_291 = tpu.memref_slice %arg23[%mul3A_48, %dma_wait3A] : memref<6408x128xf32, #tpu.memory_space<vmem_shared>> -> memref<400x128xf32, #tpu.memory_space<vmem_shared>>
      %dma_wait3A_292 = arith.constant 0 : i32
      %dma_wait3A_293 = arith.constant 0 : i32
      %dma_wait3A_294 = tpu.memref_slice %arg12[%dma_wait3A_292, %dma_wait3A_293] : memref<400x128xf32, #tpu.memory_space<hbm>> -> memref<400x128xf32, #tpu.memory_space<hbm>>
      tpu.wait_dma2 semaphore(%run_scoped3A : memref<!tpu.dma_semaphore, #tpu.memory_space<semaphore_mem>>) src(%dma_wait3A_294 : memref<400x128xf32, #tpu.memory_space<hbm>>) dst(%dma_wait3A_291 : memref<400x128xf32, #tpu.memory_space<vmem_shared>>)
      tpu.yield
    }) : () -> ()
    %mul3A_49 = arith.constant 400 : i32
    %mul3A_50 = arith.muli %arg1, %mul3A_49 : i32
    "tpu.region"() ({
      %run_scoped3A = tpu.sem_alloc : memref<!tpu.dma_semaphore, #tpu.memory_space<semaphore_mem>>
      %dma_start3A = arith.constant 0 : i32
      %dma_start3A_287 = tpu.memref_slice %arg24[%mul3A_50, %dma_start3A] : memref<6408x128xf32, #tpu.memory_space<vmem_shared>> -> memref<400x128xf32, #tpu.memory_space<vmem_shared>>
      %dma_start3A_288 = arith.constant 0 : i32
      %dma_start3A_289 = arith.constant 0 : i32
      %dma_start3A_290 = tpu.memref_slice %arg12[%dma_start3A_288, %dma_start3A_289] : memref<400x128xf32, #tpu.memory_space<hbm>> -> memref<400x128xf32, #tpu.memory_space<hbm>>
      tpu.enqueue_dma source(%dma_start3A_290 : memref<400x128xf32, #tpu.memory_space<hbm>>) target(%dma_start3A_287 : memref<400x128xf32, #tpu.memory_space<vmem_shared>>) target_semaphore(%run_scoped3A : memref<!tpu.dma_semaphore, #tpu.memory_space<semaphore_mem>>)
      %dma_wait3A = arith.constant 0 : i32
      %dma_wait3A_291 = tpu.memref_slice %arg24[%mul3A_50, %dma_wait3A] : memref<6408x128xf32, #tpu.memory_space<vmem_shared>> -> memref<400x128xf32, #tpu.memory_space<vmem_shared>>
      %dma_wait3A_292 = arith.constant 0 : i32
      %dma_wait3A_293 = arith.constant 0 : i32
      %dma_wait3A_294 = tpu.memref_slice %arg12[%dma_wait3A_292, %dma_wait3A_293] : memref<400x128xf32, #tpu.memory_space<hbm>> -> memref<400x128xf32, #tpu.memory_space<hbm>>
      tpu.wait_dma2 semaphore(%run_scoped3A : memref<!tpu.dma_semaphore, #tpu.memory_space<semaphore_mem>>) src(%dma_wait3A_294 : memref<400x128xf32, #tpu.memory_space<hbm>>) dst(%dma_wait3A_291 : memref<400x128xf32, #tpu.memory_space<vmem_shared>>)
      tpu.yield
    }) : () -> ()
    %barrier3A_51 = arith.constant 0 : index
    tpu.barrier barrier_id(%barrier3A_51)
    %scan3A_52 = arith.constant 0 : i32
    %scan3A_53 = arith.constant 0 : i32
    %scan3A_54 = arith.constant 125 : i32
    %scan3A_55 = arith.addi %scan3A_53, %scan3A_54 : i32
    %scan3A_56 = arith.constant 1 : i32
    scf.for %scan3A_287 = %scan3A_53 to %scan3A_55 step %scan3A_56  : i32 {
      %mul3A_288 = arith.constant 10000 : i32
      %mul3A_289 = arith.muli %add3A, %mul3A_288 : i32
      %mul3A_290 = arith.constant 80 : i32
      %mul3A_291 = arith.muli %scan3A_287, %mul3A_290 : i32
      %add3A_292 = arith.addi %mul3A_289, %mul3A_291 : i32
      "tpu.region"() ({
        %run_scoped3A = tpu.sem_alloc : memref<!tpu.dma_semaphore, #tpu.memory_space<semaphore_mem>>
        %dma_start3A_299 = tpu.memref_slice %arg3[%add3A_292] : memref<320000xi32, #tpu.memory_space<hbm>> -> memref<80xi32, #tpu.memory_space<hbm>>
        %dma_start3A_300 = tpu.memref_slice %arg3[%add3A_292] : memref<320000xi32, #tpu.memory_space<hbm>> -> memref<80xi32, #tpu.memory_space<hbm>>
        tpu.enqueue_dma source(%dma_start3A_300 : memref<80xi32, #tpu.memory_space<hbm>>) target(%arg19 : memref<80xi32, #tpu.memory_space<vmem>>) target_semaphore(%run_scoped3A : memref<!tpu.dma_semaphore, #tpu.memory_space<semaphore_mem>>)
        %dma_wait3A_301 = tpu.memref_slice %arg3[%add3A_292] : memref<320000xi32, #tpu.memory_space<hbm>> -> memref<80xi32, #tpu.memory_space<hbm>>
        %dma_wait3A_302 = tpu.memref_slice %arg3[%add3A_292] : memref<320000xi32, #tpu.memory_space<hbm>> -> memref<80xi32, #tpu.memory_space<hbm>>
        tpu.wait_dma2 semaphore(%run_scoped3A : memref<!tpu.dma_semaphore, #tpu.memory_space<semaphore_mem>>) src(%dma_wait3A_302 : memref<80xi32, #tpu.memory_space<hbm>>) dst(%arg19 : memref<80xi32, #tpu.memory_space<vmem>>)
        tpu.yield
      }) : () -> ()
      %add3A_293 = arith.constant 640000 : i32
      %add3A_294 = arith.addi %add3A_293, %add3A_292 : i32
      "tpu.region"() ({
        %run_scoped3A = tpu.sem_alloc : memref<!tpu.dma_semaphore, #tpu.memory_space<semaphore_mem>>
        %dma_start3A_299 = tpu.memref_slice %arg8[%add3A_294] : memref<2560000xi32, #tpu.memory_space<hbm>> -> memref<80xi32, #tpu.memory_space<hbm>>
        %dma_start3A_300 = tpu.memref_slice %arg8[%add3A_294] : memref<2560000xi32, #tpu.memory_space<hbm>> -> memref<80xi32, #tpu.memory_space<hbm>>
        tpu.enqueue_dma source(%dma_start3A_300 : memref<80xi32, #tpu.memory_space<hbm>>) target(%arg20 : memref<80xi32, #tpu.memory_space<vmem>>) target_semaphore(%run_scoped3A : memref<!tpu.dma_semaphore, #tpu.memory_space<semaphore_mem>>)
        %dma_wait3A_301 = tpu.memref_slice %arg8[%add3A_294] : memref<2560000xi32, #tpu.memory_space<hbm>> -> memref<80xi32, #tpu.memory_space<hbm>>
        %dma_wait3A_302 = tpu.memref_slice %arg8[%add3A_294] : memref<2560000xi32, #tpu.memory_space<hbm>> -> memref<80xi32, #tpu.memory_space<hbm>>
        tpu.wait_dma2 semaphore(%run_scoped3A : memref<!tpu.dma_semaphore, #tpu.memory_space<semaphore_mem>>) src(%dma_wait3A_302 : memref<80xi32, #tpu.memory_space<hbm>>) dst(%arg20 : memref<80xi32, #tpu.memory_space<vmem>>)
        tpu.yield
      }) : () -> ()
      %dma_start3A = arith.constant 0 : i32
      %dma_start3A_295 = arith.constant 0 : i32
      %dma_start3A_296 = tpu.memref_slice %arg2[%dma_start3A, %dma_start3A_295] : memref<10000x128xf32, #tpu.memory_space<hbm>> -> memref<10000x128xf32, #tpu.memory_space<hbm>>
      tpu.enqueue_indirect_dma source(%dma_start3A_296 : memref<10000x128xf32, #tpu.memory_space<hbm>>) target(%arg21 : memref<80x128xf32, #tpu.memory_space<vmem>>) offsets(%arg19 : memref<80xi32, #tpu.memory_space<vmem>>) semaphore(%arg25 : memref<!tpu.dma_semaphore, #tpu.memory_space<semaphore_mem>>)
      %dma_wait3A = arith.constant 0 : i32
      %dma_wait3A_297 = arith.constant 0 : i32
      %dma_wait3A_298 = tpu.memref_slice %arg2[%dma_wait3A, %dma_wait3A_297] : memref<10000x128xf32, #tpu.memory_space<hbm>> -> memref<10000x128xf32, #tpu.memory_space<hbm>>
      tpu.wait_indirect_dma semaphore(%arg25 : memref<!tpu.dma_semaphore, #tpu.memory_space<semaphore_mem>>) src(%dma_wait3A_298 : memref<10000x128xf32, #tpu.memory_space<hbm>>) dst(%arg21 : memref<80x128xf32, #tpu.memory_space<vmem>>)
      "tpu.region"() ({
        %run_scoped3A = tpu.sem_alloc : memref<!tpu.dma_semaphore, #tpu.memory_space<semaphore_mem>>
        %dma_start3A_299 = arith.constant 0 : i32
        %dma_start3A_300 = arith.constant 0 : i32
        %dma_start3A_301 = tpu.memref_slice %arg23[%dma_start3A_299, %dma_start3A_300] : memref<6408x128xf32, #tpu.memory_space<vmem_shared>> -> memref<6408x128xf32, #tpu.memory_space<vmem_shared>>
        tpu.enqueue_indirect_dma source(%arg21 : memref<80x128xf32, #tpu.memory_space<vmem>>) target(%dma_start3A_301 : memref<6408x128xf32, #tpu.memory_space<vmem_shared>>) offsets(%arg20 : memref<80xi32, #tpu.memory_space<vmem>>) semaphore(%run_scoped3A : memref<!tpu.dma_semaphore, #tpu.memory_space<semaphore_mem>>) {add = true}
        %dma_wait3A_302 = arith.constant 0 : i32
        %dma_wait3A_303 = arith.constant 0 : i32
        %dma_wait3A_304 = tpu.memref_slice %arg23[%dma_wait3A_302, %dma_wait3A_303] : memref<6408x128xf32, #tpu.memory_space<vmem_shared>> -> memref<6408x128xf32, #tpu.memory_space<vmem_shared>>
        tpu.wait_indirect_dma semaphore(%run_scoped3A : memref<!tpu.dma_semaphore, #tpu.memory_space<semaphore_mem>>) src(%arg21 : memref<80x128xf32, #tpu.memory_space<vmem>>) dst(%dma_wait3A_304 : memref<6408x128xf32, #tpu.memory_space<vmem_shared>>)
        tpu.yield
      }) : () -> ()
      "tpu.region"() ({
        %run_scoped3A = tpu.sem_alloc : memref<!tpu.dma_semaphore, #tpu.memory_space<semaphore_mem>>
        %dma_start3A_299 = arith.constant 0 : i32
        %dma_start3A_300 = arith.constant 0 : i32
        %dma_start3A_301 = tpu.memref_slice %arg24[%dma_start3A_299, %dma_start3A_300] : memref<6408x128xf32, #tpu.memory_space<vmem_shared>> -> memref<6408x128xf32, #tpu.memory_space<vmem_shared>>
        tpu.enqueue_indirect_dma source(%arg22 : memref<80x128xf32, #tpu.memory_space<vmem>>) target(%dma_start3A_301 : memref<6408x128xf32, #tpu.memory_space<vmem_shared>>) offsets(%arg20 : memref<80xi32, #tpu.memory_space<vmem>>) semaphore(%run_scoped3A : memref<!tpu.dma_semaphore, #tpu.memory_space<semaphore_mem>>) {add = true}
        %dma_wait3A_302 = arith.constant 0 : i32
        %dma_wait3A_303 = arith.constant 0 : i32
        %dma_wait3A_304 = tpu.memref_slice %arg24[%dma_wait3A_302, %dma_wait3A_303] : memref<6408x128xf32, #tpu.memory_space<vmem_shared>> -> memref<6408x128xf32, #tpu.memory_space<vmem_shared>>
        tpu.wait_indirect_dma semaphore(%run_scoped3A : memref<!tpu.dma_semaphore, #tpu.memory_space<semaphore_mem>>) src(%arg22 : memref<80x128xf32, #tpu.memory_space<vmem>>) dst(%dma_wait3A_304 : memref<6408x128xf32, #tpu.memory_space<vmem_shared>>)
        tpu.yield
      }) : () -> ()
    }
    %scan3A_57 = arith.constant 125 : i32
    %barrier3A_58 = arith.constant 0 : index
    tpu.barrier barrier_id(%barrier3A_58)
    %mul3A_59 = arith.constant 51200 : i32
    %mul3A_60 = arith.muli %arg0, %mul3A_59 : i32
    %add3A_61 = arith.constant 12800 : i32
    %add3A_62 = arith.addi %mul3A_60, %add3A_61 : i32
    %mul3A_63 = arith.constant 400 : i32
    %mul3A_64 = arith.muli %arg1, %mul3A_63 : i32
    %add3A_65 = arith.addi %add3A_62, %mul3A_64 : i32
    %mul3A_66 = arith.constant 400 : i32
    %mul3A_67 = arith.muli %arg1, %mul3A_66 : i32
    "tpu.region"() ({
      %run_scoped3A = tpu.sem_alloc : memref<!tpu.dma_semaphore, #tpu.memory_space<semaphore_mem>>
      %dma_start3A = arith.constant 0 : i32
      %dma_start3A_287 = tpu.memref_slice %arg13[%add3A_65, %dma_start3A] : memref<102400x128xf32, #tpu.memory_space<hbm>> -> memref<400x128xf32, #tpu.memory_space<hbm>>
      %dma_start3A_288 = arith.constant 0 : i32
      %dma_start3A_289 = tpu.memref_slice %arg23[%mul3A_67, %dma_start3A_288] : memref<6408x128xf32, #tpu.memory_space<vmem_shared>> -> memref<400x128xf32, #tpu.memory_space<vmem_shared>>
      tpu.enqueue_dma source(%dma_start3A_289 : memref<400x128xf32, #tpu.memory_space<vmem_shared>>) target(%dma_start3A_287 : memref<400x128xf32, #tpu.memory_space<hbm>>) target_semaphore(%run_scoped3A : memref<!tpu.dma_semaphore, #tpu.memory_space<semaphore_mem>>)
      %dma_wait3A = arith.constant 0 : i32
      %dma_wait3A_290 = tpu.memref_slice %arg13[%add3A_65, %dma_wait3A] : memref<102400x128xf32, #tpu.memory_space<hbm>> -> memref<400x128xf32, #tpu.memory_space<hbm>>
      %dma_wait3A_291 = arith.constant 0 : i32
      %dma_wait3A_292 = tpu.memref_slice %arg23[%mul3A_67, %dma_wait3A_291] : memref<6408x128xf32, #tpu.memory_space<vmem_shared>> -> memref<400x128xf32, #tpu.memory_space<vmem_shared>>
      tpu.wait_dma2 semaphore(%run_scoped3A : memref<!tpu.dma_semaphore, #tpu.memory_space<semaphore_mem>>) src(%dma_wait3A_292 : memref<400x128xf32, #tpu.memory_space<vmem_shared>>) dst(%dma_wait3A_290 : memref<400x128xf32, #tpu.memory_space<hbm>>)
      tpu.yield
    }) : () -> ()
    %mul3A_68 = arith.constant 400 : i32
    %mul3A_69 = arith.muli %arg1, %mul3A_68 : i32
    "tpu.region"() ({
      %run_scoped3A = tpu.sem_alloc : memref<!tpu.dma_semaphore, #tpu.memory_space<semaphore_mem>>
      %dma_start3A = arith.constant 0 : i32
      %dma_start3A_287 = tpu.memref_slice %arg14[%add3A_65, %dma_start3A] : memref<102400x128xf32, #tpu.memory_space<hbm>> -> memref<400x128xf32, #tpu.memory_space<hbm>>
      %dma_start3A_288 = arith.constant 0 : i32
      %dma_start3A_289 = tpu.memref_slice %arg24[%mul3A_69, %dma_start3A_288] : memref<6408x128xf32, #tpu.memory_space<vmem_shared>> -> memref<400x128xf32, #tpu.memory_space<vmem_shared>>
      tpu.enqueue_dma source(%dma_start3A_289 : memref<400x128xf32, #tpu.memory_space<vmem_shared>>) target(%dma_start3A_287 : memref<400x128xf32, #tpu.memory_space<hbm>>) target_semaphore(%run_scoped3A : memref<!tpu.dma_semaphore, #tpu.memory_space<semaphore_mem>>)
      %dma_wait3A = arith.constant 0 : i32
      %dma_wait3A_290 = tpu.memref_slice %arg14[%add3A_65, %dma_wait3A] : memref<102400x128xf32, #tpu.memory_space<hbm>> -> memref<400x128xf32, #tpu.memory_space<hbm>>
      %dma_wait3A_291 = arith.constant 0 : i32
      %dma_wait3A_292 = tpu.memref_slice %arg24[%mul3A_69, %dma_wait3A_291] : memref<6408x128xf32, #tpu.memory_space<vmem_shared>> -> memref<400x128xf32, #tpu.memory_space<vmem_shared>>
      tpu.wait_dma2 semaphore(%run_scoped3A : memref<!tpu.dma_semaphore, #tpu.memory_space<semaphore_mem>>) src(%dma_wait3A_292 : memref<400x128xf32, #tpu.memory_space<vmem_shared>>) dst(%dma_wait3A_290 : memref<400x128xf32, #tpu.memory_space<hbm>>)
      tpu.yield
    }) : () -> ()
    %barrier3A_70 = arith.constant 0 : index
    tpu.barrier barrier_id(%barrier3A_70)
    %mul3A_71 = arith.constant 400 : i32
    %mul3A_72 = arith.muli %arg1, %mul3A_71 : i32
    "tpu.region"() ({
      %run_scoped3A = tpu.sem_alloc : memref<!tpu.dma_semaphore, #tpu.memory_space<semaphore_mem>>
      %dma_start3A = arith.constant 0 : i32
      %dma_start3A_287 = tpu.memref_slice %arg23[%mul3A_72, %dma_start3A] : memref<6408x128xf32, #tpu.memory_space<vmem_shared>> -> memref<400x128xf32, #tpu.memory_space<vmem_shared>>
      %dma_start3A_288 = arith.constant 0 : i32
      %dma_start3A_289 = arith.constant 0 : i32
      %dma_start3A_290 = tpu.memref_slice %arg12[%dma_start3A_288, %dma_start3A_289] : memref<400x128xf32, #tpu.memory_space<hbm>> -> memref<400x128xf32, #tpu.memory_space<hbm>>
      tpu.enqueue_dma source(%dma_start3A_290 : memref<400x128xf32, #tpu.memory_space<hbm>>) target(%dma_start3A_287 : memref<400x128xf32, #tpu.memory_space<vmem_shared>>) target_semaphore(%run_scoped3A : memref<!tpu.dma_semaphore, #tpu.memory_space<semaphore_mem>>)
      %dma_wait3A = arith.constant 0 : i32
      %dma_wait3A_291 = tpu.memref_slice %arg23[%mul3A_72, %dma_wait3A] : memref<6408x128xf32, #tpu.memory_space<vmem_shared>> -> memref<400x128xf32, #tpu.memory_space<vmem_shared>>
      %dma_wait3A_292 = arith.constant 0 : i32
      %dma_wait3A_293 = arith.constant 0 : i32
      %dma_wait3A_294 = tpu.memref_slice %arg12[%dma_wait3A_292, %dma_wait3A_293] : memref<400x128xf32, #tpu.memory_space<hbm>> -> memref<400x128xf32, #tpu.memory_space<hbm>>
      tpu.wait_dma2 semaphore(%run_scoped3A : memref<!tpu.dma_semaphore, #tpu.memory_space<semaphore_mem>>) src(%dma_wait3A_294 : memref<400x128xf32, #tpu.memory_space<hbm>>) dst(%dma_wait3A_291 : memref<400x128xf32, #tpu.memory_space<vmem_shared>>)
      tpu.yield
    }) : () -> ()
    %mul3A_73 = arith.constant 400 : i32
    %mul3A_74 = arith.muli %arg1, %mul3A_73 : i32
    "tpu.region"() ({
      %run_scoped3A = tpu.sem_alloc : memref<!tpu.dma_semaphore, #tpu.memory_space<semaphore_mem>>
      %dma_start3A = arith.constant 0 : i32
      %dma_start3A_287 = tpu.memref_slice %arg24[%mul3A_74, %dma_start3A] : memref<6408x128xf32, #tpu.memory_space<vmem_shared>> -> memref<400x128xf32, #tpu.memory_space<vmem_shared>>
      %dma_start3A_288 = arith.constant 0 : i32
      %dma_start3A_289 = arith.constant 0 : i32
      %dma_start3A_290 = tpu.memref_slice %arg12[%dma_start3A_288, %dma_start3A_289] : memref<400x128xf32, #tpu.memory_space<hbm>> -> memref<400x128xf32, #tpu.memory_space<hbm>>
      tpu.enqueue_dma source(%dma_start3A_290 : memref<400x128xf32, #tpu.memory_space<hbm>>) target(%dma_start3A_287 : memref<400x128xf32, #tpu.memory_space<vmem_shared>>) target_semaphore(%run_scoped3A : memref<!tpu.dma_semaphore, #tpu.memory_space<semaphore_mem>>)
      %dma_wait3A = arith.constant 0 : i32
      %dma_wait3A_291 = tpu.memref_slice %arg24[%mul3A_74, %dma_wait3A] : memref<6408x128xf32, #tpu.memory_space<vmem_shared>> -> memref<400x128xf32, #tpu.memory_space<vmem_shared>>
      %dma_wait3A_292 = arith.constant 0 : i32
      %dma_wait3A_293 = arith.constant 0 : i32
      %dma_wait3A_294 = tpu.memref_slice %arg12[%dma_wait3A_292, %dma_wait3A_293] : memref<400x128xf32, #tpu.memory_space<hbm>> -> memref<400x128xf32, #tpu.memory_space<hbm>>
      tpu.wait_dma2 semaphore(%run_scoped3A : memref<!tpu.dma_semaphore, #tpu.memory_space<semaphore_mem>>) src(%dma_wait3A_294 : memref<400x128xf32, #tpu.memory_space<hbm>>) dst(%dma_wait3A_291 : memref<400x128xf32, #tpu.memory_space<vmem_shared>>)
      tpu.yield
    }) : () -> ()
    %barrier3A_75 = arith.constant 0 : index
    tpu.barrier barrier_id(%barrier3A_75)
    %scan3A_76 = arith.constant 0 : i32
    %scan3A_77 = arith.constant 0 : i32
    %scan3A_78 = arith.constant 125 : i32
    %scan3A_79 = arith.addi %scan3A_77, %scan3A_78 : i32
    %scan3A_80 = arith.constant 1 : i32
    scf.for %scan3A_287 = %scan3A_77 to %scan3A_79 step %scan3A_80  : i32 {
      %mul3A_288 = arith.constant 10000 : i32
      %mul3A_289 = arith.muli %add3A, %mul3A_288 : i32
      %mul3A_290 = arith.constant 80 : i32
      %mul3A_291 = arith.muli %scan3A_287, %mul3A_290 : i32
      %add3A_292 = arith.addi %mul3A_289, %mul3A_291 : i32
      "tpu.region"() ({
        %run_scoped3A = tpu.sem_alloc : memref<!tpu.dma_semaphore, #tpu.memory_space<semaphore_mem>>
        %dma_start3A_299 = tpu.memref_slice %arg3[%add3A_292] : memref<320000xi32, #tpu.memory_space<hbm>> -> memref<80xi32, #tpu.memory_space<hbm>>
        %dma_start3A_300 = tpu.memref_slice %arg3[%add3A_292] : memref<320000xi32, #tpu.memory_space<hbm>> -> memref<80xi32, #tpu.memory_space<hbm>>
        tpu.enqueue_dma source(%dma_start3A_300 : memref<80xi32, #tpu.memory_space<hbm>>) target(%arg19 : memref<80xi32, #tpu.memory_space<vmem>>) target_semaphore(%run_scoped3A : memref<!tpu.dma_semaphore, #tpu.memory_space<semaphore_mem>>)
        %dma_wait3A_301 = tpu.memref_slice %arg3[%add3A_292] : memref<320000xi32, #tpu.memory_space<hbm>> -> memref<80xi32, #tpu.memory_space<hbm>>
        %dma_wait3A_302 = tpu.memref_slice %arg3[%add3A_292] : memref<320000xi32, #tpu.memory_space<hbm>> -> memref<80xi32, #tpu.memory_space<hbm>>
        tpu.wait_dma2 semaphore(%run_scoped3A : memref<!tpu.dma_semaphore, #tpu.memory_space<semaphore_mem>>) src(%dma_wait3A_302 : memref<80xi32, #tpu.memory_space<hbm>>) dst(%arg19 : memref<80xi32, #tpu.memory_space<vmem>>)
        tpu.yield
      }) : () -> ()
      %add3A_293 = arith.constant 960000 : i32
      %add3A_294 = arith.addi %add3A_293, %add3A_292 : i32
      "tpu.region"() ({
        %run_scoped3A = tpu.sem_alloc : memref<!tpu.dma_semaphore, #tpu.memory_space<semaphore_mem>>
        %dma_start3A_299 = tpu.memref_slice %arg8[%add3A_294] : memref<2560000xi32, #tpu.memory_space<hbm>> -> memref<80xi32, #tpu.memory_space<hbm>>
        %dma_start3A_300 = tpu.memref_slice %arg8[%add3A_294] : memref<2560000xi32, #tpu.memory_space<hbm>> -> memref<80xi32, #tpu.memory_space<hbm>>
        tpu.enqueue_dma source(%dma_start3A_300 : memref<80xi32, #tpu.memory_space<hbm>>) target(%arg20 : memref<80xi32, #tpu.memory_space<vmem>>) target_semaphore(%run_scoped3A : memref<!tpu.dma_semaphore, #tpu.memory_space<semaphore_mem>>)
        %dma_wait3A_301 = tpu.memref_slice %arg8[%add3A_294] : memref<2560000xi32, #tpu.memory_space<hbm>> -> memref<80xi32, #tpu.memory_space<hbm>>
        %dma_wait3A_302 = tpu.memref_slice %arg8[%add3A_294] : memref<2560000xi32, #tpu.memory_space<hbm>> -> memref<80xi32, #tpu.memory_space<hbm>>
        tpu.wait_dma2 semaphore(%run_scoped3A : memref<!tpu.dma_semaphore, #tpu.memory_space<semaphore_mem>>) src(%dma_wait3A_302 : memref<80xi32, #tpu.memory_space<hbm>>) dst(%arg20 : memref<80xi32, #tpu.memory_space<vmem>>)
        tpu.yield
      }) : () -> ()
      %dma_start3A = arith.constant 0 : i32
      %dma_start3A_295 = arith.constant 0 : i32
      %dma_start3A_296 = tpu.memref_slice %arg2[%dma_start3A, %dma_start3A_295] : memref<10000x128xf32, #tpu.memory_space<hbm>> -> memref<10000x128xf32, #tpu.memory_space<hbm>>
      tpu.enqueue_indirect_dma source(%dma_start3A_296 : memref<10000x128xf32, #tpu.memory_space<hbm>>) target(%arg21 : memref<80x128xf32, #tpu.memory_space<vmem>>) offsets(%arg19 : memref<80xi32, #tpu.memory_space<vmem>>) semaphore(%arg25 : memref<!tpu.dma_semaphore, #tpu.memory_space<semaphore_mem>>)
      %dma_wait3A = arith.constant 0 : i32
      %dma_wait3A_297 = arith.constant 0 : i32
      %dma_wait3A_298 = tpu.memref_slice %arg2[%dma_wait3A, %dma_wait3A_297] : memref<10000x128xf32, #tpu.memory_space<hbm>> -> memref<10000x128xf32, #tpu.memory_space<hbm>>
      tpu.wait_indirect_dma semaphore(%arg25 : memref<!tpu.dma_semaphore, #tpu.memory_space<semaphore_mem>>) src(%dma_wait3A_298 : memref<10000x128xf32, #tpu.memory_space<hbm>>) dst(%arg21 : memref<80x128xf32, #tpu.memory_space<vmem>>)
      "tpu.region"() ({
        %run_scoped3A = tpu.sem_alloc : memref<!tpu.dma_semaphore, #tpu.memory_space<semaphore_mem>>
        %dma_start3A_299 = arith.constant 0 : i32
        %dma_start3A_300 = arith.constant 0 : i32
        %dma_start3A_301 = tpu.memref_slice %arg23[%dma_start3A_299, %dma_start3A_300] : memref<6408x128xf32, #tpu.memory_space<vmem_shared>> -> memref<6408x128xf32, #tpu.memory_space<vmem_shared>>
        tpu.enqueue_indirect_dma source(%arg21 : memref<80x128xf32, #tpu.memory_space<vmem>>) target(%dma_start3A_301 : memref<6408x128xf32, #tpu.memory_space<vmem_shared>>) offsets(%arg20 : memref<80xi32, #tpu.memory_space<vmem>>) semaphore(%run_scoped3A : memref<!tpu.dma_semaphore, #tpu.memory_space<semaphore_mem>>) {add = true}
        %dma_wait3A_302 = arith.constant 0 : i32
        %dma_wait3A_303 = arith.constant 0 : i32
        %dma_wait3A_304 = tpu.memref_slice %arg23[%dma_wait3A_302, %dma_wait3A_303] : memref<6408x128xf32, #tpu.memory_space<vmem_shared>> -> memref<6408x128xf32, #tpu.memory_space<vmem_shared>>
        tpu.wait_indirect_dma semaphore(%run_scoped3A : memref<!tpu.dma_semaphore, #tpu.memory_space<semaphore_mem>>) src(%arg21 : memref<80x128xf32, #tpu.memory_space<vmem>>) dst(%dma_wait3A_304 : memref<6408x128xf32, #tpu.memory_space<vmem_shared>>)
        tpu.yield
      }) : () -> ()
      "tpu.region"() ({
        %run_scoped3A = tpu.sem_alloc : memref<!tpu.dma_semaphore, #tpu.memory_space<semaphore_mem>>
        %dma_start3A_299 = arith.constant 0 : i32
        %dma_start3A_300 = arith.constant 0 : i32
        %dma_start3A_301 = tpu.memref_slice %arg24[%dma_start3A_299, %dma_start3A_300] : memref<6408x128xf32, #tpu.memory_space<vmem_shared>> -> memref<6408x128xf32, #tpu.memory_space<vmem_shared>>
        tpu.enqueue_indirect_dma source(%arg22 : memref<80x128xf32, #tpu.memory_space<vmem>>) target(%dma_start3A_301 : memref<6408x128xf32, #tpu.memory_space<vmem_shared>>) offsets(%arg20 : memref<80xi32, #tpu.memory_space<vmem>>) semaphore(%run_scoped3A : memref<!tpu.dma_semaphore, #tpu.memory_space<semaphore_mem>>) {add = true}
        %dma_wait3A_302 = arith.constant 0 : i32
        %dma_wait3A_303 = arith.constant 0 : i32
        %dma_wait3A_304 = tpu.memref_slice %arg24[%dma_wait3A_302, %dma_wait3A_303] : memref<6408x128xf32, #tpu.memory_space<vmem_shared>> -> memref<6408x128xf32, #tpu.memory_space<vmem_shared>>
        tpu.wait_indirect_dma semaphore(%run_scoped3A : memref<!tpu.dma_semaphore, #tpu.memory_space<semaphore_mem>>) src(%arg22 : memref<80x128xf32, #tpu.memory_space<vmem>>) dst(%dma_wait3A_304 : memref<6408x128xf32, #tpu.memory_space<vmem_shared>>)
        tpu.yield
      }) : () -> ()
    }
    %scan3A_81 = arith.constant 125 : i32
    %barrier3A_82 = arith.constant 0 : index
    tpu.barrier barrier_id(%barrier3A_82)
    %mul3A_83 = arith.constant 51200 : i32
    %mul3A_84 = arith.muli %arg0, %mul3A_83 : i32
    %add3A_85 = arith.constant 19200 : i32
    %add3A_86 = arith.addi %mul3A_84, %add3A_85 : i32
    %mul3A_87 = arith.constant 400 : i32
    %mul3A_88 = arith.muli %arg1, %mul3A_87 : i32
    %add3A_89 = arith.addi %add3A_86, %mul3A_88 : i32
    %mul3A_90 = arith.constant 400 : i32
    %mul3A_91 = arith.muli %arg1, %mul3A_90 : i32
    "tpu.region"() ({
      %run_scoped3A = tpu.sem_alloc : memref<!tpu.dma_semaphore, #tpu.memory_space<semaphore_mem>>
      %dma_start3A = arith.constant 0 : i32
      %dma_start3A_287 = tpu.memref_slice %arg13[%add3A_89, %dma_start3A] : memref<102400x128xf32, #tpu.memory_space<hbm>> -> memref<400x128xf32, #tpu.memory_space<hbm>>
      %dma_start3A_288 = arith.constant 0 : i32
      %dma_start3A_289 = tpu.memref_slice %arg23[%mul3A_91, %dma_start3A_288] : memref<6408x128xf32, #tpu.memory_space<vmem_shared>> -> memref<400x128xf32, #tpu.memory_space<vmem_shared>>
      tpu.enqueue_dma source(%dma_start3A_289 : memref<400x128xf32, #tpu.memory_space<vmem_shared>>) target(%dma_start3A_287 : memref<400x128xf32, #tpu.memory_space<hbm>>) target_semaphore(%run_scoped3A : memref<!tpu.dma_semaphore, #tpu.memory_space<semaphore_mem>>)
      %dma_wait3A = arith.constant 0 : i32
      %dma_wait3A_290 = tpu.memref_slice %arg13[%add3A_89, %dma_wait3A] : memref<102400x128xf32, #tpu.memory_space<hbm>> -> memref<400x128xf32, #tpu.memory_space<hbm>>
      %dma_wait3A_291 = arith.constant 0 : i32
      %dma_wait3A_292 = tpu.memref_slice %arg23[%mul3A_91, %dma_wait3A_291] : memref<6408x128xf32, #tpu.memory_space<vmem_shared>> -> memref<400x128xf32, #tpu.memory_space<vmem_shared>>
      tpu.wait_dma2 semaphore(%run_scoped3A : memref<!tpu.dma_semaphore, #tpu.memory_space<semaphore_mem>>) src(%dma_wait3A_292 : memref<400x128xf32, #tpu.memory_space<vmem_shared>>) dst(%dma_wait3A_290 : memref<400x128xf32, #tpu.memory_space<hbm>>)
      tpu.yield
    }) : () -> ()
    %mul3A_92 = arith.constant 400 : i32
    %mul3A_93 = arith.muli %arg1, %mul3A_92 : i32
    "tpu.region"() ({
      %run_scoped3A = tpu.sem_alloc : memref<!tpu.dma_semaphore, #tpu.memory_space<semaphore_mem>>
      %dma_start3A = arith.constant 0 : i32
      %dma_start3A_287 = tpu.memref_slice %arg14[%add3A_89, %dma_start3A] : memref<102400x128xf32, #tpu.memory_space<hbm>> -> memref<400x128xf32, #tpu.memory_space<hbm>>
      %dma_start3A_288 = arith.constant 0 : i32
      %dma_start3A_289 = tpu.memref_slice %arg24[%mul3A_93, %dma_start3A_288] : memref<6408x128xf32, #tpu.memory_space<vmem_shared>> -> memref<400x128xf32, #tpu.memory_space<vmem_shared>>
      tpu.enqueue_dma source(%dma_start3A_289 : memref<400x128xf32, #tpu.memory_space<vmem_shared>>) target(%dma_start3A_287 : memref<400x128xf32, #tpu.memory_space<hbm>>) target_semaphore(%run_scoped3A : memref<!tpu.dma_semaphore, #tpu.memory_space<semaphore_mem>>)
      %dma_wait3A = arith.constant 0 : i32
      %dma_wait3A_290 = tpu.memref_slice %arg14[%add3A_89, %dma_wait3A] : memref<102400x128xf32, #tpu.memory_space<hbm>> -> memref<400x128xf32, #tpu.memory_space<hbm>>
      %dma_wait3A_291 = arith.constant 0 : i32
      %dma_wait3A_292 = tpu.memref_slice %arg24[%mul3A_93, %dma_wait3A_291] : memref<6408x128xf32, #tpu.memory_space<vmem_shared>> -> memref<400x128xf32, #tpu.memory_space<vmem_shared>>
      tpu.wait_dma2 semaphore(%run_scoped3A : memref<!tpu.dma_semaphore, #tpu.memory_space<semaphore_mem>>) src(%dma_wait3A_292 : memref<400x128xf32, #tpu.memory_space<vmem_shared>>) dst(%dma_wait3A_290 : memref<400x128xf32, #tpu.memory_space<hbm>>)
      tpu.yield
    }) : () -> ()
    %barrier3A_94 = arith.constant 0 : index
    tpu.barrier barrier_id(%barrier3A_94)
    %mul3A_95 = arith.constant 400 : i32
    %mul3A_96 = arith.muli %arg1, %mul3A_95 : i32
    "tpu.region"() ({
      %run_scoped3A = tpu.sem_alloc : memref<!tpu.dma_semaphore, #tpu.memory_space<semaphore_mem>>
      %dma_start3A = arith.constant 0 : i32
      %dma_start3A_287 = tpu.memref_slice %arg23[%mul3A_96, %dma_start3A] : memref<6408x128xf32, #tpu.memory_space<vmem_shared>> -> memref<400x128xf32, #tpu.memory_space<vmem_shared>>
      %dma_start3A_288 = arith.constant 0 : i32
      %dma_start3A_289 = arith.constant 0 : i32
      %dma_start3A_290 = tpu.memref_slice %arg12[%dma_start3A_288, %dma_start3A_289] : memref<400x128xf32, #tpu.memory_space<hbm>> -> memref<400x128xf32, #tpu.memory_space<hbm>>
      tpu.enqueue_dma source(%dma_start3A_290 : memref<400x128xf32, #tpu.memory_space<hbm>>) target(%dma_start3A_287 : memref<400x128xf32, #tpu.memory_space<vmem_shared>>) target_semaphore(%run_scoped3A : memref<!tpu.dma_semaphore, #tpu.memory_space<semaphore_mem>>)
      %dma_wait3A = arith.constant 0 : i32
      %dma_wait3A_291 = tpu.memref_slice %arg23[%mul3A_96, %dma_wait3A] : memref<6408x128xf32, #tpu.memory_space<vmem_shared>> -> memref<400x128xf32, #tpu.memory_space<vmem_shared>>
      %dma_wait3A_292 = arith.constant 0 : i32
      %dma_wait3A_293 = arith.constant 0 : i32
      %dma_wait3A_294 = tpu.memref_slice %arg12[%dma_wait3A_292, %dma_wait3A_293] : memref<400x128xf32, #tpu.memory_space<hbm>> -> memref<400x128xf32, #tpu.memory_space<hbm>>
      tpu.wait_dma2 semaphore(%run_scoped3A : memref<!tpu.dma_semaphore, #tpu.memory_space<semaphore_mem>>) src(%dma_wait3A_294 : memref<400x128xf32, #tpu.memory_space<hbm>>) dst(%dma_wait3A_291 : memref<400x128xf32, #tpu.memory_space<vmem_shared>>)
      tpu.yield
    }) : () -> ()
    %mul3A_97 = arith.constant 400 : i32
    %mul3A_98 = arith.muli %arg1, %mul3A_97 : i32
    "tpu.region"() ({
      %run_scoped3A = tpu.sem_alloc : memref<!tpu.dma_semaphore, #tpu.memory_space<semaphore_mem>>
      %dma_start3A = arith.constant 0 : i32
      %dma_start3A_287 = tpu.memref_slice %arg24[%mul3A_98, %dma_start3A] : memref<6408x128xf32, #tpu.memory_space<vmem_shared>> -> memref<400x128xf32, #tpu.memory_space<vmem_shared>>
      %dma_start3A_288 = arith.constant 0 : i32
      %dma_start3A_289 = arith.constant 0 : i32
      %dma_start3A_290 = tpu.memref_slice %arg12[%dma_start3A_288, %dma_start3A_289] : memref<400x128xf32, #tpu.memory_space<hbm>> -> memref<400x128xf32, #tpu.memory_space<hbm>>
      tpu.enqueue_dma source(%dma_start3A_290 : memref<400x128xf32, #tpu.memory_space<hbm>>) target(%dma_start3A_287 : memref<400x128xf32, #tpu.memory_space<vmem_shared>>) target_semaphore(%run_scoped3A : memref<!tpu.dma_semaphore, #tpu.memory_space<semaphore_mem>>)
      %dma_wait3A = arith.constant 0 : i32
      %dma_wait3A_291 = tpu.memref_slice %arg24[%mul3A_98, %dma_wait3A] : memref<6408x128xf32, #tpu.memory_space<vmem_shared>> -> memref<400x128xf32, #tpu.memory_space<vmem_shared>>
      %dma_wait3A_292 = arith.constant 0 : i32
      %dma_wait3A_293 = arith.constant 0 : i32
      %dma_wait3A_294 = tpu.memref_slice %arg12[%dma_wait3A_292, %dma_wait3A_293] : memref<400x128xf32, #tpu.memory_space<hbm>> -> memref<400x128xf32, #tpu.memory_space<hbm>>
      tpu.wait_dma2 semaphore(%run_scoped3A : memref<!tpu.dma_semaphore, #tpu.memory_space<semaphore_mem>>) src(%dma_wait3A_294 : memref<400x128xf32, #tpu.memory_space<hbm>>) dst(%dma_wait3A_291 : memref<400x128xf32, #tpu.memory_space<vmem_shared>>)
      tpu.yield
    }) : () -> ()
    %barrier3A_99 = arith.constant 0 : index
    tpu.barrier barrier_id(%barrier3A_99)
    %scan3A_100 = arith.constant 0 : i32
    %scan3A_101 = arith.constant 0 : i32
    %scan3A_102 = arith.constant 125 : i32
    %scan3A_103 = arith.addi %scan3A_101, %scan3A_102 : i32
    %scan3A_104 = arith.constant 1 : i32
    scf.for %scan3A_287 = %scan3A_101 to %scan3A_103 step %scan3A_104  : i32 {
      %mul3A_288 = arith.constant 10000 : i32
      %mul3A_289 = arith.muli %add3A, %mul3A_288 : i32
      %mul3A_290 = arith.constant 80 : i32
      %mul3A_291 = arith.muli %scan3A_287, %mul3A_290 : i32
      %add3A_292 = arith.addi %mul3A_289, %mul3A_291 : i32
      "tpu.region"() ({
        %run_scoped3A = tpu.sem_alloc : memref<!tpu.dma_semaphore, #tpu.memory_space<semaphore_mem>>
        %dma_start3A_299 = tpu.memref_slice %arg3[%add3A_292] : memref<320000xi32, #tpu.memory_space<hbm>> -> memref<80xi32, #tpu.memory_space<hbm>>
        %dma_start3A_300 = tpu.memref_slice %arg3[%add3A_292] : memref<320000xi32, #tpu.memory_space<hbm>> -> memref<80xi32, #tpu.memory_space<hbm>>
        tpu.enqueue_dma source(%dma_start3A_300 : memref<80xi32, #tpu.memory_space<hbm>>) target(%arg19 : memref<80xi32, #tpu.memory_space<vmem>>) target_semaphore(%run_scoped3A : memref<!tpu.dma_semaphore, #tpu.memory_space<semaphore_mem>>)
        %dma_wait3A_301 = tpu.memref_slice %arg3[%add3A_292] : memref<320000xi32, #tpu.memory_space<hbm>> -> memref<80xi32, #tpu.memory_space<hbm>>
        %dma_wait3A_302 = tpu.memref_slice %arg3[%add3A_292] : memref<320000xi32, #tpu.memory_space<hbm>> -> memref<80xi32, #tpu.memory_space<hbm>>
        tpu.wait_dma2 semaphore(%run_scoped3A : memref<!tpu.dma_semaphore, #tpu.memory_space<semaphore_mem>>) src(%dma_wait3A_302 : memref<80xi32, #tpu.memory_space<hbm>>) dst(%arg19 : memref<80xi32, #tpu.memory_space<vmem>>)
        tpu.yield
      }) : () -> ()
      %add3A_293 = arith.constant 1280000 : i32
      %add3A_294 = arith.addi %add3A_293, %add3A_292 : i32
      "tpu.region"() ({
        %run_scoped3A = tpu.sem_alloc : memref<!tpu.dma_semaphore, #tpu.memory_space<semaphore_mem>>
        %dma_start3A_299 = tpu.memref_slice %arg8[%add3A_294] : memref<2560000xi32, #tpu.memory_space<hbm>> -> memref<80xi32, #tpu.memory_space<hbm>>
        %dma_start3A_300 = tpu.memref_slice %arg8[%add3A_294] : memref<2560000xi32, #tpu.memory_space<hbm>> -> memref<80xi32, #tpu.memory_space<hbm>>
        tpu.enqueue_dma source(%dma_start3A_300 : memref<80xi32, #tpu.memory_space<hbm>>) target(%arg20 : memref<80xi32, #tpu.memory_space<vmem>>) target_semaphore(%run_scoped3A : memref<!tpu.dma_semaphore, #tpu.memory_space<semaphore_mem>>)
        %dma_wait3A_301 = tpu.memref_slice %arg8[%add3A_294] : memref<2560000xi32, #tpu.memory_space<hbm>> -> memref<80xi32, #tpu.memory_space<hbm>>
        %dma_wait3A_302 = tpu.memref_slice %arg8[%add3A_294] : memref<2560000xi32, #tpu.memory_space<hbm>> -> memref<80xi32, #tpu.memory_space<hbm>>
        tpu.wait_dma2 semaphore(%run_scoped3A : memref<!tpu.dma_semaphore, #tpu.memory_space<semaphore_mem>>) src(%dma_wait3A_302 : memref<80xi32, #tpu.memory_space<hbm>>) dst(%arg20 : memref<80xi32, #tpu.memory_space<vmem>>)
        tpu.yield
      }) : () -> ()
      %dma_start3A = arith.constant 0 : i32
      %dma_start3A_295 = arith.constant 0 : i32
      %dma_start3A_296 = tpu.memref_slice %arg2[%dma_start3A, %dma_start3A_295] : memref<10000x128xf32, #tpu.memory_space<hbm>> -> memref<10000x128xf32, #tpu.memory_space<hbm>>
      tpu.enqueue_indirect_dma source(%dma_start3A_296 : memref<10000x128xf32, #tpu.memory_space<hbm>>) target(%arg21 : memref<80x128xf32, #tpu.memory_space<vmem>>) offsets(%arg19 : memref<80xi32, #tpu.memory_space<vmem>>) semaphore(%arg25 : memref<!tpu.dma_semaphore, #tpu.memory_space<semaphore_mem>>)
      %dma_wait3A = arith.constant 0 : i32
      %dma_wait3A_297 = arith.constant 0 : i32
      %dma_wait3A_298 = tpu.memref_slice %arg2[%dma_wait3A, %dma_wait3A_297] : memref<10000x128xf32, #tpu.memory_space<hbm>> -> memref<10000x128xf32, #tpu.memory_space<hbm>>
      tpu.wait_indirect_dma semaphore(%arg25 : memref<!tpu.dma_semaphore, #tpu.memory_space<semaphore_mem>>) src(%dma_wait3A_298 : memref<10000x128xf32, #tpu.memory_space<hbm>>) dst(%arg21 : memref<80x128xf32, #tpu.memory_space<vmem>>)
      "tpu.region"() ({
        %run_scoped3A = tpu.sem_alloc : memref<!tpu.dma_semaphore, #tpu.memory_space<semaphore_mem>>
        %dma_start3A_299 = arith.constant 0 : i32
        %dma_start3A_300 = arith.constant 0 : i32
        %dma_start3A_301 = tpu.memref_slice %arg23[%dma_start3A_299, %dma_start3A_300] : memref<6408x128xf32, #tpu.memory_space<vmem_shared>> -> memref<6408x128xf32, #tpu.memory_space<vmem_shared>>
        tpu.enqueue_indirect_dma source(%arg21 : memref<80x128xf32, #tpu.memory_space<vmem>>) target(%dma_start3A_301 : memref<6408x128xf32, #tpu.memory_space<vmem_shared>>) offsets(%arg20 : memref<80xi32, #tpu.memory_space<vmem>>) semaphore(%run_scoped3A : memref<!tpu.dma_semaphore, #tpu.memory_space<semaphore_mem>>) {add = true}
        %dma_wait3A_302 = arith.constant 0 : i32
        %dma_wait3A_303 = arith.constant 0 : i32
        %dma_wait3A_304 = tpu.memref_slice %arg23[%dma_wait3A_302, %dma_wait3A_303] : memref<6408x128xf32, #tpu.memory_space<vmem_shared>> -> memref<6408x128xf32, #tpu.memory_space<vmem_shared>>
        tpu.wait_indirect_dma semaphore(%run_scoped3A : memref<!tpu.dma_semaphore, #tpu.memory_space<semaphore_mem>>) src(%arg21 : memref<80x128xf32, #tpu.memory_space<vmem>>) dst(%dma_wait3A_304 : memref<6408x128xf32, #tpu.memory_space<vmem_shared>>)
        tpu.yield
      }) : () -> ()
      "tpu.region"() ({
        %run_scoped3A = tpu.sem_alloc : memref<!tpu.dma_semaphore, #tpu.memory_space<semaphore_mem>>
        %dma_start3A_299 = arith.constant 0 : i32
        %dma_start3A_300 = arith.constant 0 : i32
        %dma_start3A_301 = tpu.memref_slice %arg24[%dma_start3A_299, %dma_start3A_300] : memref<6408x128xf32, #tpu.memory_space<vmem_shared>> -> memref<6408x128xf32, #tpu.memory_space<vmem_shared>>
        tpu.enqueue_indirect_dma source(%arg22 : memref<80x128xf32, #tpu.memory_space<vmem>>) target(%dma_start3A_301 : memref<6408x128xf32, #tpu.memory_space<vmem_shared>>) offsets(%arg20 : memref<80xi32, #tpu.memory_space<vmem>>) semaphore(%run_scoped3A : memref<!tpu.dma_semaphore, #tpu.memory_space<semaphore_mem>>) {add = true}
        %dma_wait3A_302 = arith.constant 0 : i32
        %dma_wait3A_303 = arith.constant 0 : i32
        %dma_wait3A_304 = tpu.memref_slice %arg24[%dma_wait3A_302, %dma_wait3A_303] : memref<6408x128xf32, #tpu.memory_space<vmem_shared>> -> memref<6408x128xf32, #tpu.memory_space<vmem_shared>>
        tpu.wait_indirect_dma semaphore(%run_scoped3A : memref<!tpu.dma_semaphore, #tpu.memory_space<semaphore_mem>>) src(%arg22 : memref<80x128xf32, #tpu.memory_space<vmem>>) dst(%dma_wait3A_304 : memref<6408x128xf32, #tpu.memory_space<vmem_shared>>)
        tpu.yield
      }) : () -> ()
    }
    %scan3A_105 = arith.constant 125 : i32
    %barrier3A_106 = arith.constant 0 : index
    tpu.barrier barrier_id(%barrier3A_106)
    %mul3A_107 = arith.constant 51200 : i32
    %mul3A_108 = arith.muli %arg0, %mul3A_107 : i32
    %add3A_109 = arith.constant 25600 : i32
    %add3A_110 = arith.addi %mul3A_108, %add3A_109 : i32
    %mul3A_111 = arith.constant 400 : i32
    %mul3A_112 = arith.muli %arg1, %mul3A_111 : i32
    %add3A_113 = arith.addi %add3A_110, %mul3A_112 : i32
    %mul3A_114 = arith.constant 400 : i32
    %mul3A_115 = arith.muli %arg1, %mul3A_114 : i32
    "tpu.region"() ({
      %run_scoped3A = tpu.sem_alloc : memref<!tpu.dma_semaphore, #tpu.memory_space<semaphore_mem>>
      %dma_start3A = arith.constant 0 : i32
      %dma_start3A_287 = tpu.memref_slice %arg13[%add3A_113, %dma_start3A] : memref<102400x128xf32, #tpu.memory_space<hbm>> -> memref<400x128xf32, #tpu.memory_space<hbm>>
      %dma_start3A_288 = arith.constant 0 : i32
      %dma_start3A_289 = tpu.memref_slice %arg23[%mul3A_115, %dma_start3A_288] : memref<6408x128xf32, #tpu.memory_space<vmem_shared>> -> memref<400x128xf32, #tpu.memory_space<vmem_shared>>
      tpu.enqueue_dma source(%dma_start3A_289 : memref<400x128xf32, #tpu.memory_space<vmem_shared>>) target(%dma_start3A_287 : memref<400x128xf32, #tpu.memory_space<hbm>>) target_semaphore(%run_scoped3A : memref<!tpu.dma_semaphore, #tpu.memory_space<semaphore_mem>>)
      %dma_wait3A = arith.constant 0 : i32
      %dma_wait3A_290 = tpu.memref_slice %arg13[%add3A_113, %dma_wait3A] : memref<102400x128xf32, #tpu.memory_space<hbm>> -> memref<400x128xf32, #tpu.memory_space<hbm>>
      %dma_wait3A_291 = arith.constant 0 : i32
      %dma_wait3A_292 = tpu.memref_slice %arg23[%mul3A_115, %dma_wait3A_291] : memref<6408x128xf32, #tpu.memory_space<vmem_shared>> -> memref<400x128xf32, #tpu.memory_space<vmem_shared>>
      tpu.wait_dma2 semaphore(%run_scoped3A : memref<!tpu.dma_semaphore, #tpu.memory_space<semaphore_mem>>) src(%dma_wait3A_292 : memref<400x128xf32, #tpu.memory_space<vmem_shared>>) dst(%dma_wait3A_290 : memref<400x128xf32, #tpu.memory_space<hbm>>)
      tpu.yield
    }) : () -> ()
    %mul3A_116 = arith.constant 400 : i32
    %mul3A_117 = arith.muli %arg1, %mul3A_116 : i32
    "tpu.region"() ({
      %run_scoped3A = tpu.sem_alloc : memref<!tpu.dma_semaphore, #tpu.memory_space<semaphore_mem>>
      %dma_start3A = arith.constant 0 : i32
      %dma_start3A_287 = tpu.memref_slice %arg14[%add3A_113, %dma_start3A] : memref<102400x128xf32, #tpu.memory_space<hbm>> -> memref<400x128xf32, #tpu.memory_space<hbm>>
      %dma_start3A_288 = arith.constant 0 : i32
      %dma_start3A_289 = tpu.memref_slice %arg24[%mul3A_117, %dma_start3A_288] : memref<6408x128xf32, #tpu.memory_space<vmem_shared>> -> memref<400x128xf32, #tpu.memory_space<vmem_shared>>
      tpu.enqueue_dma source(%dma_start3A_289 : memref<400x128xf32, #tpu.memory_space<vmem_shared>>) target(%dma_start3A_287 : memref<400x128xf32, #tpu.memory_space<hbm>>) target_semaphore(%run_scoped3A : memref<!tpu.dma_semaphore, #tpu.memory_space<semaphore_mem>>)
      %dma_wait3A = arith.constant 0 : i32
      %dma_wait3A_290 = tpu.memref_slice %arg14[%add3A_113, %dma_wait3A] : memref<102400x128xf32, #tpu.memory_space<hbm>> -> memref<400x128xf32, #tpu.memory_space<hbm>>
      %dma_wait3A_291 = arith.constant 0 : i32
      %dma_wait3A_292 = tpu.memref_slice %arg24[%mul3A_117, %dma_wait3A_291] : memref<6408x128xf32, #tpu.memory_space<vmem_shared>> -> memref<400x128xf32, #tpu.memory_space<vmem_shared>>
      tpu.wait_dma2 semaphore(%run_scoped3A : memref<!tpu.dma_semaphore, #tpu.memory_space<semaphore_mem>>) src(%dma_wait3A_292 : memref<400x128xf32, #tpu.memory_space<vmem_shared>>) dst(%dma_wait3A_290 : memref<400x128xf32, #tpu.memory_space<hbm>>)
      tpu.yield
    }) : () -> ()
    %barrier3A_118 = arith.constant 0 : index
    tpu.barrier barrier_id(%barrier3A_118)
    %mul3A_119 = arith.constant 400 : i32
    %mul3A_120 = arith.muli %arg1, %mul3A_119 : i32
    "tpu.region"() ({
      %run_scoped3A = tpu.sem_alloc : memref<!tpu.dma_semaphore, #tpu.memory_space<semaphore_mem>>
      %dma_start3A = arith.constant 0 : i32
      %dma_start3A_287 = tpu.memref_slice %arg23[%mul3A_120, %dma_start3A] : memref<6408x128xf32, #tpu.memory_space<vmem_shared>> -> memref<400x128xf32, #tpu.memory_space<vmem_shared>>
      %dma_start3A_288 = arith.constant 0 : i32
      %dma_start3A_289 = arith.constant 0 : i32
      %dma_start3A_290 = tpu.memref_slice %arg12[%dma_start3A_288, %dma_start3A_289] : memref<400x128xf32, #tpu.memory_space<hbm>> -> memref<400x128xf32, #tpu.memory_space<hbm>>
      tpu.enqueue_dma source(%dma_start3A_290 : memref<400x128xf32, #tpu.memory_space<hbm>>) target(%dma_start3A_287 : memref<400x128xf32, #tpu.memory_space<vmem_shared>>) target_semaphore(%run_scoped3A : memref<!tpu.dma_semaphore, #tpu.memory_space<semaphore_mem>>)
      %dma_wait3A = arith.constant 0 : i32
      %dma_wait3A_291 = tpu.memref_slice %arg23[%mul3A_120, %dma_wait3A] : memref<6408x128xf32, #tpu.memory_space<vmem_shared>> -> memref<400x128xf32, #tpu.memory_space<vmem_shared>>
      %dma_wait3A_292 = arith.constant 0 : i32
      %dma_wait3A_293 = arith.constant 0 : i32
      %dma_wait3A_294 = tpu.memref_slice %arg12[%dma_wait3A_292, %dma_wait3A_293] : memref<400x128xf32, #tpu.memory_space<hbm>> -> memref<400x128xf32, #tpu.memory_space<hbm>>
      tpu.wait_dma2 semaphore(%run_scoped3A : memref<!tpu.dma_semaphore, #tpu.memory_space<semaphore_mem>>) src(%dma_wait3A_294 : memref<400x128xf32, #tpu.memory_space<hbm>>) dst(%dma_wait3A_291 : memref<400x128xf32, #tpu.memory_space<vmem_shared>>)
      tpu.yield
    }) : () -> ()
    %mul3A_121 = arith.constant 400 : i32
    %mul3A_122 = arith.muli %arg1, %mul3A_121 : i32
    "tpu.region"() ({
      %run_scoped3A = tpu.sem_alloc : memref<!tpu.dma_semaphore, #tpu.memory_space<semaphore_mem>>
      %dma_start3A = arith.constant 0 : i32
      %dma_start3A_287 = tpu.memref_slice %arg24[%mul3A_122, %dma_start3A] : memref<6408x128xf32, #tpu.memory_space<vmem_shared>> -> memref<400x128xf32, #tpu.memory_space<vmem_shared>>
      %dma_start3A_288 = arith.constant 0 : i32
      %dma_start3A_289 = arith.constant 0 : i32
      %dma_start3A_290 = tpu.memref_slice %arg12[%dma_start3A_288, %dma_start3A_289] : memref<400x128xf32, #tpu.memory_space<hbm>> -> memref<400x128xf32, #tpu.memory_space<hbm>>
      tpu.enqueue_dma source(%dma_start3A_290 : memref<400x128xf32, #tpu.memory_space<hbm>>) target(%dma_start3A_287 : memref<400x128xf32, #tpu.memory_space<vmem_shared>>) target_semaphore(%run_scoped3A : memref<!tpu.dma_semaphore, #tpu.memory_space<semaphore_mem>>)
      %dma_wait3A = arith.constant 0 : i32
      %dma_wait3A_291 = tpu.memref_slice %arg24[%mul3A_122, %dma_wait3A] : memref<6408x128xf32, #tpu.memory_space<vmem_shared>> -> memref<400x128xf32, #tpu.memory_space<vmem_shared>>
      %dma_wait3A_292 = arith.constant 0 : i32
      %dma_wait3A_293 = arith.constant 0 : i32
      %dma_wait3A_294 = tpu.memref_slice %arg12[%dma_wait3A_292, %dma_wait3A_293] : memref<400x128xf32, #tpu.memory_space<hbm>> -> memref<400x128xf32, #tpu.memory_space<hbm>>
      tpu.wait_dma2 semaphore(%run_scoped3A : memref<!tpu.dma_semaphore, #tpu.memory_space<semaphore_mem>>) src(%dma_wait3A_294 : memref<400x128xf32, #tpu.memory_space<hbm>>) dst(%dma_wait3A_291 : memref<400x128xf32, #tpu.memory_space<vmem_shared>>)
      tpu.yield
    }) : () -> ()
    %barrier3A_123 = arith.constant 0 : index
    tpu.barrier barrier_id(%barrier3A_123)
    %scan3A_124 = arith.constant 0 : i32
    %scan3A_125 = arith.constant 0 : i32
    %scan3A_126 = arith.constant 125 : i32
    %scan3A_127 = arith.addi %scan3A_125, %scan3A_126 : i32
    %scan3A_128 = arith.constant 1 : i32
    scf.for %scan3A_287 = %scan3A_125 to %scan3A_127 step %scan3A_128  : i32 {
      %mul3A_288 = arith.constant 10000 : i32
      %mul3A_289 = arith.muli %add3A, %mul3A_288 : i32
      %mul3A_290 = arith.constant 80 : i32
      %mul3A_291 = arith.muli %scan3A_287, %mul3A_290 : i32
      %add3A_292 = arith.addi %mul3A_289, %mul3A_291 : i32
      "tpu.region"() ({
        %run_scoped3A = tpu.sem_alloc : memref<!tpu.dma_semaphore, #tpu.memory_space<semaphore_mem>>
        %dma_start3A_299 = tpu.memref_slice %arg3[%add3A_292] : memref<320000xi32, #tpu.memory_space<hbm>> -> memref<80xi32, #tpu.memory_space<hbm>>
        %dma_start3A_300 = tpu.memref_slice %arg3[%add3A_292] : memref<320000xi32, #tpu.memory_space<hbm>> -> memref<80xi32, #tpu.memory_space<hbm>>
        tpu.enqueue_dma source(%dma_start3A_300 : memref<80xi32, #tpu.memory_space<hbm>>) target(%arg19 : memref<80xi32, #tpu.memory_space<vmem>>) target_semaphore(%run_scoped3A : memref<!tpu.dma_semaphore, #tpu.memory_space<semaphore_mem>>)
        %dma_wait3A_301 = tpu.memref_slice %arg3[%add3A_292] : memref<320000xi32, #tpu.memory_space<hbm>> -> memref<80xi32, #tpu.memory_space<hbm>>
        %dma_wait3A_302 = tpu.memref_slice %arg3[%add3A_292] : memref<320000xi32, #tpu.memory_space<hbm>> -> memref<80xi32, #tpu.memory_space<hbm>>
        tpu.wait_dma2 semaphore(%run_scoped3A : memref<!tpu.dma_semaphore, #tpu.memory_space<semaphore_mem>>) src(%dma_wait3A_302 : memref<80xi32, #tpu.memory_space<hbm>>) dst(%arg19 : memref<80xi32, #tpu.memory_space<vmem>>)
        tpu.yield
      }) : () -> ()
      %add3A_293 = arith.constant 1600000 : i32
      %add3A_294 = arith.addi %add3A_293, %add3A_292 : i32
      "tpu.region"() ({
        %run_scoped3A = tpu.sem_alloc : memref<!tpu.dma_semaphore, #tpu.memory_space<semaphore_mem>>
        %dma_start3A_299 = tpu.memref_slice %arg8[%add3A_294] : memref<2560000xi32, #tpu.memory_space<hbm>> -> memref<80xi32, #tpu.memory_space<hbm>>
        %dma_start3A_300 = tpu.memref_slice %arg8[%add3A_294] : memref<2560000xi32, #tpu.memory_space<hbm>> -> memref<80xi32, #tpu.memory_space<hbm>>
        tpu.enqueue_dma source(%dma_start3A_300 : memref<80xi32, #tpu.memory_space<hbm>>) target(%arg20 : memref<80xi32, #tpu.memory_space<vmem>>) target_semaphore(%run_scoped3A : memref<!tpu.dma_semaphore, #tpu.memory_space<semaphore_mem>>)
        %dma_wait3A_301 = tpu.memref_slice %arg8[%add3A_294] : memref<2560000xi32, #tpu.memory_space<hbm>> -> memref<80xi32, #tpu.memory_space<hbm>>
        %dma_wait3A_302 = tpu.memref_slice %arg8[%add3A_294] : memref<2560000xi32, #tpu.memory_space<hbm>> -> memref<80xi32, #tpu.memory_space<hbm>>
        tpu.wait_dma2 semaphore(%run_scoped3A : memref<!tpu.dma_semaphore, #tpu.memory_space<semaphore_mem>>) src(%dma_wait3A_302 : memref<80xi32, #tpu.memory_space<hbm>>) dst(%arg20 : memref<80xi32, #tpu.memory_space<vmem>>)
        tpu.yield
      }) : () -> ()
      %dma_start3A = arith.constant 0 : i32
      %dma_start3A_295 = arith.constant 0 : i32
      %dma_start3A_296 = tpu.memref_slice %arg2[%dma_start3A, %dma_start3A_295] : memref<10000x128xf32, #tpu.memory_space<hbm>> -> memref<10000x128xf32, #tpu.memory_space<hbm>>
      tpu.enqueue_indirect_dma source(%dma_start3A_296 : memref<10000x128xf32, #tpu.memory_space<hbm>>) target(%arg21 : memref<80x128xf32, #tpu.memory_space<vmem>>) offsets(%arg19 : memref<80xi32, #tpu.memory_space<vmem>>) semaphore(%arg25 : memref<!tpu.dma_semaphore, #tpu.memory_space<semaphore_mem>>)
      %dma_wait3A = arith.constant 0 : i32
      %dma_wait3A_297 = arith.constant 0 : i32
      %dma_wait3A_298 = tpu.memref_slice %arg2[%dma_wait3A, %dma_wait3A_297] : memref<10000x128xf32, #tpu.memory_space<hbm>> -> memref<10000x128xf32, #tpu.memory_space<hbm>>
      tpu.wait_indirect_dma semaphore(%arg25 : memref<!tpu.dma_semaphore, #tpu.memory_space<semaphore_mem>>) src(%dma_wait3A_298 : memref<10000x128xf32, #tpu.memory_space<hbm>>) dst(%arg21 : memref<80x128xf32, #tpu.memory_space<vmem>>)
      "tpu.region"() ({
        %run_scoped3A = tpu.sem_alloc : memref<!tpu.dma_semaphore, #tpu.memory_space<semaphore_mem>>
        %dma_start3A_299 = arith.constant 0 : i32
        %dma_start3A_300 = arith.constant 0 : i32
        %dma_start3A_301 = tpu.memref_slice %arg23[%dma_start3A_299, %dma_start3A_300] : memref<6408x128xf32, #tpu.memory_space<vmem_shared>> -> memref<6408x128xf32, #tpu.memory_space<vmem_shared>>
        tpu.enqueue_indirect_dma source(%arg21 : memref<80x128xf32, #tpu.memory_space<vmem>>) target(%dma_start3A_301 : memref<6408x128xf32, #tpu.memory_space<vmem_shared>>) offsets(%arg20 : memref<80xi32, #tpu.memory_space<vmem>>) semaphore(%run_scoped3A : memref<!tpu.dma_semaphore, #tpu.memory_space<semaphore_mem>>) {add = true}
        %dma_wait3A_302 = arith.constant 0 : i32
        %dma_wait3A_303 = arith.constant 0 : i32
        %dma_wait3A_304 = tpu.memref_slice %arg23[%dma_wait3A_302, %dma_wait3A_303] : memref<6408x128xf32, #tpu.memory_space<vmem_shared>> -> memref<6408x128xf32, #tpu.memory_space<vmem_shared>>
        tpu.wait_indirect_dma semaphore(%run_scoped3A : memref<!tpu.dma_semaphore, #tpu.memory_space<semaphore_mem>>) src(%arg21 : memref<80x128xf32, #tpu.memory_space<vmem>>) dst(%dma_wait3A_304 : memref<6408x128xf32, #tpu.memory_space<vmem_shared>>)
        tpu.yield
      }) : () -> ()
      "tpu.region"() ({
        %run_scoped3A = tpu.sem_alloc : memref<!tpu.dma_semaphore, #tpu.memory_space<semaphore_mem>>
        %dma_start3A_299 = arith.constant 0 : i32
        %dma_start3A_300 = arith.constant 0 : i32
        %dma_start3A_301 = tpu.memref_slice %arg24[%dma_start3A_299, %dma_start3A_300] : memref<6408x128xf32, #tpu.memory_space<vmem_shared>> -> memref<6408x128xf32, #tpu.memory_space<vmem_shared>>
        tpu.enqueue_indirect_dma source(%arg22 : memref<80x128xf32, #tpu.memory_space<vmem>>) target(%dma_start3A_301 : memref<6408x128xf32, #tpu.memory_space<vmem_shared>>) offsets(%arg20 : memref<80xi32, #tpu.memory_space<vmem>>) semaphore(%run_scoped3A : memref<!tpu.dma_semaphore, #tpu.memory_space<semaphore_mem>>) {add = true}
        %dma_wait3A_302 = arith.constant 0 : i32
        %dma_wait3A_303 = arith.constant 0 : i32
        %dma_wait3A_304 = tpu.memref_slice %arg24[%dma_wait3A_302, %dma_wait3A_303] : memref<6408x128xf32, #tpu.memory_space<vmem_shared>> -> memref<6408x128xf32, #tpu.memory_space<vmem_shared>>
        tpu.wait_indirect_dma semaphore(%run_scoped3A : memref<!tpu.dma_semaphore, #tpu.memory_space<semaphore_mem>>) src(%arg22 : memref<80x128xf32, #tpu.memory_space<vmem>>) dst(%dma_wait3A_304 : memref<6408x128xf32, #tpu.memory_space<vmem_shared>>)
        tpu.yield
      }) : () -> ()
    }
    %scan3A_129 = arith.constant 125 : i32
    %barrier3A_130 = arith.constant 0 : index
    tpu.barrier barrier_id(%barrier3A_130)
    %mul3A_131 = arith.constant 51200 : i32
    %mul3A_132 = arith.muli %arg0, %mul3A_131 : i32
    %add3A_133 = arith.constant 32000 : i32
    %add3A_134 = arith.addi %mul3A_132, %add3A_133 : i32
    %mul3A_135 = arith.constant 400 : i32
    %mul3A_136 = arith.muli %arg1, %mul3A_135 : i32
    %add3A_137 = arith.addi %add3A_134, %mul3A_136 : i32
    %mul3A_138 = arith.constant 400 : i32
    %mul3A_139 = arith.muli %arg1, %mul3A_138 : i32
    "tpu.region"() ({
      %run_scoped3A = tpu.sem_alloc : memref<!tpu.dma_semaphore, #tpu.memory_space<semaphore_mem>>
      %dma_start3A = arith.constant 0 : i32
      %dma_start3A_287 = tpu.memref_slice %arg13[%add3A_137, %dma_start3A] : memref<102400x128xf32, #tpu.memory_space<hbm>> -> memref<400x128xf32, #tpu.memory_space<hbm>>
      %dma_start3A_288 = arith.constant 0 : i32
      %dma_start3A_289 = tpu.memref_slice %arg23[%mul3A_139, %dma_start3A_288] : memref<6408x128xf32, #tpu.memory_space<vmem_shared>> -> memref<400x128xf32, #tpu.memory_space<vmem_shared>>
      tpu.enqueue_dma source(%dma_start3A_289 : memref<400x128xf32, #tpu.memory_space<vmem_shared>>) target(%dma_start3A_287 : memref<400x128xf32, #tpu.memory_space<hbm>>) target_semaphore(%run_scoped3A : memref<!tpu.dma_semaphore, #tpu.memory_space<semaphore_mem>>)
      %dma_wait3A = arith.constant 0 : i32
      %dma_wait3A_290 = tpu.memref_slice %arg13[%add3A_137, %dma_wait3A] : memref<102400x128xf32, #tpu.memory_space<hbm>> -> memref<400x128xf32, #tpu.memory_space<hbm>>
      %dma_wait3A_291 = arith.constant 0 : i32
      %dma_wait3A_292 = tpu.memref_slice %arg23[%mul3A_139, %dma_wait3A_291] : memref<6408x128xf32, #tpu.memory_space<vmem_shared>> -> memref<400x128xf32, #tpu.memory_space<vmem_shared>>
      tpu.wait_dma2 semaphore(%run_scoped3A : memref<!tpu.dma_semaphore, #tpu.memory_space<semaphore_mem>>) src(%dma_wait3A_292 : memref<400x128xf32, #tpu.memory_space<vmem_shared>>) dst(%dma_wait3A_290 : memref<400x128xf32, #tpu.memory_space<hbm>>)
      tpu.yield
    }) : () -> ()
    %mul3A_140 = arith.constant 400 : i32
    %mul3A_141 = arith.muli %arg1, %mul3A_140 : i32
    "tpu.region"() ({
      %run_scoped3A = tpu.sem_alloc : memref<!tpu.dma_semaphore, #tpu.memory_space<semaphore_mem>>
      %dma_start3A = arith.constant 0 : i32
      %dma_start3A_287 = tpu.memref_slice %arg14[%add3A_137, %dma_start3A] : memref<102400x128xf32, #tpu.memory_space<hbm>> -> memref<400x128xf32, #tpu.memory_space<hbm>>
      %dma_start3A_288 = arith.constant 0 : i32
      %dma_start3A_289 = tpu.memref_slice %arg24[%mul3A_141, %dma_start3A_288] : memref<6408x128xf32, #tpu.memory_space<vmem_shared>> -> memref<400x128xf32, #tpu.memory_space<vmem_shared>>
      tpu.enqueue_dma source(%dma_start3A_289 : memref<400x128xf32, #tpu.memory_space<vmem_shared>>) target(%dma_start3A_287 : memref<400x128xf32, #tpu.memory_space<hbm>>) target_semaphore(%run_scoped3A : memref<!tpu.dma_semaphore, #tpu.memory_space<semaphore_mem>>)
      %dma_wait3A = arith.constant 0 : i32
      %dma_wait3A_290 = tpu.memref_slice %arg14[%add3A_137, %dma_wait3A] : memref<102400x128xf32, #tpu.memory_space<hbm>> -> memref<400x128xf32, #tpu.memory_space<hbm>>
      %dma_wait3A_291 = arith.constant 0 : i32
      %dma_wait3A_292 = tpu.memref_slice %arg24[%mul3A_141, %dma_wait3A_291] : memref<6408x128xf32, #tpu.memory_space<vmem_shared>> -> memref<400x128xf32, #tpu.memory_space<vmem_shared>>
      tpu.wait_dma2 semaphore(%run_scoped3A : memref<!tpu.dma_semaphore, #tpu.memory_space<semaphore_mem>>) src(%dma_wait3A_292 : memref<400x128xf32, #tpu.memory_space<vmem_shared>>) dst(%dma_wait3A_290 : memref<400x128xf32, #tpu.memory_space<hbm>>)
      tpu.yield
    }) : () -> ()
    %barrier3A_142 = arith.constant 0 : index
    tpu.barrier barrier_id(%barrier3A_142)
    %mul3A_143 = arith.constant 400 : i32
    %mul3A_144 = arith.muli %arg1, %mul3A_143 : i32
    "tpu.region"() ({
      %run_scoped3A = tpu.sem_alloc : memref<!tpu.dma_semaphore, #tpu.memory_space<semaphore_mem>>
      %dma_start3A = arith.constant 0 : i32
      %dma_start3A_287 = tpu.memref_slice %arg23[%mul3A_144, %dma_start3A] : memref<6408x128xf32, #tpu.memory_space<vmem_shared>> -> memref<400x128xf32, #tpu.memory_space<vmem_shared>>
      %dma_start3A_288 = arith.constant 0 : i32
      %dma_start3A_289 = arith.constant 0 : i32
      %dma_start3A_290 = tpu.memref_slice %arg12[%dma_start3A_288, %dma_start3A_289] : memref<400x128xf32, #tpu.memory_space<hbm>> -> memref<400x128xf32, #tpu.memory_space<hbm>>
      tpu.enqueue_dma source(%dma_start3A_290 : memref<400x128xf32, #tpu.memory_space<hbm>>) target(%dma_start3A_287 : memref<400x128xf32, #tpu.memory_space<vmem_shared>>) target_semaphore(%run_scoped3A : memref<!tpu.dma_semaphore, #tpu.memory_space<semaphore_mem>>)
      %dma_wait3A = arith.constant 0 : i32
      %dma_wait3A_291 = tpu.memref_slice %arg23[%mul3A_144, %dma_wait3A] : memref<6408x128xf32, #tpu.memory_space<vmem_shared>> -> memref<400x128xf32, #tpu.memory_space<vmem_shared>>
      %dma_wait3A_292 = arith.constant 0 : i32
      %dma_wait3A_293 = arith.constant 0 : i32
      %dma_wait3A_294 = tpu.memref_slice %arg12[%dma_wait3A_292, %dma_wait3A_293] : memref<400x128xf32, #tpu.memory_space<hbm>> -> memref<400x128xf32, #tpu.memory_space<hbm>>
      tpu.wait_dma2 semaphore(%run_scoped3A : memref<!tpu.dma_semaphore, #tpu.memory_space<semaphore_mem>>) src(%dma_wait3A_294 : memref<400x128xf32, #tpu.memory_space<hbm>>) dst(%dma_wait3A_291 : memref<400x128xf32, #tpu.memory_space<vmem_shared>>)
      tpu.yield
    }) : () -> ()
    %mul3A_145 = arith.constant 400 : i32
    %mul3A_146 = arith.muli %arg1, %mul3A_145 : i32
    "tpu.region"() ({
      %run_scoped3A = tpu.sem_alloc : memref<!tpu.dma_semaphore, #tpu.memory_space<semaphore_mem>>
      %dma_start3A = arith.constant 0 : i32
      %dma_start3A_287 = tpu.memref_slice %arg24[%mul3A_146, %dma_start3A] : memref<6408x128xf32, #tpu.memory_space<vmem_shared>> -> memref<400x128xf32, #tpu.memory_space<vmem_shared>>
      %dma_start3A_288 = arith.constant 0 : i32
      %dma_start3A_289 = arith.constant 0 : i32
      %dma_start3A_290 = tpu.memref_slice %arg12[%dma_start3A_288, %dma_start3A_289] : memref<400x128xf32, #tpu.memory_space<hbm>> -> memref<400x128xf32, #tpu.memory_space<hbm>>
      tpu.enqueue_dma source(%dma_start3A_290 : memref<400x128xf32, #tpu.memory_space<hbm>>) target(%dma_start3A_287 : memref<400x128xf32, #tpu.memory_space<vmem_shared>>) target_semaphore(%run_scoped3A : memref<!tpu.dma_semaphore, #tpu.memory_space<semaphore_mem>>)
      %dma_wait3A = arith.constant 0 : i32
      %dma_wait3A_291 = tpu.memref_slice %arg24[%mul3A_146, %dma_wait3A] : memref<6408x128xf32, #tpu.memory_space<vmem_shared>> -> memref<400x128xf32, #tpu.memory_space<vmem_shared>>
      %dma_wait3A_292 = arith.constant 0 : i32
      %dma_wait3A_293 = arith.constant 0 : i32
      %dma_wait3A_294 = tpu.memref_slice %arg12[%dma_wait3A_292, %dma_wait3A_293] : memref<400x128xf32, #tpu.memory_space<hbm>> -> memref<400x128xf32, #tpu.memory_space<hbm>>
      tpu.wait_dma2 semaphore(%run_scoped3A : memref<!tpu.dma_semaphore, #tpu.memory_space<semaphore_mem>>) src(%dma_wait3A_294 : memref<400x128xf32, #tpu.memory_space<hbm>>) dst(%dma_wait3A_291 : memref<400x128xf32, #tpu.memory_space<vmem_shared>>)
      tpu.yield
    }) : () -> ()
    %barrier3A_147 = arith.constant 0 : index
    tpu.barrier barrier_id(%barrier3A_147)
    %scan3A_148 = arith.constant 0 : i32
    %scan3A_149 = arith.constant 0 : i32
    %scan3A_150 = arith.constant 125 : i32
    %scan3A_151 = arith.addi %scan3A_149, %scan3A_150 : i32
    %scan3A_152 = arith.constant 1 : i32
    scf.for %scan3A_287 = %scan3A_149 to %scan3A_151 step %scan3A_152  : i32 {
      %mul3A_288 = arith.constant 10000 : i32
      %mul3A_289 = arith.muli %add3A, %mul3A_288 : i32
      %mul3A_290 = arith.constant 80 : i32
      %mul3A_291 = arith.muli %scan3A_287, %mul3A_290 : i32
      %add3A_292 = arith.addi %mul3A_289, %mul3A_291 : i32
      "tpu.region"() ({
        %run_scoped3A = tpu.sem_alloc : memref<!tpu.dma_semaphore, #tpu.memory_space<semaphore_mem>>
        %dma_start3A_299 = tpu.memref_slice %arg3[%add3A_292] : memref<320000xi32, #tpu.memory_space<hbm>> -> memref<80xi32, #tpu.memory_space<hbm>>
        %dma_start3A_300 = tpu.memref_slice %arg3[%add3A_292] : memref<320000xi32, #tpu.memory_space<hbm>> -> memref<80xi32, #tpu.memory_space<hbm>>
        tpu.enqueue_dma source(%dma_start3A_300 : memref<80xi32, #tpu.memory_space<hbm>>) target(%arg19 : memref<80xi32, #tpu.memory_space<vmem>>) target_semaphore(%run_scoped3A : memref<!tpu.dma_semaphore, #tpu.memory_space<semaphore_mem>>)
        %dma_wait3A_301 = tpu.memref_slice %arg3[%add3A_292] : memref<320000xi32, #tpu.memory_space<hbm>> -> memref<80xi32, #tpu.memory_space<hbm>>
        %dma_wait3A_302 = tpu.memref_slice %arg3[%add3A_292] : memref<320000xi32, #tpu.memory_space<hbm>> -> memref<80xi32, #tpu.memory_space<hbm>>
        tpu.wait_dma2 semaphore(%run_scoped3A : memref<!tpu.dma_semaphore, #tpu.memory_space<semaphore_mem>>) src(%dma_wait3A_302 : memref<80xi32, #tpu.memory_space<hbm>>) dst(%arg19 : memref<80xi32, #tpu.memory_space<vmem>>)
        tpu.yield
      }) : () -> ()
      %add3A_293 = arith.constant 1920000 : i32
      %add3A_294 = arith.addi %add3A_293, %add3A_292 : i32
      "tpu.region"() ({
        %run_scoped3A = tpu.sem_alloc : memref<!tpu.dma_semaphore, #tpu.memory_space<semaphore_mem>>
        %dma_start3A_299 = tpu.memref_slice %arg8[%add3A_294] : memref<2560000xi32, #tpu.memory_space<hbm>> -> memref<80xi32, #tpu.memory_space<hbm>>
        %dma_start3A_300 = tpu.memref_slice %arg8[%add3A_294] : memref<2560000xi32, #tpu.memory_space<hbm>> -> memref<80xi32, #tpu.memory_space<hbm>>
        tpu.enqueue_dma source(%dma_start3A_300 : memref<80xi32, #tpu.memory_space<hbm>>) target(%arg20 : memref<80xi32, #tpu.memory_space<vmem>>) target_semaphore(%run_scoped3A : memref<!tpu.dma_semaphore, #tpu.memory_space<semaphore_mem>>)
        %dma_wait3A_301 = tpu.memref_slice %arg8[%add3A_294] : memref<2560000xi32, #tpu.memory_space<hbm>> -> memref<80xi32, #tpu.memory_space<hbm>>
        %dma_wait3A_302 = tpu.memref_slice %arg8[%add3A_294] : memref<2560000xi32, #tpu.memory_space<hbm>> -> memref<80xi32, #tpu.memory_space<hbm>>
        tpu.wait_dma2 semaphore(%run_scoped3A : memref<!tpu.dma_semaphore, #tpu.memory_space<semaphore_mem>>) src(%dma_wait3A_302 : memref<80xi32, #tpu.memory_space<hbm>>) dst(%arg20 : memref<80xi32, #tpu.memory_space<vmem>>)
        tpu.yield
      }) : () -> ()
      %dma_start3A = arith.constant 0 : i32
      %dma_start3A_295 = arith.constant 0 : i32
      %dma_start3A_296 = tpu.memref_slice %arg2[%dma_start3A, %dma_start3A_295] : memref<10000x128xf32, #tpu.memory_space<hbm>> -> memref<10000x128xf32, #tpu.memory_space<hbm>>
      tpu.enqueue_indirect_dma source(%dma_start3A_296 : memref<10000x128xf32, #tpu.memory_space<hbm>>) target(%arg21 : memref<80x128xf32, #tpu.memory_space<vmem>>) offsets(%arg19 : memref<80xi32, #tpu.memory_space<vmem>>) semaphore(%arg25 : memref<!tpu.dma_semaphore, #tpu.memory_space<semaphore_mem>>)
      %dma_wait3A = arith.constant 0 : i32
      %dma_wait3A_297 = arith.constant 0 : i32
      %dma_wait3A_298 = tpu.memref_slice %arg2[%dma_wait3A, %dma_wait3A_297] : memref<10000x128xf32, #tpu.memory_space<hbm>> -> memref<10000x128xf32, #tpu.memory_space<hbm>>
      tpu.wait_indirect_dma semaphore(%arg25 : memref<!tpu.dma_semaphore, #tpu.memory_space<semaphore_mem>>) src(%dma_wait3A_298 : memref<10000x128xf32, #tpu.memory_space<hbm>>) dst(%arg21 : memref<80x128xf32, #tpu.memory_space<vmem>>)
      "tpu.region"() ({
        %run_scoped3A = tpu.sem_alloc : memref<!tpu.dma_semaphore, #tpu.memory_space<semaphore_mem>>
        %dma_start3A_299 = arith.constant 0 : i32
        %dma_start3A_300 = arith.constant 0 : i32
        %dma_start3A_301 = tpu.memref_slice %arg23[%dma_start3A_299, %dma_start3A_300] : memref<6408x128xf32, #tpu.memory_space<vmem_shared>> -> memref<6408x128xf32, #tpu.memory_space<vmem_shared>>
        tpu.enqueue_indirect_dma source(%arg21 : memref<80x128xf32, #tpu.memory_space<vmem>>) target(%dma_start3A_301 : memref<6408x128xf32, #tpu.memory_space<vmem_shared>>) offsets(%arg20 : memref<80xi32, #tpu.memory_space<vmem>>) semaphore(%run_scoped3A : memref<!tpu.dma_semaphore, #tpu.memory_space<semaphore_mem>>) {add = true}
        %dma_wait3A_302 = arith.constant 0 : i32
        %dma_wait3A_303 = arith.constant 0 : i32
        %dma_wait3A_304 = tpu.memref_slice %arg23[%dma_wait3A_302, %dma_wait3A_303] : memref<6408x128xf32, #tpu.memory_space<vmem_shared>> -> memref<6408x128xf32, #tpu.memory_space<vmem_shared>>
        tpu.wait_indirect_dma semaphore(%run_scoped3A : memref<!tpu.dma_semaphore, #tpu.memory_space<semaphore_mem>>) src(%arg21 : memref<80x128xf32, #tpu.memory_space<vmem>>) dst(%dma_wait3A_304 : memref<6408x128xf32, #tpu.memory_space<vmem_shared>>)
        tpu.yield
      }) : () -> ()
      "tpu.region"() ({
        %run_scoped3A = tpu.sem_alloc : memref<!tpu.dma_semaphore, #tpu.memory_space<semaphore_mem>>
        %dma_start3A_299 = arith.constant 0 : i32
        %dma_start3A_300 = arith.constant 0 : i32
        %dma_start3A_301 = tpu.memref_slice %arg24[%dma_start3A_299, %dma_start3A_300] : memref<6408x128xf32, #tpu.memory_space<vmem_shared>> -> memref<6408x128xf32, #tpu.memory_space<vmem_shared>>
        tpu.enqueue_indirect_dma source(%arg22 : memref<80x128xf32, #tpu.memory_space<vmem>>) target(%dma_start3A_301 : memref<6408x128xf32, #tpu.memory_space<vmem_shared>>) offsets(%arg20 : memref<80xi32, #tpu.memory_space<vmem>>) semaphore(%run_scoped3A : memref<!tpu.dma_semaphore, #tpu.memory_space<semaphore_mem>>) {add = true}
        %dma_wait3A_302 = arith.constant 0 : i32
        %dma_wait3A_303 = arith.constant 0 : i32
        %dma_wait3A_304 = tpu.memref_slice %arg24[%dma_wait3A_302, %dma_wait3A_303] : memref<6408x128xf32, #tpu.memory_space<vmem_shared>> -> memref<6408x128xf32, #tpu.memory_space<vmem_shared>>
        tpu.wait_indirect_dma semaphore(%run_scoped3A : memref<!tpu.dma_semaphore, #tpu.memory_space<semaphore_mem>>) src(%arg22 : memref<80x128xf32, #tpu.memory_space<vmem>>) dst(%dma_wait3A_304 : memref<6408x128xf32, #tpu.memory_space<vmem_shared>>)
        tpu.yield
      }) : () -> ()
    }
    %scan3A_153 = arith.constant 125 : i32
    %barrier3A_154 = arith.constant 0 : index
    tpu.barrier barrier_id(%barrier3A_154)
    %mul3A_155 = arith.constant 51200 : i32
    %mul3A_156 = arith.muli %arg0, %mul3A_155 : i32
    %add3A_157 = arith.constant 38400 : i32
    %add3A_158 = arith.addi %mul3A_156, %add3A_157 : i32
    %mul3A_159 = arith.constant 400 : i32
    %mul3A_160 = arith.muli %arg1, %mul3A_159 : i32
    %add3A_161 = arith.addi %add3A_158, %mul3A_160 : i32
    %mul3A_162 = arith.constant 400 : i32
    %mul3A_163 = arith.muli %arg1, %mul3A_162 : i32
    "tpu.region"() ({
      %run_scoped3A = tpu.sem_alloc : memref<!tpu.dma_semaphore, #tpu.memory_space<semaphore_mem>>
      %dma_start3A = arith.constant 0 : i32
      %dma_start3A_287 = tpu.memref_slice %arg13[%add3A_161, %dma_start3A] : memref<102400x128xf32, #tpu.memory_space<hbm>> -> memref<400x128xf32, #tpu.memory_space<hbm>>
      %dma_start3A_288 = arith.constant 0 : i32
      %dma_start3A_289 = tpu.memref_slice %arg23[%mul3A_163, %dma_start3A_288] : memref<6408x128xf32, #tpu.memory_space<vmem_shared>> -> memref<400x128xf32, #tpu.memory_space<vmem_shared>>
      tpu.enqueue_dma source(%dma_start3A_289 : memref<400x128xf32, #tpu.memory_space<vmem_shared>>) target(%dma_start3A_287 : memref<400x128xf32, #tpu.memory_space<hbm>>) target_semaphore(%run_scoped3A : memref<!tpu.dma_semaphore, #tpu.memory_space<semaphore_mem>>)
      %dma_wait3A = arith.constant 0 : i32
      %dma_wait3A_290 = tpu.memref_slice %arg13[%add3A_161, %dma_wait3A] : memref<102400x128xf32, #tpu.memory_space<hbm>> -> memref<400x128xf32, #tpu.memory_space<hbm>>
      %dma_wait3A_291 = arith.constant 0 : i32
      %dma_wait3A_292 = tpu.memref_slice %arg23[%mul3A_163, %dma_wait3A_291] : memref<6408x128xf32, #tpu.memory_space<vmem_shared>> -> memref<400x128xf32, #tpu.memory_space<vmem_shared>>
      tpu.wait_dma2 semaphore(%run_scoped3A : memref<!tpu.dma_semaphore, #tpu.memory_space<semaphore_mem>>) src(%dma_wait3A_292 : memref<400x128xf32, #tpu.memory_space<vmem_shared>>) dst(%dma_wait3A_290 : memref<400x128xf32, #tpu.memory_space<hbm>>)
      tpu.yield
    }) : () -> ()
    %mul3A_164 = arith.constant 400 : i32
    %mul3A_165 = arith.muli %arg1, %mul3A_164 : i32
    "tpu.region"() ({
      %run_scoped3A = tpu.sem_alloc : memref<!tpu.dma_semaphore, #tpu.memory_space<semaphore_mem>>
      %dma_start3A = arith.constant 0 : i32
      %dma_start3A_287 = tpu.memref_slice %arg14[%add3A_161, %dma_start3A] : memref<102400x128xf32, #tpu.memory_space<hbm>> -> memref<400x128xf32, #tpu.memory_space<hbm>>
      %dma_start3A_288 = arith.constant 0 : i32
      %dma_start3A_289 = tpu.memref_slice %arg24[%mul3A_165, %dma_start3A_288] : memref<6408x128xf32, #tpu.memory_space<vmem_shared>> -> memref<400x128xf32, #tpu.memory_space<vmem_shared>>
      tpu.enqueue_dma source(%dma_start3A_289 : memref<400x128xf32, #tpu.memory_space<vmem_shared>>) target(%dma_start3A_287 : memref<400x128xf32, #tpu.memory_space<hbm>>) target_semaphore(%run_scoped3A : memref<!tpu.dma_semaphore, #tpu.memory_space<semaphore_mem>>)
      %dma_wait3A = arith.constant 0 : i32
      %dma_wait3A_290 = tpu.memref_slice %arg14[%add3A_161, %dma_wait3A] : memref<102400x128xf32, #tpu.memory_space<hbm>> -> memref<400x128xf32, #tpu.memory_space<hbm>>
      %dma_wait3A_291 = arith.constant 0 : i32
      %dma_wait3A_292 = tpu.memref_slice %arg24[%mul3A_165, %dma_wait3A_291] : memref<6408x128xf32, #tpu.memory_space<vmem_shared>> -> memref<400x128xf32, #tpu.memory_space<vmem_shared>>
      tpu.wait_dma2 semaphore(%run_scoped3A : memref<!tpu.dma_semaphore, #tpu.memory_space<semaphore_mem>>) src(%dma_wait3A_292 : memref<400x128xf32, #tpu.memory_space<vmem_shared>>) dst(%dma_wait3A_290 : memref<400x128xf32, #tpu.memory_space<hbm>>)
      tpu.yield
    }) : () -> ()
    %barrier3A_166 = arith.constant 0 : index
    tpu.barrier barrier_id(%barrier3A_166)
    %mul3A_167 = arith.constant 400 : i32
    %mul3A_168 = arith.muli %arg1, %mul3A_167 : i32
    "tpu.region"() ({
      %run_scoped3A = tpu.sem_alloc : memref<!tpu.dma_semaphore, #tpu.memory_space<semaphore_mem>>
      %dma_start3A = arith.constant 0 : i32
      %dma_start3A_287 = tpu.memref_slice %arg23[%mul3A_168, %dma_start3A] : memref<6408x128xf32, #tpu.memory_space<vmem_shared>> -> memref<400x128xf32, #tpu.memory_space<vmem_shared>>
      %dma_start3A_288 = arith.constant 0 : i32
      %dma_start3A_289 = arith.constant 0 : i32
      %dma_start3A_290 = tpu.memref_slice %arg12[%dma_start3A_288, %dma_start3A_289] : memref<400x128xf32, #tpu.memory_space<hbm>> -> memref<400x128xf32, #tpu.memory_space<hbm>>
      tpu.enqueue_dma source(%dma_start3A_290 : memref<400x128xf32, #tpu.memory_space<hbm>>) target(%dma_start3A_287 : memref<400x128xf32, #tpu.memory_space<vmem_shared>>) target_semaphore(%run_scoped3A : memref<!tpu.dma_semaphore, #tpu.memory_space<semaphore_mem>>)
      %dma_wait3A = arith.constant 0 : i32
      %dma_wait3A_291 = tpu.memref_slice %arg23[%mul3A_168, %dma_wait3A] : memref<6408x128xf32, #tpu.memory_space<vmem_shared>> -> memref<400x128xf32, #tpu.memory_space<vmem_shared>>
      %dma_wait3A_292 = arith.constant 0 : i32
      %dma_wait3A_293 = arith.constant 0 : i32
      %dma_wait3A_294 = tpu.memref_slice %arg12[%dma_wait3A_292, %dma_wait3A_293] : memref<400x128xf32, #tpu.memory_space<hbm>> -> memref<400x128xf32, #tpu.memory_space<hbm>>
      tpu.wait_dma2 semaphore(%run_scoped3A : memref<!tpu.dma_semaphore, #tpu.memory_space<semaphore_mem>>) src(%dma_wait3A_294 : memref<400x128xf32, #tpu.memory_space<hbm>>) dst(%dma_wait3A_291 : memref<400x128xf32, #tpu.memory_space<vmem_shared>>)
      tpu.yield
    }) : () -> ()
    %mul3A_169 = arith.constant 400 : i32
    %mul3A_170 = arith.muli %arg1, %mul3A_169 : i32
    "tpu.region"() ({
      %run_scoped3A = tpu.sem_alloc : memref<!tpu.dma_semaphore, #tpu.memory_space<semaphore_mem>>
      %dma_start3A = arith.constant 0 : i32
      %dma_start3A_287 = tpu.memref_slice %arg24[%mul3A_170, %dma_start3A] : memref<6408x128xf32, #tpu.memory_space<vmem_shared>> -> memref<400x128xf32, #tpu.memory_space<vmem_shared>>
      %dma_start3A_288 = arith.constant 0 : i32
      %dma_start3A_289 = arith.constant 0 : i32
      %dma_start3A_290 = tpu.memref_slice %arg12[%dma_start3A_288, %dma_start3A_289] : memref<400x128xf32, #tpu.memory_space<hbm>> -> memref<400x128xf32, #tpu.memory_space<hbm>>
      tpu.enqueue_dma source(%dma_start3A_290 : memref<400x128xf32, #tpu.memory_space<hbm>>) target(%dma_start3A_287 : memref<400x128xf32, #tpu.memory_space<vmem_shared>>) target_semaphore(%run_scoped3A : memref<!tpu.dma_semaphore, #tpu.memory_space<semaphore_mem>>)
      %dma_wait3A = arith.constant 0 : i32
      %dma_wait3A_291 = tpu.memref_slice %arg24[%mul3A_170, %dma_wait3A] : memref<6408x128xf32, #tpu.memory_space<vmem_shared>> -> memref<400x128xf32, #tpu.memory_space<vmem_shared>>
      %dma_wait3A_292 = arith.constant 0 : i32
      %dma_wait3A_293 = arith.constant 0 : i32
      %dma_wait3A_294 = tpu.memref_slice %arg12[%dma_wait3A_292, %dma_wait3A_293] : memref<400x128xf32, #tpu.memory_space<hbm>> -> memref<400x128xf32, #tpu.memory_space<hbm>>
      tpu.wait_dma2 semaphore(%run_scoped3A : memref<!tpu.dma_semaphore, #tpu.memory_space<semaphore_mem>>) src(%dma_wait3A_294 : memref<400x128xf32, #tpu.memory_space<hbm>>) dst(%dma_wait3A_291 : memref<400x128xf32, #tpu.memory_space<vmem_shared>>)
      tpu.yield
    }) : () -> ()
    %barrier3A_171 = arith.constant 0 : index
    tpu.barrier barrier_id(%barrier3A_171)
    %scan3A_172 = arith.constant 0 : i32
    %scan3A_173 = arith.constant 0 : i32
    %scan3A_174 = arith.constant 125 : i32
    %scan3A_175 = arith.addi %scan3A_173, %scan3A_174 : i32
    %scan3A_176 = arith.constant 1 : i32
    scf.for %scan3A_287 = %scan3A_173 to %scan3A_175 step %scan3A_176  : i32 {
      %mul3A_288 = arith.constant 10000 : i32
      %mul3A_289 = arith.muli %add3A, %mul3A_288 : i32
      %mul3A_290 = arith.constant 80 : i32
      %mul3A_291 = arith.muli %scan3A_287, %mul3A_290 : i32
      %add3A_292 = arith.addi %mul3A_289, %mul3A_291 : i32
      "tpu.region"() ({
        %run_scoped3A = tpu.sem_alloc : memref<!tpu.dma_semaphore, #tpu.memory_space<semaphore_mem>>
        %dma_start3A_299 = tpu.memref_slice %arg3[%add3A_292] : memref<320000xi32, #tpu.memory_space<hbm>> -> memref<80xi32, #tpu.memory_space<hbm>>
        %dma_start3A_300 = tpu.memref_slice %arg3[%add3A_292] : memref<320000xi32, #tpu.memory_space<hbm>> -> memref<80xi32, #tpu.memory_space<hbm>>
        tpu.enqueue_dma source(%dma_start3A_300 : memref<80xi32, #tpu.memory_space<hbm>>) target(%arg19 : memref<80xi32, #tpu.memory_space<vmem>>) target_semaphore(%run_scoped3A : memref<!tpu.dma_semaphore, #tpu.memory_space<semaphore_mem>>)
        %dma_wait3A_301 = tpu.memref_slice %arg3[%add3A_292] : memref<320000xi32, #tpu.memory_space<hbm>> -> memref<80xi32, #tpu.memory_space<hbm>>
        %dma_wait3A_302 = tpu.memref_slice %arg3[%add3A_292] : memref<320000xi32, #tpu.memory_space<hbm>> -> memref<80xi32, #tpu.memory_space<hbm>>
        tpu.wait_dma2 semaphore(%run_scoped3A : memref<!tpu.dma_semaphore, #tpu.memory_space<semaphore_mem>>) src(%dma_wait3A_302 : memref<80xi32, #tpu.memory_space<hbm>>) dst(%arg19 : memref<80xi32, #tpu.memory_space<vmem>>)
        tpu.yield
      }) : () -> ()
      %add3A_293 = arith.constant 2240000 : i32
      %add3A_294 = arith.addi %add3A_293, %add3A_292 : i32
      "tpu.region"() ({
        %run_scoped3A = tpu.sem_alloc : memref<!tpu.dma_semaphore, #tpu.memory_space<semaphore_mem>>
        %dma_start3A_299 = tpu.memref_slice %arg8[%add3A_294] : memref<2560000xi32, #tpu.memory_space<hbm>> -> memref<80xi32, #tpu.memory_space<hbm>>
        %dma_start3A_300 = tpu.memref_slice %arg8[%add3A_294] : memref<2560000xi32, #tpu.memory_space<hbm>> -> memref<80xi32, #tpu.memory_space<hbm>>
        tpu.enqueue_dma source(%dma_start3A_300 : memref<80xi32, #tpu.memory_space<hbm>>) target(%arg20 : memref<80xi32, #tpu.memory_space<vmem>>) target_semaphore(%run_scoped3A : memref<!tpu.dma_semaphore, #tpu.memory_space<semaphore_mem>>)
        %dma_wait3A_301 = tpu.memref_slice %arg8[%add3A_294] : memref<2560000xi32, #tpu.memory_space<hbm>> -> memref<80xi32, #tpu.memory_space<hbm>>
        %dma_wait3A_302 = tpu.memref_slice %arg8[%add3A_294] : memref<2560000xi32, #tpu.memory_space<hbm>> -> memref<80xi32, #tpu.memory_space<hbm>>
        tpu.wait_dma2 semaphore(%run_scoped3A : memref<!tpu.dma_semaphore, #tpu.memory_space<semaphore_mem>>) src(%dma_wait3A_302 : memref<80xi32, #tpu.memory_space<hbm>>) dst(%arg20 : memref<80xi32, #tpu.memory_space<vmem>>)
        tpu.yield
      }) : () -> ()
      %dma_start3A = arith.constant 0 : i32
      %dma_start3A_295 = arith.constant 0 : i32
      %dma_start3A_296 = tpu.memref_slice %arg2[%dma_start3A, %dma_start3A_295] : memref<10000x128xf32, #tpu.memory_space<hbm>> -> memref<10000x128xf32, #tpu.memory_space<hbm>>
      tpu.enqueue_indirect_dma source(%dma_start3A_296 : memref<10000x128xf32, #tpu.memory_space<hbm>>) target(%arg21 : memref<80x128xf32, #tpu.memory_space<vmem>>) offsets(%arg19 : memref<80xi32, #tpu.memory_space<vmem>>) semaphore(%arg25 : memref<!tpu.dma_semaphore, #tpu.memory_space<semaphore_mem>>)
      %dma_wait3A = arith.constant 0 : i32
      %dma_wait3A_297 = arith.constant 0 : i32
      %dma_wait3A_298 = tpu.memref_slice %arg2[%dma_wait3A, %dma_wait3A_297] : memref<10000x128xf32, #tpu.memory_space<hbm>> -> memref<10000x128xf32, #tpu.memory_space<hbm>>
      tpu.wait_indirect_dma semaphore(%arg25 : memref<!tpu.dma_semaphore, #tpu.memory_space<semaphore_mem>>) src(%dma_wait3A_298 : memref<10000x128xf32, #tpu.memory_space<hbm>>) dst(%arg21 : memref<80x128xf32, #tpu.memory_space<vmem>>)
      "tpu.region"() ({
        %run_scoped3A = tpu.sem_alloc : memref<!tpu.dma_semaphore, #tpu.memory_space<semaphore_mem>>
        %dma_start3A_299 = arith.constant 0 : i32
        %dma_start3A_300 = arith.constant 0 : i32
        %dma_start3A_301 = tpu.memref_slice %arg23[%dma_start3A_299, %dma_start3A_300] : memref<6408x128xf32, #tpu.memory_space<vmem_shared>> -> memref<6408x128xf32, #tpu.memory_space<vmem_shared>>
        tpu.enqueue_indirect_dma source(%arg21 : memref<80x128xf32, #tpu.memory_space<vmem>>) target(%dma_start3A_301 : memref<6408x128xf32, #tpu.memory_space<vmem_shared>>) offsets(%arg20 : memref<80xi32, #tpu.memory_space<vmem>>) semaphore(%run_scoped3A : memref<!tpu.dma_semaphore, #tpu.memory_space<semaphore_mem>>) {add = true}
        %dma_wait3A_302 = arith.constant 0 : i32
        %dma_wait3A_303 = arith.constant 0 : i32
        %dma_wait3A_304 = tpu.memref_slice %arg23[%dma_wait3A_302, %dma_wait3A_303] : memref<6408x128xf32, #tpu.memory_space<vmem_shared>> -> memref<6408x128xf32, #tpu.memory_space<vmem_shared>>
        tpu.wait_indirect_dma semaphore(%run_scoped3A : memref<!tpu.dma_semaphore, #tpu.memory_space<semaphore_mem>>) src(%arg21 : memref<80x128xf32, #tpu.memory_space<vmem>>) dst(%dma_wait3A_304 : memref<6408x128xf32, #tpu.memory_space<vmem_shared>>)
        tpu.yield
      }) : () -> ()
      "tpu.region"() ({
        %run_scoped3A = tpu.sem_alloc : memref<!tpu.dma_semaphore, #tpu.memory_space<semaphore_mem>>
        %dma_start3A_299 = arith.constant 0 : i32
        %dma_start3A_300 = arith.constant 0 : i32
        %dma_start3A_301 = tpu.memref_slice %arg24[%dma_start3A_299, %dma_start3A_300] : memref<6408x128xf32, #tpu.memory_space<vmem_shared>> -> memref<6408x128xf32, #tpu.memory_space<vmem_shared>>
        tpu.enqueue_indirect_dma source(%arg22 : memref<80x128xf32, #tpu.memory_space<vmem>>) target(%dma_start3A_301 : memref<6408x128xf32, #tpu.memory_space<vmem_shared>>) offsets(%arg20 : memref<80xi32, #tpu.memory_space<vmem>>) semaphore(%run_scoped3A : memref<!tpu.dma_semaphore, #tpu.memory_space<semaphore_mem>>) {add = true}
        %dma_wait3A_302 = arith.constant 0 : i32
        %dma_wait3A_303 = arith.constant 0 : i32
        %dma_wait3A_304 = tpu.memref_slice %arg24[%dma_wait3A_302, %dma_wait3A_303] : memref<6408x128xf32, #tpu.memory_space<vmem_shared>> -> memref<6408x128xf32, #tpu.memory_space<vmem_shared>>
        tpu.wait_indirect_dma semaphore(%run_scoped3A : memref<!tpu.dma_semaphore, #tpu.memory_space<semaphore_mem>>) src(%arg22 : memref<80x128xf32, #tpu.memory_space<vmem>>) dst(%dma_wait3A_304 : memref<6408x128xf32, #tpu.memory_space<vmem_shared>>)
        tpu.yield
      }) : () -> ()
    }
    %scan3A_177 = arith.constant 125 : i32
    %barrier3A_178 = arith.constant 0 : index
    tpu.barrier barrier_id(%barrier3A_178)
    %mul3A_179 = arith.constant 51200 : i32
    %mul3A_180 = arith.muli %arg0, %mul3A_179 : i32
    %add3A_181 = arith.constant 44800 : i32
    %add3A_182 = arith.addi %mul3A_180, %add3A_181 : i32
    %mul3A_183 = arith.constant 400 : i32
    %mul3A_184 = arith.muli %arg1, %mul3A_183 : i32
    %add3A_185 = arith.addi %add3A_182, %mul3A_184 : i32
    %mul3A_186 = arith.constant 400 : i32
    %mul3A_187 = arith.muli %arg1, %mul3A_186 : i32
    "tpu.region"() ({
      %run_scoped3A = tpu.sem_alloc : memref<!tpu.dma_semaphore, #tpu.memory_space<semaphore_mem>>
      %dma_start3A = arith.constant 0 : i32
      %dma_start3A_287 = tpu.memref_slice %arg13[%add3A_185, %dma_start3A] : memref<102400x128xf32, #tpu.memory_space<hbm>> -> memref<400x128xf32, #tpu.memory_space<hbm>>
      %dma_start3A_288 = arith.constant 0 : i32
      %dma_start3A_289 = tpu.memref_slice %arg23[%mul3A_187, %dma_start3A_288] : memref<6408x128xf32, #tpu.memory_space<vmem_shared>> -> memref<400x128xf32, #tpu.memory_space<vmem_shared>>
      tpu.enqueue_dma source(%dma_start3A_289 : memref<400x128xf32, #tpu.memory_space<vmem_shared>>) target(%dma_start3A_287 : memref<400x128xf32, #tpu.memory_space<hbm>>) target_semaphore(%run_scoped3A : memref<!tpu.dma_semaphore, #tpu.memory_space<semaphore_mem>>)
      %dma_wait3A = arith.constant 0 : i32
      %dma_wait3A_290 = tpu.memref_slice %arg13[%add3A_185, %dma_wait3A] : memref<102400x128xf32, #tpu.memory_space<hbm>> -> memref<400x128xf32, #tpu.memory_space<hbm>>
      %dma_wait3A_291 = arith.constant 0 : i32
      %dma_wait3A_292 = tpu.memref_slice %arg23[%mul3A_187, %dma_wait3A_291] : memref<6408x128xf32, #tpu.memory_space<vmem_shared>> -> memref<400x128xf32, #tpu.memory_space<vmem_shared>>
      tpu.wait_dma2 semaphore(%run_scoped3A : memref<!tpu.dma_semaphore, #tpu.memory_space<semaphore_mem>>) src(%dma_wait3A_292 : memref<400x128xf32, #tpu.memory_space<vmem_shared>>) dst(%dma_wait3A_290 : memref<400x128xf32, #tpu.memory_space<hbm>>)
      tpu.yield
    }) : () -> ()
    %mul3A_188 = arith.constant 400 : i32
    %mul3A_189 = arith.muli %arg1, %mul3A_188 : i32
    "tpu.region"() ({
      %run_scoped3A = tpu.sem_alloc : memref<!tpu.dma_semaphore, #tpu.memory_space<semaphore_mem>>
      %dma_start3A = arith.constant 0 : i32
      %dma_start3A_287 = tpu.memref_slice %arg14[%add3A_185, %dma_start3A] : memref<102400x128xf32, #tpu.memory_space<hbm>> -> memref<400x128xf32, #tpu.memory_space<hbm>>
      %dma_start3A_288 = arith.constant 0 : i32
      %dma_start3A_289 = tpu.memref_slice %arg24[%mul3A_189, %dma_start3A_288] : memref<6408x128xf32, #tpu.memory_space<vmem_shared>> -> memref<400x128xf32, #tpu.memory_space<vmem_shared>>
      tpu.enqueue_dma source(%dma_start3A_289 : memref<400x128xf32, #tpu.memory_space<vmem_shared>>) target(%dma_start3A_287 : memref<400x128xf32, #tpu.memory_space<hbm>>) target_semaphore(%run_scoped3A : memref<!tpu.dma_semaphore, #tpu.memory_space<semaphore_mem>>)
      %dma_wait3A = arith.constant 0 : i32
      %dma_wait3A_290 = tpu.memref_slice %arg14[%add3A_185, %dma_wait3A] : memref<102400x128xf32, #tpu.memory_space<hbm>> -> memref<400x128xf32, #tpu.memory_space<hbm>>
      %dma_wait3A_291 = arith.constant 0 : i32
      %dma_wait3A_292 = tpu.memref_slice %arg24[%mul3A_189, %dma_wait3A_291] : memref<6408x128xf32, #tpu.memory_space<vmem_shared>> -> memref<400x128xf32, #tpu.memory_space<vmem_shared>>
      tpu.wait_dma2 semaphore(%run_scoped3A : memref<!tpu.dma_semaphore, #tpu.memory_space<semaphore_mem>>) src(%dma_wait3A_292 : memref<400x128xf32, #tpu.memory_space<vmem_shared>>) dst(%dma_wait3A_290 : memref<400x128xf32, #tpu.memory_space<hbm>>)
      tpu.yield
    }) : () -> ()
    %barrier3A_190 = arith.constant 0 : index
    tpu.barrier barrier_id(%barrier3A_190)
    %mul3A_191 = arith.constant 400 : i32
    %mul3A_192 = arith.muli %arg1, %mul3A_191 : i32
    "tpu.region"() ({
      %run_scoped3A = tpu.sem_alloc : memref<!tpu.dma_semaphore, #tpu.memory_space<semaphore_mem>>
      %dma_start3A = arith.constant 0 : i32
      %dma_start3A_287 = tpu.memref_slice %arg23[%mul3A_192, %dma_start3A] : memref<6408x128xf32, #tpu.memory_space<vmem_shared>> -> memref<400x128xf32, #tpu.memory_space<vmem_shared>>
      %dma_start3A_288 = arith.constant 0 : i32
      %dma_start3A_289 = arith.constant 0 : i32
      %dma_start3A_290 = tpu.memref_slice %arg12[%dma_start3A_288, %dma_start3A_289] : memref<400x128xf32, #tpu.memory_space<hbm>> -> memref<400x128xf32, #tpu.memory_space<hbm>>
      tpu.enqueue_dma source(%dma_start3A_290 : memref<400x128xf32, #tpu.memory_space<hbm>>) target(%dma_start3A_287 : memref<400x128xf32, #tpu.memory_space<vmem_shared>>) target_semaphore(%run_scoped3A : memref<!tpu.dma_semaphore, #tpu.memory_space<semaphore_mem>>)
      %dma_wait3A = arith.constant 0 : i32
      %dma_wait3A_291 = tpu.memref_slice %arg23[%mul3A_192, %dma_wait3A] : memref<6408x128xf32, #tpu.memory_space<vmem_shared>> -> memref<400x128xf32, #tpu.memory_space<vmem_shared>>
      %dma_wait3A_292 = arith.constant 0 : i32
      %dma_wait3A_293 = arith.constant 0 : i32
      %dma_wait3A_294 = tpu.memref_slice %arg12[%dma_wait3A_292, %dma_wait3A_293] : memref<400x128xf32, #tpu.memory_space<hbm>> -> memref<400x128xf32, #tpu.memory_space<hbm>>
      tpu.wait_dma2 semaphore(%run_scoped3A : memref<!tpu.dma_semaphore, #tpu.memory_space<semaphore_mem>>) src(%dma_wait3A_294 : memref<400x128xf32, #tpu.memory_space<hbm>>) dst(%dma_wait3A_291 : memref<400x128xf32, #tpu.memory_space<vmem_shared>>)
      tpu.yield
    }) : () -> ()
    %mul3A_193 = arith.constant 400 : i32
    %mul3A_194 = arith.muli %arg1, %mul3A_193 : i32
    "tpu.region"() ({
      %run_scoped3A = tpu.sem_alloc : memref<!tpu.dma_semaphore, #tpu.memory_space<semaphore_mem>>
      %dma_start3A = arith.constant 0 : i32
      %dma_start3A_287 = tpu.memref_slice %arg24[%mul3A_194, %dma_start3A] : memref<6408x128xf32, #tpu.memory_space<vmem_shared>> -> memref<400x128xf32, #tpu.memory_space<vmem_shared>>
      %dma_start3A_288 = arith.constant 0 : i32
      %dma_start3A_289 = arith.constant 0 : i32
      %dma_start3A_290 = tpu.memref_slice %arg12[%dma_start3A_288, %dma_start3A_289] : memref<400x128xf32, #tpu.memory_space<hbm>> -> memref<400x128xf32, #tpu.memory_space<hbm>>
      tpu.enqueue_dma source(%dma_start3A_290 : memref<400x128xf32, #tpu.memory_space<hbm>>) target(%dma_start3A_287 : memref<400x128xf32, #tpu.memory_space<vmem_shared>>) target_semaphore(%run_scoped3A : memref<!tpu.dma_semaphore, #tpu.memory_space<semaphore_mem>>)
      %dma_wait3A = arith.constant 0 : i32
      %dma_wait3A_291 = tpu.memref_slice %arg24[%mul3A_194, %dma_wait3A] : memref<6408x128xf32, #tpu.memory_space<vmem_shared>> -> memref<400x128xf32, #tpu.memory_space<vmem_shared>>
      %dma_wait3A_292 = arith.constant 0 : i32
      %dma_wait3A_293 = arith.constant 0 : i32
      %dma_wait3A_294 = tpu.memref_slice %arg12[%dma_wait3A_292, %dma_wait3A_293] : memref<400x128xf32, #tpu.memory_space<hbm>> -> memref<400x128xf32, #tpu.memory_space<hbm>>
      tpu.wait_dma2 semaphore(%run_scoped3A : memref<!tpu.dma_semaphore, #tpu.memory_space<semaphore_mem>>) src(%dma_wait3A_294 : memref<400x128xf32, #tpu.memory_space<hbm>>) dst(%dma_wait3A_291 : memref<400x128xf32, #tpu.memory_space<vmem_shared>>)
      tpu.yield
    }) : () -> ()
    %barrier3A_195 = arith.constant 0 : index
    tpu.barrier barrier_id(%barrier3A_195)
    %scan3A_196 = arith.constant 0 : i32
    %scan3A_197 = arith.constant 0 : i32
    %scan3A_198 = arith.constant 125 : i32
    %scan3A_199 = arith.addi %scan3A_197, %scan3A_198 : i32
    %scan3A_200 = arith.constant 1 : i32
    scf.for %scan3A_287 = %scan3A_197 to %scan3A_199 step %scan3A_200  : i32 {
      %mul3A_288 = arith.constant 10000 : i32
      %mul3A_289 = arith.muli %add3A, %mul3A_288 : i32
      %mul3A_290 = arith.constant 80 : i32
      %mul3A_291 = arith.muli %scan3A_287, %mul3A_290 : i32
      %add3A_292 = arith.addi %mul3A_289, %mul3A_291 : i32
      "tpu.region"() ({
        %run_scoped3A = tpu.sem_alloc : memref<!tpu.dma_semaphore, #tpu.memory_space<semaphore_mem>>
        %dma_start3A_299 = tpu.memref_slice %arg5[%add3A_292] : memref<320000xi32, #tpu.memory_space<hbm>> -> memref<80xi32, #tpu.memory_space<hbm>>
        %dma_start3A_300 = tpu.memref_slice %arg5[%add3A_292] : memref<320000xi32, #tpu.memory_space<hbm>> -> memref<80xi32, #tpu.memory_space<hbm>>
        tpu.enqueue_dma source(%dma_start3A_300 : memref<80xi32, #tpu.memory_space<hbm>>) target(%arg19 : memref<80xi32, #tpu.memory_space<vmem>>) target_semaphore(%run_scoped3A : memref<!tpu.dma_semaphore, #tpu.memory_space<semaphore_mem>>)
        %dma_wait3A_301 = tpu.memref_slice %arg5[%add3A_292] : memref<320000xi32, #tpu.memory_space<hbm>> -> memref<80xi32, #tpu.memory_space<hbm>>
        %dma_wait3A_302 = tpu.memref_slice %arg5[%add3A_292] : memref<320000xi32, #tpu.memory_space<hbm>> -> memref<80xi32, #tpu.memory_space<hbm>>
        tpu.wait_dma2 semaphore(%run_scoped3A : memref<!tpu.dma_semaphore, #tpu.memory_space<semaphore_mem>>) src(%dma_wait3A_302 : memref<80xi32, #tpu.memory_space<hbm>>) dst(%arg19 : memref<80xi32, #tpu.memory_space<vmem>>)
        tpu.yield
      }) : () -> ()
      %add3A_293 = arith.constant 0 : i32
      %add3A_294 = arith.addi %add3A_293, %add3A_292 : i32
      "tpu.region"() ({
        %run_scoped3A = tpu.sem_alloc : memref<!tpu.dma_semaphore, #tpu.memory_space<semaphore_mem>>
        %dma_start3A_299 = tpu.memref_slice %arg9[%add3A_294] : memref<640000xi32, #tpu.memory_space<hbm>> -> memref<80xi32, #tpu.memory_space<hbm>>
        %dma_start3A_300 = tpu.memref_slice %arg9[%add3A_294] : memref<640000xi32, #tpu.memory_space<hbm>> -> memref<80xi32, #tpu.memory_space<hbm>>
        tpu.enqueue_dma source(%dma_start3A_300 : memref<80xi32, #tpu.memory_space<hbm>>) target(%arg20 : memref<80xi32, #tpu.memory_space<vmem>>) target_semaphore(%run_scoped3A : memref<!tpu.dma_semaphore, #tpu.memory_space<semaphore_mem>>)
        %dma_wait3A_301 = tpu.memref_slice %arg9[%add3A_294] : memref<640000xi32, #tpu.memory_space<hbm>> -> memref<80xi32, #tpu.memory_space<hbm>>
        %dma_wait3A_302 = tpu.memref_slice %arg9[%add3A_294] : memref<640000xi32, #tpu.memory_space<hbm>> -> memref<80xi32, #tpu.memory_space<hbm>>
        tpu.wait_dma2 semaphore(%run_scoped3A : memref<!tpu.dma_semaphore, #tpu.memory_space<semaphore_mem>>) src(%dma_wait3A_302 : memref<80xi32, #tpu.memory_space<hbm>>) dst(%arg20 : memref<80xi32, #tpu.memory_space<vmem>>)
        tpu.yield
      }) : () -> ()
      %dma_start3A = arith.constant 0 : i32
      %dma_start3A_295 = arith.constant 0 : i32
      %dma_start3A_296 = tpu.memref_slice %arg4[%dma_start3A, %dma_start3A_295] : memref<50000x128xf32, #tpu.memory_space<hbm>> -> memref<50000x128xf32, #tpu.memory_space<hbm>>
      tpu.enqueue_indirect_dma source(%dma_start3A_296 : memref<50000x128xf32, #tpu.memory_space<hbm>>) target(%arg21 : memref<80x128xf32, #tpu.memory_space<vmem>>) offsets(%arg19 : memref<80xi32, #tpu.memory_space<vmem>>) semaphore(%arg25 : memref<!tpu.dma_semaphore, #tpu.memory_space<semaphore_mem>>)
      %dma_wait3A = arith.constant 0 : i32
      %dma_wait3A_297 = arith.constant 0 : i32
      %dma_wait3A_298 = tpu.memref_slice %arg4[%dma_wait3A, %dma_wait3A_297] : memref<50000x128xf32, #tpu.memory_space<hbm>> -> memref<50000x128xf32, #tpu.memory_space<hbm>>
      tpu.wait_indirect_dma semaphore(%arg25 : memref<!tpu.dma_semaphore, #tpu.memory_space<semaphore_mem>>) src(%dma_wait3A_298 : memref<50000x128xf32, #tpu.memory_space<hbm>>) dst(%arg21 : memref<80x128xf32, #tpu.memory_space<vmem>>)
      "tpu.region"() ({
        %run_scoped3A = tpu.sem_alloc : memref<!tpu.dma_semaphore, #tpu.memory_space<semaphore_mem>>
        %dma_start3A_299 = arith.constant 0 : i32
        %dma_start3A_300 = arith.constant 0 : i32
        %dma_start3A_301 = tpu.memref_slice %arg23[%dma_start3A_299, %dma_start3A_300] : memref<6408x128xf32, #tpu.memory_space<vmem_shared>> -> memref<6408x128xf32, #tpu.memory_space<vmem_shared>>
        tpu.enqueue_indirect_dma source(%arg21 : memref<80x128xf32, #tpu.memory_space<vmem>>) target(%dma_start3A_301 : memref<6408x128xf32, #tpu.memory_space<vmem_shared>>) offsets(%arg20 : memref<80xi32, #tpu.memory_space<vmem>>) semaphore(%run_scoped3A : memref<!tpu.dma_semaphore, #tpu.memory_space<semaphore_mem>>) {add = true}
        %dma_wait3A_302 = arith.constant 0 : i32
        %dma_wait3A_303 = arith.constant 0 : i32
        %dma_wait3A_304 = tpu.memref_slice %arg23[%dma_wait3A_302, %dma_wait3A_303] : memref<6408x128xf32, #tpu.memory_space<vmem_shared>> -> memref<6408x128xf32, #tpu.memory_space<vmem_shared>>
        tpu.wait_indirect_dma semaphore(%run_scoped3A : memref<!tpu.dma_semaphore, #tpu.memory_space<semaphore_mem>>) src(%arg21 : memref<80x128xf32, #tpu.memory_space<vmem>>) dst(%dma_wait3A_304 : memref<6408x128xf32, #tpu.memory_space<vmem_shared>>)
        tpu.yield
      }) : () -> ()
      "tpu.region"() ({
        %run_scoped3A = tpu.sem_alloc : memref<!tpu.dma_semaphore, #tpu.memory_space<semaphore_mem>>
        %dma_start3A_299 = arith.constant 0 : i32
        %dma_start3A_300 = arith.constant 0 : i32
        %dma_start3A_301 = tpu.memref_slice %arg24[%dma_start3A_299, %dma_start3A_300] : memref<6408x128xf32, #tpu.memory_space<vmem_shared>> -> memref<6408x128xf32, #tpu.memory_space<vmem_shared>>
        tpu.enqueue_indirect_dma source(%arg22 : memref<80x128xf32, #tpu.memory_space<vmem>>) target(%dma_start3A_301 : memref<6408x128xf32, #tpu.memory_space<vmem_shared>>) offsets(%arg20 : memref<80xi32, #tpu.memory_space<vmem>>) semaphore(%run_scoped3A : memref<!tpu.dma_semaphore, #tpu.memory_space<semaphore_mem>>) {add = true}
        %dma_wait3A_302 = arith.constant 0 : i32
        %dma_wait3A_303 = arith.constant 0 : i32
        %dma_wait3A_304 = tpu.memref_slice %arg24[%dma_wait3A_302, %dma_wait3A_303] : memref<6408x128xf32, #tpu.memory_space<vmem_shared>> -> memref<6408x128xf32, #tpu.memory_space<vmem_shared>>
        tpu.wait_indirect_dma semaphore(%run_scoped3A : memref<!tpu.dma_semaphore, #tpu.memory_space<semaphore_mem>>) src(%arg22 : memref<80x128xf32, #tpu.memory_space<vmem>>) dst(%dma_wait3A_304 : memref<6408x128xf32, #tpu.memory_space<vmem_shared>>)
        tpu.yield
      }) : () -> ()
    }
    %scan3A_201 = arith.constant 125 : i32
    %barrier3A_202 = arith.constant 0 : index
    tpu.barrier barrier_id(%barrier3A_202)
    %mul3A_203 = arith.constant 12800 : i32
    %mul3A_204 = arith.muli %arg0, %mul3A_203 : i32
    %add3A_205 = arith.constant 0 : i32
    %add3A_206 = arith.addi %mul3A_204, %add3A_205 : i32
    %mul3A_207 = arith.constant 400 : i32
    %mul3A_208 = arith.muli %arg1, %mul3A_207 : i32
    %add3A_209 = arith.addi %add3A_206, %mul3A_208 : i32
    %mul3A_210 = arith.constant 400 : i32
    %mul3A_211 = arith.muli %arg1, %mul3A_210 : i32
    "tpu.region"() ({
      %run_scoped3A = tpu.sem_alloc : memref<!tpu.dma_semaphore, #tpu.memory_space<semaphore_mem>>
      %dma_start3A = arith.constant 0 : i32
      %dma_start3A_287 = tpu.memref_slice %arg15[%add3A_209, %dma_start3A] : memref<25600x128xf32, #tpu.memory_space<hbm>> -> memref<400x128xf32, #tpu.memory_space<hbm>>
      %dma_start3A_288 = arith.constant 0 : i32
      %dma_start3A_289 = tpu.memref_slice %arg23[%mul3A_211, %dma_start3A_288] : memref<6408x128xf32, #tpu.memory_space<vmem_shared>> -> memref<400x128xf32, #tpu.memory_space<vmem_shared>>
      tpu.enqueue_dma source(%dma_start3A_289 : memref<400x128xf32, #tpu.memory_space<vmem_shared>>) target(%dma_start3A_287 : memref<400x128xf32, #tpu.memory_space<hbm>>) target_semaphore(%run_scoped3A : memref<!tpu.dma_semaphore, #tpu.memory_space<semaphore_mem>>)
      %dma_wait3A = arith.constant 0 : i32
      %dma_wait3A_290 = tpu.memref_slice %arg15[%add3A_209, %dma_wait3A] : memref<25600x128xf32, #tpu.memory_space<hbm>> -> memref<400x128xf32, #tpu.memory_space<hbm>>
      %dma_wait3A_291 = arith.constant 0 : i32
      %dma_wait3A_292 = tpu.memref_slice %arg23[%mul3A_211, %dma_wait3A_291] : memref<6408x128xf32, #tpu.memory_space<vmem_shared>> -> memref<400x128xf32, #tpu.memory_space<vmem_shared>>
      tpu.wait_dma2 semaphore(%run_scoped3A : memref<!tpu.dma_semaphore, #tpu.memory_space<semaphore_mem>>) src(%dma_wait3A_292 : memref<400x128xf32, #tpu.memory_space<vmem_shared>>) dst(%dma_wait3A_290 : memref<400x128xf32, #tpu.memory_space<hbm>>)
      tpu.yield
    }) : () -> ()
    %mul3A_212 = arith.constant 400 : i32
    %mul3A_213 = arith.muli %arg1, %mul3A_212 : i32
    "tpu.region"() ({
      %run_scoped3A = tpu.sem_alloc : memref<!tpu.dma_semaphore, #tpu.memory_space<semaphore_mem>>
      %dma_start3A = arith.constant 0 : i32
      %dma_start3A_287 = tpu.memref_slice %arg16[%add3A_209, %dma_start3A] : memref<25600x128xf32, #tpu.memory_space<hbm>> -> memref<400x128xf32, #tpu.memory_space<hbm>>
      %dma_start3A_288 = arith.constant 0 : i32
      %dma_start3A_289 = tpu.memref_slice %arg24[%mul3A_213, %dma_start3A_288] : memref<6408x128xf32, #tpu.memory_space<vmem_shared>> -> memref<400x128xf32, #tpu.memory_space<vmem_shared>>
      tpu.enqueue_dma source(%dma_start3A_289 : memref<400x128xf32, #tpu.memory_space<vmem_shared>>) target(%dma_start3A_287 : memref<400x128xf32, #tpu.memory_space<hbm>>) target_semaphore(%run_scoped3A : memref<!tpu.dma_semaphore, #tpu.memory_space<semaphore_mem>>)
      %dma_wait3A = arith.constant 0 : i32
      %dma_wait3A_290 = tpu.memref_slice %arg16[%add3A_209, %dma_wait3A] : memref<25600x128xf32, #tpu.memory_space<hbm>> -> memref<400x128xf32, #tpu.memory_space<hbm>>
      %dma_wait3A_291 = arith.constant 0 : i32
      %dma_wait3A_292 = tpu.memref_slice %arg24[%mul3A_213, %dma_wait3A_291] : memref<6408x128xf32, #tpu.memory_space<vmem_shared>> -> memref<400x128xf32, #tpu.memory_space<vmem_shared>>
      tpu.wait_dma2 semaphore(%run_scoped3A : memref<!tpu.dma_semaphore, #tpu.memory_space<semaphore_mem>>) src(%dma_wait3A_292 : memref<400x128xf32, #tpu.memory_space<vmem_shared>>) dst(%dma_wait3A_290 : memref<400x128xf32, #tpu.memory_space<hbm>>)
      tpu.yield
    }) : () -> ()
    %barrier3A_214 = arith.constant 0 : index
    tpu.barrier barrier_id(%barrier3A_214)
    %mul3A_215 = arith.constant 400 : i32
    %mul3A_216 = arith.muli %arg1, %mul3A_215 : i32
    "tpu.region"() ({
      %run_scoped3A = tpu.sem_alloc : memref<!tpu.dma_semaphore, #tpu.memory_space<semaphore_mem>>
      %dma_start3A = arith.constant 0 : i32
      %dma_start3A_287 = tpu.memref_slice %arg23[%mul3A_216, %dma_start3A] : memref<6408x128xf32, #tpu.memory_space<vmem_shared>> -> memref<400x128xf32, #tpu.memory_space<vmem_shared>>
      %dma_start3A_288 = arith.constant 0 : i32
      %dma_start3A_289 = arith.constant 0 : i32
      %dma_start3A_290 = tpu.memref_slice %arg12[%dma_start3A_288, %dma_start3A_289] : memref<400x128xf32, #tpu.memory_space<hbm>> -> memref<400x128xf32, #tpu.memory_space<hbm>>
      tpu.enqueue_dma source(%dma_start3A_290 : memref<400x128xf32, #tpu.memory_space<hbm>>) target(%dma_start3A_287 : memref<400x128xf32, #tpu.memory_space<vmem_shared>>) target_semaphore(%run_scoped3A : memref<!tpu.dma_semaphore, #tpu.memory_space<semaphore_mem>>)
      %dma_wait3A = arith.constant 0 : i32
      %dma_wait3A_291 = tpu.memref_slice %arg23[%mul3A_216, %dma_wait3A] : memref<6408x128xf32, #tpu.memory_space<vmem_shared>> -> memref<400x128xf32, #tpu.memory_space<vmem_shared>>
      %dma_wait3A_292 = arith.constant 0 : i32
      %dma_wait3A_293 = arith.constant 0 : i32
      %dma_wait3A_294 = tpu.memref_slice %arg12[%dma_wait3A_292, %dma_wait3A_293] : memref<400x128xf32, #tpu.memory_space<hbm>> -> memref<400x128xf32, #tpu.memory_space<hbm>>
      tpu.wait_dma2 semaphore(%run_scoped3A : memref<!tpu.dma_semaphore, #tpu.memory_space<semaphore_mem>>) src(%dma_wait3A_294 : memref<400x128xf32, #tpu.memory_space<hbm>>) dst(%dma_wait3A_291 : memref<400x128xf32, #tpu.memory_space<vmem_shared>>)
      tpu.yield
    }) : () -> ()
    %mul3A_217 = arith.constant 400 : i32
    %mul3A_218 = arith.muli %arg1, %mul3A_217 : i32
    "tpu.region"() ({
      %run_scoped3A = tpu.sem_alloc : memref<!tpu.dma_semaphore, #tpu.memory_space<semaphore_mem>>
      %dma_start3A = arith.constant 0 : i32
      %dma_start3A_287 = tpu.memref_slice %arg24[%mul3A_218, %dma_start3A] : memref<6408x128xf32, #tpu.memory_space<vmem_shared>> -> memref<400x128xf32, #tpu.memory_space<vmem_shared>>
      %dma_start3A_288 = arith.constant 0 : i32
      %dma_start3A_289 = arith.constant 0 : i32
      %dma_start3A_290 = tpu.memref_slice %arg12[%dma_start3A_288, %dma_start3A_289] : memref<400x128xf32, #tpu.memory_space<hbm>> -> memref<400x128xf32, #tpu.memory_space<hbm>>
      tpu.enqueue_dma source(%dma_start3A_290 : memref<400x128xf32, #tpu.memory_space<hbm>>) target(%dma_start3A_287 : memref<400x128xf32, #tpu.memory_space<vmem_shared>>) target_semaphore(%run_scoped3A : memref<!tpu.dma_semaphore, #tpu.memory_space<semaphore_mem>>)
      %dma_wait3A = arith.constant 0 : i32
      %dma_wait3A_291 = tpu.memref_slice %arg24[%mul3A_218, %dma_wait3A] : memref<6408x128xf32, #tpu.memory_space<vmem_shared>> -> memref<400x128xf32, #tpu.memory_space<vmem_shared>>
      %dma_wait3A_292 = arith.constant 0 : i32
      %dma_wait3A_293 = arith.constant 0 : i32
      %dma_wait3A_294 = tpu.memref_slice %arg12[%dma_wait3A_292, %dma_wait3A_293] : memref<400x128xf32, #tpu.memory_space<hbm>> -> memref<400x128xf32, #tpu.memory_space<hbm>>
      tpu.wait_dma2 semaphore(%run_scoped3A : memref<!tpu.dma_semaphore, #tpu.memory_space<semaphore_mem>>) src(%dma_wait3A_294 : memref<400x128xf32, #tpu.memory_space<hbm>>) dst(%dma_wait3A_291 : memref<400x128xf32, #tpu.memory_space<vmem_shared>>)
      tpu.yield
    }) : () -> ()
    %barrier3A_219 = arith.constant 0 : index
    tpu.barrier barrier_id(%barrier3A_219)
    %scan3A_220 = arith.constant 0 : i32
    %scan3A_221 = arith.constant 0 : i32
    %scan3A_222 = arith.constant 125 : i32
    %scan3A_223 = arith.addi %scan3A_221, %scan3A_222 : i32
    %scan3A_224 = arith.constant 1 : i32
    scf.for %scan3A_287 = %scan3A_221 to %scan3A_223 step %scan3A_224  : i32 {
      %mul3A_288 = arith.constant 10000 : i32
      %mul3A_289 = arith.muli %add3A, %mul3A_288 : i32
      %mul3A_290 = arith.constant 80 : i32
      %mul3A_291 = arith.muli %scan3A_287, %mul3A_290 : i32
      %add3A_292 = arith.addi %mul3A_289, %mul3A_291 : i32
      "tpu.region"() ({
        %run_scoped3A = tpu.sem_alloc : memref<!tpu.dma_semaphore, #tpu.memory_space<semaphore_mem>>
        %dma_start3A_299 = tpu.memref_slice %arg5[%add3A_292] : memref<320000xi32, #tpu.memory_space<hbm>> -> memref<80xi32, #tpu.memory_space<hbm>>
        %dma_start3A_300 = tpu.memref_slice %arg5[%add3A_292] : memref<320000xi32, #tpu.memory_space<hbm>> -> memref<80xi32, #tpu.memory_space<hbm>>
        tpu.enqueue_dma source(%dma_start3A_300 : memref<80xi32, #tpu.memory_space<hbm>>) target(%arg19 : memref<80xi32, #tpu.memory_space<vmem>>) target_semaphore(%run_scoped3A : memref<!tpu.dma_semaphore, #tpu.memory_space<semaphore_mem>>)
        %dma_wait3A_301 = tpu.memref_slice %arg5[%add3A_292] : memref<320000xi32, #tpu.memory_space<hbm>> -> memref<80xi32, #tpu.memory_space<hbm>>
        %dma_wait3A_302 = tpu.memref_slice %arg5[%add3A_292] : memref<320000xi32, #tpu.memory_space<hbm>> -> memref<80xi32, #tpu.memory_space<hbm>>
        tpu.wait_dma2 semaphore(%run_scoped3A : memref<!tpu.dma_semaphore, #tpu.memory_space<semaphore_mem>>) src(%dma_wait3A_302 : memref<80xi32, #tpu.memory_space<hbm>>) dst(%arg19 : memref<80xi32, #tpu.memory_space<vmem>>)
        tpu.yield
      }) : () -> ()
      %add3A_293 = arith.constant 320000 : i32
      %add3A_294 = arith.addi %add3A_293, %add3A_292 : i32
      "tpu.region"() ({
        %run_scoped3A = tpu.sem_alloc : memref<!tpu.dma_semaphore, #tpu.memory_space<semaphore_mem>>
        %dma_start3A_299 = tpu.memref_slice %arg9[%add3A_294] : memref<640000xi32, #tpu.memory_space<hbm>> -> memref<80xi32, #tpu.memory_space<hbm>>
        %dma_start3A_300 = tpu.memref_slice %arg9[%add3A_294] : memref<640000xi32, #tpu.memory_space<hbm>> -> memref<80xi32, #tpu.memory_space<hbm>>
        tpu.enqueue_dma source(%dma_start3A_300 : memref<80xi32, #tpu.memory_space<hbm>>) target(%arg20 : memref<80xi32, #tpu.memory_space<vmem>>) target_semaphore(%run_scoped3A : memref<!tpu.dma_semaphore, #tpu.memory_space<semaphore_mem>>)
        %dma_wait3A_301 = tpu.memref_slice %arg9[%add3A_294] : memref<640000xi32, #tpu.memory_space<hbm>> -> memref<80xi32, #tpu.memory_space<hbm>>
        %dma_wait3A_302 = tpu.memref_slice %arg9[%add3A_294] : memref<640000xi32, #tpu.memory_space<hbm>> -> memref<80xi32, #tpu.memory_space<hbm>>
        tpu.wait_dma2 semaphore(%run_scoped3A : memref<!tpu.dma_semaphore, #tpu.memory_space<semaphore_mem>>) src(%dma_wait3A_302 : memref<80xi32, #tpu.memory_space<hbm>>) dst(%arg20 : memref<80xi32, #tpu.memory_space<vmem>>)
        tpu.yield
      }) : () -> ()
      %dma_start3A = arith.constant 0 : i32
      %dma_start3A_295 = arith.constant 0 : i32
      %dma_start3A_296 = tpu.memref_slice %arg4[%dma_start3A, %dma_start3A_295] : memref<50000x128xf32, #tpu.memory_space<hbm>> -> memref<50000x128xf32, #tpu.memory_space<hbm>>
      tpu.enqueue_indirect_dma source(%dma_start3A_296 : memref<50000x128xf32, #tpu.memory_space<hbm>>) target(%arg21 : memref<80x128xf32, #tpu.memory_space<vmem>>) offsets(%arg19 : memref<80xi32, #tpu.memory_space<vmem>>) semaphore(%arg25 : memref<!tpu.dma_semaphore, #tpu.memory_space<semaphore_mem>>)
      %dma_wait3A = arith.constant 0 : i32
      %dma_wait3A_297 = arith.constant 0 : i32
      %dma_wait3A_298 = tpu.memref_slice %arg4[%dma_wait3A, %dma_wait3A_297] : memref<50000x128xf32, #tpu.memory_space<hbm>> -> memref<50000x128xf32, #tpu.memory_space<hbm>>
      tpu.wait_indirect_dma semaphore(%arg25 : memref<!tpu.dma_semaphore, #tpu.memory_space<semaphore_mem>>) src(%dma_wait3A_298 : memref<50000x128xf32, #tpu.memory_space<hbm>>) dst(%arg21 : memref<80x128xf32, #tpu.memory_space<vmem>>)
      "tpu.region"() ({
        %run_scoped3A = tpu.sem_alloc : memref<!tpu.dma_semaphore, #tpu.memory_space<semaphore_mem>>
        %dma_start3A_299 = arith.constant 0 : i32
        %dma_start3A_300 = arith.constant 0 : i32
        %dma_start3A_301 = tpu.memref_slice %arg23[%dma_start3A_299, %dma_start3A_300] : memref<6408x128xf32, #tpu.memory_space<vmem_shared>> -> memref<6408x128xf32, #tpu.memory_space<vmem_shared>>
        tpu.enqueue_indirect_dma source(%arg21 : memref<80x128xf32, #tpu.memory_space<vmem>>) target(%dma_start3A_301 : memref<6408x128xf32, #tpu.memory_space<vmem_shared>>) offsets(%arg20 : memref<80xi32, #tpu.memory_space<vmem>>) semaphore(%run_scoped3A : memref<!tpu.dma_semaphore, #tpu.memory_space<semaphore_mem>>) {add = true}
        %dma_wait3A_302 = arith.constant 0 : i32
        %dma_wait3A_303 = arith.constant 0 : i32
        %dma_wait3A_304 = tpu.memref_slice %arg23[%dma_wait3A_302, %dma_wait3A_303] : memref<6408x128xf32, #tpu.memory_space<vmem_shared>> -> memref<6408x128xf32, #tpu.memory_space<vmem_shared>>
        tpu.wait_indirect_dma semaphore(%run_scoped3A : memref<!tpu.dma_semaphore, #tpu.memory_space<semaphore_mem>>) src(%arg21 : memref<80x128xf32, #tpu.memory_space<vmem>>) dst(%dma_wait3A_304 : memref<6408x128xf32, #tpu.memory_space<vmem_shared>>)
        tpu.yield
      }) : () -> ()
      "tpu.region"() ({
        %run_scoped3A = tpu.sem_alloc : memref<!tpu.dma_semaphore, #tpu.memory_space<semaphore_mem>>
        %dma_start3A_299 = arith.constant 0 : i32
        %dma_start3A_300 = arith.constant 0 : i32
        %dma_start3A_301 = tpu.memref_slice %arg24[%dma_start3A_299, %dma_start3A_300] : memref<6408x128xf32, #tpu.memory_space<vmem_shared>> -> memref<6408x128xf32, #tpu.memory_space<vmem_shared>>
        tpu.enqueue_indirect_dma source(%arg22 : memref<80x128xf32, #tpu.memory_space<vmem>>) target(%dma_start3A_301 : memref<6408x128xf32, #tpu.memory_space<vmem_shared>>) offsets(%arg20 : memref<80xi32, #tpu.memory_space<vmem>>) semaphore(%run_scoped3A : memref<!tpu.dma_semaphore, #tpu.memory_space<semaphore_mem>>) {add = true}
        %dma_wait3A_302 = arith.constant 0 : i32
        %dma_wait3A_303 = arith.constant 0 : i32
        %dma_wait3A_304 = tpu.memref_slice %arg24[%dma_wait3A_302, %dma_wait3A_303] : memref<6408x128xf32, #tpu.memory_space<vmem_shared>> -> memref<6408x128xf32, #tpu.memory_space<vmem_shared>>
        tpu.wait_indirect_dma semaphore(%run_scoped3A : memref<!tpu.dma_semaphore, #tpu.memory_space<semaphore_mem>>) src(%arg22 : memref<80x128xf32, #tpu.memory_space<vmem>>) dst(%dma_wait3A_304 : memref<6408x128xf32, #tpu.memory_space<vmem_shared>>)
        tpu.yield
      }) : () -> ()
    }
    %scan3A_225 = arith.constant 125 : i32
    %barrier3A_226 = arith.constant 0 : index
    tpu.barrier barrier_id(%barrier3A_226)
    %mul3A_227 = arith.constant 12800 : i32
    %mul3A_228 = arith.muli %arg0, %mul3A_227 : i32
    %add3A_229 = arith.constant 6400 : i32
    %add3A_230 = arith.addi %mul3A_228, %add3A_229 : i32
    %mul3A_231 = arith.constant 400 : i32
    %mul3A_232 = arith.muli %arg1, %mul3A_231 : i32
    %add3A_233 = arith.addi %add3A_230, %mul3A_232 : i32
    %mul3A_234 = arith.constant 400 : i32
    %mul3A_235 = arith.muli %arg1, %mul3A_234 : i32
    "tpu.region"() ({
      %run_scoped3A = tpu.sem_alloc : memref<!tpu.dma_semaphore, #tpu.memory_space<semaphore_mem>>
      %dma_start3A = arith.constant 0 : i32
      %dma_start3A_287 = tpu.memref_slice %arg15[%add3A_233, %dma_start3A] : memref<25600x128xf32, #tpu.memory_space<hbm>> -> memref<400x128xf32, #tpu.memory_space<hbm>>
      %dma_start3A_288 = arith.constant 0 : i32
      %dma_start3A_289 = tpu.memref_slice %arg23[%mul3A_235, %dma_start3A_288] : memref<6408x128xf32, #tpu.memory_space<vmem_shared>> -> memref<400x128xf32, #tpu.memory_space<vmem_shared>>
      tpu.enqueue_dma source(%dma_start3A_289 : memref<400x128xf32, #tpu.memory_space<vmem_shared>>) target(%dma_start3A_287 : memref<400x128xf32, #tpu.memory_space<hbm>>) target_semaphore(%run_scoped3A : memref<!tpu.dma_semaphore, #tpu.memory_space<semaphore_mem>>)
      %dma_wait3A = arith.constant 0 : i32
      %dma_wait3A_290 = tpu.memref_slice %arg15[%add3A_233, %dma_wait3A] : memref<25600x128xf32, #tpu.memory_space<hbm>> -> memref<400x128xf32, #tpu.memory_space<hbm>>
      %dma_wait3A_291 = arith.constant 0 : i32
      %dma_wait3A_292 = tpu.memref_slice %arg23[%mul3A_235, %dma_wait3A_291] : memref<6408x128xf32, #tpu.memory_space<vmem_shared>> -> memref<400x128xf32, #tpu.memory_space<vmem_shared>>
      tpu.wait_dma2 semaphore(%run_scoped3A : memref<!tpu.dma_semaphore, #tpu.memory_space<semaphore_mem>>) src(%dma_wait3A_292 : memref<400x128xf32, #tpu.memory_space<vmem_shared>>) dst(%dma_wait3A_290 : memref<400x128xf32, #tpu.memory_space<hbm>>)
      tpu.yield
    }) : () -> ()
    %mul3A_236 = arith.constant 400 : i32
    %mul3A_237 = arith.muli %arg1, %mul3A_236 : i32
    "tpu.region"() ({
      %run_scoped3A = tpu.sem_alloc : memref<!tpu.dma_semaphore, #tpu.memory_space<semaphore_mem>>
      %dma_start3A = arith.constant 0 : i32
      %dma_start3A_287 = tpu.memref_slice %arg16[%add3A_233, %dma_start3A] : memref<25600x128xf32, #tpu.memory_space<hbm>> -> memref<400x128xf32, #tpu.memory_space<hbm>>
      %dma_start3A_288 = arith.constant 0 : i32
      %dma_start3A_289 = tpu.memref_slice %arg24[%mul3A_237, %dma_start3A_288] : memref<6408x128xf32, #tpu.memory_space<vmem_shared>> -> memref<400x128xf32, #tpu.memory_space<vmem_shared>>
      tpu.enqueue_dma source(%dma_start3A_289 : memref<400x128xf32, #tpu.memory_space<vmem_shared>>) target(%dma_start3A_287 : memref<400x128xf32, #tpu.memory_space<hbm>>) target_semaphore(%run_scoped3A : memref<!tpu.dma_semaphore, #tpu.memory_space<semaphore_mem>>)
      %dma_wait3A = arith.constant 0 : i32
      %dma_wait3A_290 = tpu.memref_slice %arg16[%add3A_233, %dma_wait3A] : memref<25600x128xf32, #tpu.memory_space<hbm>> -> memref<400x128xf32, #tpu.memory_space<hbm>>
      %dma_wait3A_291 = arith.constant 0 : i32
      %dma_wait3A_292 = tpu.memref_slice %arg24[%mul3A_237, %dma_wait3A_291] : memref<6408x128xf32, #tpu.memory_space<vmem_shared>> -> memref<400x128xf32, #tpu.memory_space<vmem_shared>>
      tpu.wait_dma2 semaphore(%run_scoped3A : memref<!tpu.dma_semaphore, #tpu.memory_space<semaphore_mem>>) src(%dma_wait3A_292 : memref<400x128xf32, #tpu.memory_space<vmem_shared>>) dst(%dma_wait3A_290 : memref<400x128xf32, #tpu.memory_space<hbm>>)
      tpu.yield
    }) : () -> ()
    %barrier3A_238 = arith.constant 0 : index
    tpu.barrier barrier_id(%barrier3A_238)
    %mul3A_239 = arith.constant 400 : i32
    %mul3A_240 = arith.muli %arg1, %mul3A_239 : i32
    "tpu.region"() ({
      %run_scoped3A = tpu.sem_alloc : memref<!tpu.dma_semaphore, #tpu.memory_space<semaphore_mem>>
      %dma_start3A = arith.constant 0 : i32
      %dma_start3A_287 = tpu.memref_slice %arg23[%mul3A_240, %dma_start3A] : memref<6408x128xf32, #tpu.memory_space<vmem_shared>> -> memref<400x128xf32, #tpu.memory_space<vmem_shared>>
      %dma_start3A_288 = arith.constant 0 : i32
      %dma_start3A_289 = arith.constant 0 : i32
      %dma_start3A_290 = tpu.memref_slice %arg12[%dma_start3A_288, %dma_start3A_289] : memref<400x128xf32, #tpu.memory_space<hbm>> -> memref<400x128xf32, #tpu.memory_space<hbm>>
      tpu.enqueue_dma source(%dma_start3A_290 : memref<400x128xf32, #tpu.memory_space<hbm>>) target(%dma_start3A_287 : memref<400x128xf32, #tpu.memory_space<vmem_shared>>) target_semaphore(%run_scoped3A : memref<!tpu.dma_semaphore, #tpu.memory_space<semaphore_mem>>)
      %dma_wait3A = arith.constant 0 : i32
      %dma_wait3A_291 = tpu.memref_slice %arg23[%mul3A_240, %dma_wait3A] : memref<6408x128xf32, #tpu.memory_space<vmem_shared>> -> memref<400x128xf32, #tpu.memory_space<vmem_shared>>
      %dma_wait3A_292 = arith.constant 0 : i32
      %dma_wait3A_293 = arith.constant 0 : i32
      %dma_wait3A_294 = tpu.memref_slice %arg12[%dma_wait3A_292, %dma_wait3A_293] : memref<400x128xf32, #tpu.memory_space<hbm>> -> memref<400x128xf32, #tpu.memory_space<hbm>>
      tpu.wait_dma2 semaphore(%run_scoped3A : memref<!tpu.dma_semaphore, #tpu.memory_space<semaphore_mem>>) src(%dma_wait3A_294 : memref<400x128xf32, #tpu.memory_space<hbm>>) dst(%dma_wait3A_291 : memref<400x128xf32, #tpu.memory_space<vmem_shared>>)
      tpu.yield
    }) : () -> ()
    %mul3A_241 = arith.constant 400 : i32
    %mul3A_242 = arith.muli %arg1, %mul3A_241 : i32
    "tpu.region"() ({
      %run_scoped3A = tpu.sem_alloc : memref<!tpu.dma_semaphore, #tpu.memory_space<semaphore_mem>>
      %dma_start3A = arith.constant 0 : i32
      %dma_start3A_287 = tpu.memref_slice %arg24[%mul3A_242, %dma_start3A] : memref<6408x128xf32, #tpu.memory_space<vmem_shared>> -> memref<400x128xf32, #tpu.memory_space<vmem_shared>>
      %dma_start3A_288 = arith.constant 0 : i32
      %dma_start3A_289 = arith.constant 0 : i32
      %dma_start3A_290 = tpu.memref_slice %arg12[%dma_start3A_288, %dma_start3A_289] : memref<400x128xf32, #tpu.memory_space<hbm>> -> memref<400x128xf32, #tpu.memory_space<hbm>>
      tpu.enqueue_dma source(%dma_start3A_290 : memref<400x128xf32, #tpu.memory_space<hbm>>) target(%dma_start3A_287 : memref<400x128xf32, #tpu.memory_space<vmem_shared>>) target_semaphore(%run_scoped3A : memref<!tpu.dma_semaphore, #tpu.memory_space<semaphore_mem>>)
      %dma_wait3A = arith.constant 0 : i32
      %dma_wait3A_291 = tpu.memref_slice %arg24[%mul3A_242, %dma_wait3A] : memref<6408x128xf32, #tpu.memory_space<vmem_shared>> -> memref<400x128xf32, #tpu.memory_space<vmem_shared>>
      %dma_wait3A_292 = arith.constant 0 : i32
      %dma_wait3A_293 = arith.constant 0 : i32
      %dma_wait3A_294 = tpu.memref_slice %arg12[%dma_wait3A_292, %dma_wait3A_293] : memref<400x128xf32, #tpu.memory_space<hbm>> -> memref<400x128xf32, #tpu.memory_space<hbm>>
      tpu.wait_dma2 semaphore(%run_scoped3A : memref<!tpu.dma_semaphore, #tpu.memory_space<semaphore_mem>>) src(%dma_wait3A_294 : memref<400x128xf32, #tpu.memory_space<hbm>>) dst(%dma_wait3A_291 : memref<400x128xf32, #tpu.memory_space<vmem_shared>>)
      tpu.yield
    }) : () -> ()
    %barrier3A_243 = arith.constant 0 : index
    tpu.barrier barrier_id(%barrier3A_243)
    %scan3A_244 = arith.constant 0 : i32
    %scan3A_245 = arith.constant 0 : i32
    %scan3A_246 = arith.constant 125 : i32
    %scan3A_247 = arith.addi %scan3A_245, %scan3A_246 : i32
    %scan3A_248 = arith.constant 1 : i32
    scf.for %scan3A_287 = %scan3A_245 to %scan3A_247 step %scan3A_248  : i32 {
      %mul3A_288 = arith.constant 10000 : i32
      %mul3A_289 = arith.muli %add3A, %mul3A_288 : i32
      %mul3A_290 = arith.constant 80 : i32
      %mul3A_291 = arith.muli %scan3A_287, %mul3A_290 : i32
      %add3A_292 = arith.addi %mul3A_289, %mul3A_291 : i32
      "tpu.region"() ({
        %run_scoped3A = tpu.sem_alloc : memref<!tpu.dma_semaphore, #tpu.memory_space<semaphore_mem>>
        %dma_start3A_299 = tpu.memref_slice %arg7[%add3A_292] : memref<320000xi32, #tpu.memory_space<hbm>> -> memref<80xi32, #tpu.memory_space<hbm>>
        %dma_start3A_300 = tpu.memref_slice %arg7[%add3A_292] : memref<320000xi32, #tpu.memory_space<hbm>> -> memref<80xi32, #tpu.memory_space<hbm>>
        tpu.enqueue_dma source(%dma_start3A_300 : memref<80xi32, #tpu.memory_space<hbm>>) target(%arg19 : memref<80xi32, #tpu.memory_space<vmem>>) target_semaphore(%run_scoped3A : memref<!tpu.dma_semaphore, #tpu.memory_space<semaphore_mem>>)
        %dma_wait3A_301 = tpu.memref_slice %arg7[%add3A_292] : memref<320000xi32, #tpu.memory_space<hbm>> -> memref<80xi32, #tpu.memory_space<hbm>>
        %dma_wait3A_302 = tpu.memref_slice %arg7[%add3A_292] : memref<320000xi32, #tpu.memory_space<hbm>> -> memref<80xi32, #tpu.memory_space<hbm>>
        tpu.wait_dma2 semaphore(%run_scoped3A : memref<!tpu.dma_semaphore, #tpu.memory_space<semaphore_mem>>) src(%dma_wait3A_302 : memref<80xi32, #tpu.memory_space<hbm>>) dst(%arg19 : memref<80xi32, #tpu.memory_space<vmem>>)
        tpu.yield
      }) : () -> ()
      %add3A_293 = arith.constant 0 : i32
      %add3A_294 = arith.addi %add3A_293, %add3A_292 : i32
      "tpu.region"() ({
        %run_scoped3A = tpu.sem_alloc : memref<!tpu.dma_semaphore, #tpu.memory_space<semaphore_mem>>
        %dma_start3A_299 = tpu.memref_slice %arg10[%add3A_294] : memref<640000xi32, #tpu.memory_space<hbm>> -> memref<80xi32, #tpu.memory_space<hbm>>
        %dma_start3A_300 = tpu.memref_slice %arg10[%add3A_294] : memref<640000xi32, #tpu.memory_space<hbm>> -> memref<80xi32, #tpu.memory_space<hbm>>
        tpu.enqueue_dma source(%dma_start3A_300 : memref<80xi32, #tpu.memory_space<hbm>>) target(%arg20 : memref<80xi32, #tpu.memory_space<vmem>>) target_semaphore(%run_scoped3A : memref<!tpu.dma_semaphore, #tpu.memory_space<semaphore_mem>>)
        %dma_wait3A_301 = tpu.memref_slice %arg10[%add3A_294] : memref<640000xi32, #tpu.memory_space<hbm>> -> memref<80xi32, #tpu.memory_space<hbm>>
        %dma_wait3A_302 = tpu.memref_slice %arg10[%add3A_294] : memref<640000xi32, #tpu.memory_space<hbm>> -> memref<80xi32, #tpu.memory_space<hbm>>
        tpu.wait_dma2 semaphore(%run_scoped3A : memref<!tpu.dma_semaphore, #tpu.memory_space<semaphore_mem>>) src(%dma_wait3A_302 : memref<80xi32, #tpu.memory_space<hbm>>) dst(%arg20 : memref<80xi32, #tpu.memory_space<vmem>>)
        tpu.yield
      }) : () -> ()
      %dma_start3A = arith.constant 0 : i32
      %dma_start3A_295 = arith.constant 0 : i32
      %dma_start3A_296 = tpu.memref_slice %arg6[%dma_start3A, %dma_start3A_295] : memref<50000x128xf32, #tpu.memory_space<hbm>> -> memref<50000x128xf32, #tpu.memory_space<hbm>>
      tpu.enqueue_indirect_dma source(%dma_start3A_296 : memref<50000x128xf32, #tpu.memory_space<hbm>>) target(%arg21 : memref<80x128xf32, #tpu.memory_space<vmem>>) offsets(%arg19 : memref<80xi32, #tpu.memory_space<vmem>>) semaphore(%arg25 : memref<!tpu.dma_semaphore, #tpu.memory_space<semaphore_mem>>)
      %dma_wait3A = arith.constant 0 : i32
      %dma_wait3A_297 = arith.constant 0 : i32
      %dma_wait3A_298 = tpu.memref_slice %arg6[%dma_wait3A, %dma_wait3A_297] : memref<50000x128xf32, #tpu.memory_space<hbm>> -> memref<50000x128xf32, #tpu.memory_space<hbm>>
      tpu.wait_indirect_dma semaphore(%arg25 : memref<!tpu.dma_semaphore, #tpu.memory_space<semaphore_mem>>) src(%dma_wait3A_298 : memref<50000x128xf32, #tpu.memory_space<hbm>>) dst(%arg21 : memref<80x128xf32, #tpu.memory_space<vmem>>)
      "tpu.region"() ({
        %run_scoped3A = tpu.sem_alloc : memref<!tpu.dma_semaphore, #tpu.memory_space<semaphore_mem>>
        %dma_start3A_299 = arith.constant 0 : i32
        %dma_start3A_300 = arith.constant 0 : i32
        %dma_start3A_301 = tpu.memref_slice %arg23[%dma_start3A_299, %dma_start3A_300] : memref<6408x128xf32, #tpu.memory_space<vmem_shared>> -> memref<6408x128xf32, #tpu.memory_space<vmem_shared>>
        tpu.enqueue_indirect_dma source(%arg21 : memref<80x128xf32, #tpu.memory_space<vmem>>) target(%dma_start3A_301 : memref<6408x128xf32, #tpu.memory_space<vmem_shared>>) offsets(%arg20 : memref<80xi32, #tpu.memory_space<vmem>>) semaphore(%run_scoped3A : memref<!tpu.dma_semaphore, #tpu.memory_space<semaphore_mem>>) {add = true}
        %dma_wait3A_302 = arith.constant 0 : i32
        %dma_wait3A_303 = arith.constant 0 : i32
        %dma_wait3A_304 = tpu.memref_slice %arg23[%dma_wait3A_302, %dma_wait3A_303] : memref<6408x128xf32, #tpu.memory_space<vmem_shared>> -> memref<6408x128xf32, #tpu.memory_space<vmem_shared>>
        tpu.wait_indirect_dma semaphore(%run_scoped3A : memref<!tpu.dma_semaphore, #tpu.memory_space<semaphore_mem>>) src(%arg21 : memref<80x128xf32, #tpu.memory_space<vmem>>) dst(%dma_wait3A_304 : memref<6408x128xf32, #tpu.memory_space<vmem_shared>>)
        tpu.yield
      }) : () -> ()
      "tpu.region"() ({
        %run_scoped3A = tpu.sem_alloc : memref<!tpu.dma_semaphore, #tpu.memory_space<semaphore_mem>>
        %dma_start3A_299 = arith.constant 0 : i32
        %dma_start3A_300 = arith.constant 0 : i32
        %dma_start3A_301 = tpu.memref_slice %arg24[%dma_start3A_299, %dma_start3A_300] : memref<6408x128xf32, #tpu.memory_space<vmem_shared>> -> memref<6408x128xf32, #tpu.memory_space<vmem_shared>>
        tpu.enqueue_indirect_dma source(%arg22 : memref<80x128xf32, #tpu.memory_space<vmem>>) target(%dma_start3A_301 : memref<6408x128xf32, #tpu.memory_space<vmem_shared>>) offsets(%arg20 : memref<80xi32, #tpu.memory_space<vmem>>) semaphore(%run_scoped3A : memref<!tpu.dma_semaphore, #tpu.memory_space<semaphore_mem>>) {add = true}
        %dma_wait3A_302 = arith.constant 0 : i32
        %dma_wait3A_303 = arith.constant 0 : i32
        %dma_wait3A_304 = tpu.memref_slice %arg24[%dma_wait3A_302, %dma_wait3A_303] : memref<6408x128xf32, #tpu.memory_space<vmem_shared>> -> memref<6408x128xf32, #tpu.memory_space<vmem_shared>>
        tpu.wait_indirect_dma semaphore(%run_scoped3A : memref<!tpu.dma_semaphore, #tpu.memory_space<semaphore_mem>>) src(%arg22 : memref<80x128xf32, #tpu.memory_space<vmem>>) dst(%dma_wait3A_304 : memref<6408x128xf32, #tpu.memory_space<vmem_shared>>)
        tpu.yield
      }) : () -> ()
    }
    %scan3A_249 = arith.constant 125 : i32
    %barrier3A_250 = arith.constant 0 : index
    tpu.barrier barrier_id(%barrier3A_250)
    %mul3A_251 = arith.constant 12800 : i32
    %mul3A_252 = arith.muli %arg0, %mul3A_251 : i32
    %add3A_253 = arith.constant 0 : i32
    %add3A_254 = arith.addi %mul3A_252, %add3A_253 : i32
    %mul3A_255 = arith.constant 400 : i32
    %mul3A_256 = arith.muli %arg1, %mul3A_255 : i32
    %add3A_257 = arith.addi %add3A_254, %mul3A_256 : i32
    %mul3A_258 = arith.constant 400 : i32
    %mul3A_259 = arith.muli %arg1, %mul3A_258 : i32
    "tpu.region"() ({
      %run_scoped3A = tpu.sem_alloc : memref<!tpu.dma_semaphore, #tpu.memory_space<semaphore_mem>>
      %dma_start3A = arith.constant 0 : i32
      %dma_start3A_287 = tpu.memref_slice %arg17[%add3A_257, %dma_start3A] : memref<25600x128xf32, #tpu.memory_space<hbm>> -> memref<400x128xf32, #tpu.memory_space<hbm>>
      %dma_start3A_288 = arith.constant 0 : i32
      %dma_start3A_289 = tpu.memref_slice %arg23[%mul3A_259, %dma_start3A_288] : memref<6408x128xf32, #tpu.memory_space<vmem_shared>> -> memref<400x128xf32, #tpu.memory_space<vmem_shared>>
      tpu.enqueue_dma source(%dma_start3A_289 : memref<400x128xf32, #tpu.memory_space<vmem_shared>>) target(%dma_start3A_287 : memref<400x128xf32, #tpu.memory_space<hbm>>) target_semaphore(%run_scoped3A : memref<!tpu.dma_semaphore, #tpu.memory_space<semaphore_mem>>)
      %dma_wait3A = arith.constant 0 : i32
      %dma_wait3A_290 = tpu.memref_slice %arg17[%add3A_257, %dma_wait3A] : memref<25600x128xf32, #tpu.memory_space<hbm>> -> memref<400x128xf32, #tpu.memory_space<hbm>>
      %dma_wait3A_291 = arith.constant 0 : i32
      %dma_wait3A_292 = tpu.memref_slice %arg23[%mul3A_259, %dma_wait3A_291] : memref<6408x128xf32, #tpu.memory_space<vmem_shared>> -> memref<400x128xf32, #tpu.memory_space<vmem_shared>>
      tpu.wait_dma2 semaphore(%run_scoped3A : memref<!tpu.dma_semaphore, #tpu.memory_space<semaphore_mem>>) src(%dma_wait3A_292 : memref<400x128xf32, #tpu.memory_space<vmem_shared>>) dst(%dma_wait3A_290 : memref<400x128xf32, #tpu.memory_space<hbm>>)
      tpu.yield
    }) : () -> ()
    %mul3A_260 = arith.constant 400 : i32
    %mul3A_261 = arith.muli %arg1, %mul3A_260 : i32
    "tpu.region"() ({
      %run_scoped3A = tpu.sem_alloc : memref<!tpu.dma_semaphore, #tpu.memory_space<semaphore_mem>>
      %dma_start3A = arith.constant 0 : i32
      %dma_start3A_287 = tpu.memref_slice %arg18[%add3A_257, %dma_start3A] : memref<25600x128xf32, #tpu.memory_space<hbm>> -> memref<400x128xf32, #tpu.memory_space<hbm>>
      %dma_start3A_288 = arith.constant 0 : i32
      %dma_start3A_289 = tpu.memref_slice %arg24[%mul3A_261, %dma_start3A_288] : memref<6408x128xf32, #tpu.memory_space<vmem_shared>> -> memref<400x128xf32, #tpu.memory_space<vmem_shared>>
      tpu.enqueue_dma source(%dma_start3A_289 : memref<400x128xf32, #tpu.memory_space<vmem_shared>>) target(%dma_start3A_287 : memref<400x128xf32, #tpu.memory_space<hbm>>) target_semaphore(%run_scoped3A : memref<!tpu.dma_semaphore, #tpu.memory_space<semaphore_mem>>)
      %dma_wait3A = arith.constant 0 : i32
      %dma_wait3A_290 = tpu.memref_slice %arg18[%add3A_257, %dma_wait3A] : memref<25600x128xf32, #tpu.memory_space<hbm>> -> memref<400x128xf32, #tpu.memory_space<hbm>>
      %dma_wait3A_291 = arith.constant 0 : i32
      %dma_wait3A_292 = tpu.memref_slice %arg24[%mul3A_261, %dma_wait3A_291] : memref<6408x128xf32, #tpu.memory_space<vmem_shared>> -> memref<400x128xf32, #tpu.memory_space<vmem_shared>>
      tpu.wait_dma2 semaphore(%run_scoped3A : memref<!tpu.dma_semaphore, #tpu.memory_space<semaphore_mem>>) src(%dma_wait3A_292 : memref<400x128xf32, #tpu.memory_space<vmem_shared>>) dst(%dma_wait3A_290 : memref<400x128xf32, #tpu.memory_space<hbm>>)
      tpu.yield
    }) : () -> ()
    %barrier3A_262 = arith.constant 0 : index
    tpu.barrier barrier_id(%barrier3A_262)
    %mul3A_263 = arith.constant 400 : i32
    %mul3A_264 = arith.muli %arg1, %mul3A_263 : i32
    "tpu.region"() ({
      %run_scoped3A = tpu.sem_alloc : memref<!tpu.dma_semaphore, #tpu.memory_space<semaphore_mem>>
      %dma_start3A = arith.constant 0 : i32
      %dma_start3A_287 = tpu.memref_slice %arg23[%mul3A_264, %dma_start3A] : memref<6408x128xf32, #tpu.memory_space<vmem_shared>> -> memref<400x128xf32, #tpu.memory_space<vmem_shared>>
      %dma_start3A_288 = arith.constant 0 : i32
      %dma_start3A_289 = arith.constant 0 : i32
      %dma_start3A_290 = tpu.memref_slice %arg12[%dma_start3A_288, %dma_start3A_289] : memref<400x128xf32, #tpu.memory_space<hbm>> -> memref<400x128xf32, #tpu.memory_space<hbm>>
      tpu.enqueue_dma source(%dma_start3A_290 : memref<400x128xf32, #tpu.memory_space<hbm>>) target(%dma_start3A_287 : memref<400x128xf32, #tpu.memory_space<vmem_shared>>) target_semaphore(%run_scoped3A : memref<!tpu.dma_semaphore, #tpu.memory_space<semaphore_mem>>)
      %dma_wait3A = arith.constant 0 : i32
      %dma_wait3A_291 = tpu.memref_slice %arg23[%mul3A_264, %dma_wait3A] : memref<6408x128xf32, #tpu.memory_space<vmem_shared>> -> memref<400x128xf32, #tpu.memory_space<vmem_shared>>
      %dma_wait3A_292 = arith.constant 0 : i32
      %dma_wait3A_293 = arith.constant 0 : i32
      %dma_wait3A_294 = tpu.memref_slice %arg12[%dma_wait3A_292, %dma_wait3A_293] : memref<400x128xf32, #tpu.memory_space<hbm>> -> memref<400x128xf32, #tpu.memory_space<hbm>>
      tpu.wait_dma2 semaphore(%run_scoped3A : memref<!tpu.dma_semaphore, #tpu.memory_space<semaphore_mem>>) src(%dma_wait3A_294 : memref<400x128xf32, #tpu.memory_space<hbm>>) dst(%dma_wait3A_291 : memref<400x128xf32, #tpu.memory_space<vmem_shared>>)
      tpu.yield
    }) : () -> ()
    %mul3A_265 = arith.constant 400 : i32
    %mul3A_266 = arith.muli %arg1, %mul3A_265 : i32
    "tpu.region"() ({
      %run_scoped3A = tpu.sem_alloc : memref<!tpu.dma_semaphore, #tpu.memory_space<semaphore_mem>>
      %dma_start3A = arith.constant 0 : i32
      %dma_start3A_287 = tpu.memref_slice %arg24[%mul3A_266, %dma_start3A] : memref<6408x128xf32, #tpu.memory_space<vmem_shared>> -> memref<400x128xf32, #tpu.memory_space<vmem_shared>>
      %dma_start3A_288 = arith.constant 0 : i32
      %dma_start3A_289 = arith.constant 0 : i32
      %dma_start3A_290 = tpu.memref_slice %arg12[%dma_start3A_288, %dma_start3A_289] : memref<400x128xf32, #tpu.memory_space<hbm>> -> memref<400x128xf32, #tpu.memory_space<hbm>>
      tpu.enqueue_dma source(%dma_start3A_290 : memref<400x128xf32, #tpu.memory_space<hbm>>) target(%dma_start3A_287 : memref<400x128xf32, #tpu.memory_space<vmem_shared>>) target_semaphore(%run_scoped3A : memref<!tpu.dma_semaphore, #tpu.memory_space<semaphore_mem>>)
      %dma_wait3A = arith.constant 0 : i32
      %dma_wait3A_291 = tpu.memref_slice %arg24[%mul3A_266, %dma_wait3A] : memref<6408x128xf32, #tpu.memory_space<vmem_shared>> -> memref<400x128xf32, #tpu.memory_space<vmem_shared>>
      %dma_wait3A_292 = arith.constant 0 : i32
      %dma_wait3A_293 = arith.constant 0 : i32
      %dma_wait3A_294 = tpu.memref_slice %arg12[%dma_wait3A_292, %dma_wait3A_293] : memref<400x128xf32, #tpu.memory_space<hbm>> -> memref<400x128xf32, #tpu.memory_space<hbm>>
      tpu.wait_dma2 semaphore(%run_scoped3A : memref<!tpu.dma_semaphore, #tpu.memory_space<semaphore_mem>>) src(%dma_wait3A_294 : memref<400x128xf32, #tpu.memory_space<hbm>>) dst(%dma_wait3A_291 : memref<400x128xf32, #tpu.memory_space<vmem_shared>>)
      tpu.yield
    }) : () -> ()
    %barrier3A_267 = arith.constant 0 : index
    tpu.barrier barrier_id(%barrier3A_267)
    %scan3A_268 = arith.constant 0 : i32
    %scan3A_269 = arith.constant 0 : i32
    %scan3A_270 = arith.constant 125 : i32
    %scan3A_271 = arith.addi %scan3A_269, %scan3A_270 : i32
    %scan3A_272 = arith.constant 1 : i32
    scf.for %scan3A_287 = %scan3A_269 to %scan3A_271 step %scan3A_272  : i32 {
      %mul3A_288 = arith.constant 10000 : i32
      %mul3A_289 = arith.muli %add3A, %mul3A_288 : i32
      %mul3A_290 = arith.constant 80 : i32
      %mul3A_291 = arith.muli %scan3A_287, %mul3A_290 : i32
      %add3A_292 = arith.addi %mul3A_289, %mul3A_291 : i32
      "tpu.region"() ({
        %run_scoped3A = tpu.sem_alloc : memref<!tpu.dma_semaphore, #tpu.memory_space<semaphore_mem>>
        %dma_start3A_299 = tpu.memref_slice %arg7[%add3A_292] : memref<320000xi32, #tpu.memory_space<hbm>> -> memref<80xi32, #tpu.memory_space<hbm>>
        %dma_start3A_300 = tpu.memref_slice %arg7[%add3A_292] : memref<320000xi32, #tpu.memory_space<hbm>> -> memref<80xi32, #tpu.memory_space<hbm>>
        tpu.enqueue_dma source(%dma_start3A_300 : memref<80xi32, #tpu.memory_space<hbm>>) target(%arg19 : memref<80xi32, #tpu.memory_space<vmem>>) target_semaphore(%run_scoped3A : memref<!tpu.dma_semaphore, #tpu.memory_space<semaphore_mem>>)
        %dma_wait3A_301 = tpu.memref_slice %arg7[%add3A_292] : memref<320000xi32, #tpu.memory_space<hbm>> -> memref<80xi32, #tpu.memory_space<hbm>>
        %dma_wait3A_302 = tpu.memref_slice %arg7[%add3A_292] : memref<320000xi32, #tpu.memory_space<hbm>> -> memref<80xi32, #tpu.memory_space<hbm>>
        tpu.wait_dma2 semaphore(%run_scoped3A : memref<!tpu.dma_semaphore, #tpu.memory_space<semaphore_mem>>) src(%dma_wait3A_302 : memref<80xi32, #tpu.memory_space<hbm>>) dst(%arg19 : memref<80xi32, #tpu.memory_space<vmem>>)
        tpu.yield
      }) : () -> ()
      %add3A_293 = arith.constant 320000 : i32
      %add3A_294 = arith.addi %add3A_293, %add3A_292 : i32
      "tpu.region"() ({
        %run_scoped3A = tpu.sem_alloc : memref<!tpu.dma_semaphore, #tpu.memory_space<semaphore_mem>>
        %dma_start3A_299 = tpu.memref_slice %arg10[%add3A_294] : memref<640000xi32, #tpu.memory_space<hbm>> -> memref<80xi32, #tpu.memory_space<hbm>>
        %dma_start3A_300 = tpu.memref_slice %arg10[%add3A_294] : memref<640000xi32, #tpu.memory_space<hbm>> -> memref<80xi32, #tpu.memory_space<hbm>>
        tpu.enqueue_dma source(%dma_start3A_300 : memref<80xi32, #tpu.memory_space<hbm>>) target(%arg20 : memref<80xi32, #tpu.memory_space<vmem>>) target_semaphore(%run_scoped3A : memref<!tpu.dma_semaphore, #tpu.memory_space<semaphore_mem>>)
        %dma_wait3A_301 = tpu.memref_slice %arg10[%add3A_294] : memref<640000xi32, #tpu.memory_space<hbm>> -> memref<80xi32, #tpu.memory_space<hbm>>
        %dma_wait3A_302 = tpu.memref_slice %arg10[%add3A_294] : memref<640000xi32, #tpu.memory_space<hbm>> -> memref<80xi32, #tpu.memory_space<hbm>>
        tpu.wait_dma2 semaphore(%run_scoped3A : memref<!tpu.dma_semaphore, #tpu.memory_space<semaphore_mem>>) src(%dma_wait3A_302 : memref<80xi32, #tpu.memory_space<hbm>>) dst(%arg20 : memref<80xi32, #tpu.memory_space<vmem>>)
        tpu.yield
      }) : () -> ()
      %dma_start3A = arith.constant 0 : i32
      %dma_start3A_295 = arith.constant 0 : i32
      %dma_start3A_296 = tpu.memref_slice %arg6[%dma_start3A, %dma_start3A_295] : memref<50000x128xf32, #tpu.memory_space<hbm>> -> memref<50000x128xf32, #tpu.memory_space<hbm>>
      tpu.enqueue_indirect_dma source(%dma_start3A_296 : memref<50000x128xf32, #tpu.memory_space<hbm>>) target(%arg21 : memref<80x128xf32, #tpu.memory_space<vmem>>) offsets(%arg19 : memref<80xi32, #tpu.memory_space<vmem>>) semaphore(%arg25 : memref<!tpu.dma_semaphore, #tpu.memory_space<semaphore_mem>>)
      %dma_wait3A = arith.constant 0 : i32
      %dma_wait3A_297 = arith.constant 0 : i32
      %dma_wait3A_298 = tpu.memref_slice %arg6[%dma_wait3A, %dma_wait3A_297] : memref<50000x128xf32, #tpu.memory_space<hbm>> -> memref<50000x128xf32, #tpu.memory_space<hbm>>
      tpu.wait_indirect_dma semaphore(%arg25 : memref<!tpu.dma_semaphore, #tpu.memory_space<semaphore_mem>>) src(%dma_wait3A_298 : memref<50000x128xf32, #tpu.memory_space<hbm>>) dst(%arg21 : memref<80x128xf32, #tpu.memory_space<vmem>>)
      "tpu.region"() ({
        %run_scoped3A = tpu.sem_alloc : memref<!tpu.dma_semaphore, #tpu.memory_space<semaphore_mem>>
        %dma_start3A_299 = arith.constant 0 : i32
        %dma_start3A_300 = arith.constant 0 : i32
        %dma_start3A_301 = tpu.memref_slice %arg23[%dma_start3A_299, %dma_start3A_300] : memref<6408x128xf32, #tpu.memory_space<vmem_shared>> -> memref<6408x128xf32, #tpu.memory_space<vmem_shared>>
        tpu.enqueue_indirect_dma source(%arg21 : memref<80x128xf32, #tpu.memory_space<vmem>>) target(%dma_start3A_301 : memref<6408x128xf32, #tpu.memory_space<vmem_shared>>) offsets(%arg20 : memref<80xi32, #tpu.memory_space<vmem>>) semaphore(%run_scoped3A : memref<!tpu.dma_semaphore, #tpu.memory_space<semaphore_mem>>) {add = true}
        %dma_wait3A_302 = arith.constant 0 : i32
        %dma_wait3A_303 = arith.constant 0 : i32
        %dma_wait3A_304 = tpu.memref_slice %arg23[%dma_wait3A_302, %dma_wait3A_303] : memref<6408x128xf32, #tpu.memory_space<vmem_shared>> -> memref<6408x128xf32, #tpu.memory_space<vmem_shared>>
        tpu.wait_indirect_dma semaphore(%run_scoped3A : memref<!tpu.dma_semaphore, #tpu.memory_space<semaphore_mem>>) src(%arg21 : memref<80x128xf32, #tpu.memory_space<vmem>>) dst(%dma_wait3A_304 : memref<6408x128xf32, #tpu.memory_space<vmem_shared>>)
        tpu.yield
      }) : () -> ()
      "tpu.region"() ({
        %run_scoped3A = tpu.sem_alloc : memref<!tpu.dma_semaphore, #tpu.memory_space<semaphore_mem>>
        %dma_start3A_299 = arith.constant 0 : i32
        %dma_start3A_300 = arith.constant 0 : i32
        %dma_start3A_301 = tpu.memref_slice %arg24[%dma_start3A_299, %dma_start3A_300] : memref<6408x128xf32, #tpu.memory_space<vmem_shared>> -> memref<6408x128xf32, #tpu.memory_space<vmem_shared>>
        tpu.enqueue_indirect_dma source(%arg22 : memref<80x128xf32, #tpu.memory_space<vmem>>) target(%dma_start3A_301 : memref<6408x128xf32, #tpu.memory_space<vmem_shared>>) offsets(%arg20 : memref<80xi32, #tpu.memory_space<vmem>>) semaphore(%run_scoped3A : memref<!tpu.dma_semaphore, #tpu.memory_space<semaphore_mem>>) {add = true}
        %dma_wait3A_302 = arith.constant 0 : i32
        %dma_wait3A_303 = arith.constant 0 : i32
        %dma_wait3A_304 = tpu.memref_slice %arg24[%dma_wait3A_302, %dma_wait3A_303] : memref<6408x128xf32, #tpu.memory_space<vmem_shared>> -> memref<6408x128xf32, #tpu.memory_space<vmem_shared>>
        tpu.wait_indirect_dma semaphore(%run_scoped3A : memref<!tpu.dma_semaphore, #tpu.memory_space<semaphore_mem>>) src(%arg22 : memref<80x128xf32, #tpu.memory_space<vmem>>) dst(%dma_wait3A_304 : memref<6408x128xf32, #tpu.memory_space<vmem_shared>>)
        tpu.yield
      }) : () -> ()
    }
    %scan3A_273 = arith.constant 125 : i32
    %barrier3A_274 = arith.constant 0 : index
    tpu.barrier barrier_id(%barrier3A_274)
    %mul3A_275 = arith.constant 12800 : i32
    %mul3A_276 = arith.muli %arg0, %mul3A_275 : i32
    %add3A_277 = arith.constant 6400 : i32
    %add3A_278 = arith.addi %mul3A_276, %add3A_277 : i32
    %mul3A_279 = arith.constant 400 : i32
    %mul3A_280 = arith.muli %arg1, %mul3A_279 : i32
    %add3A_281 = arith.addi %add3A_278, %mul3A_280 : i32
    %mul3A_282 = arith.constant 400 : i32
    %mul3A_283 = arith.muli %arg1, %mul3A_282 : i32
    "tpu.region"() ({
      %run_scoped3A = tpu.sem_alloc : memref<!tpu.dma_semaphore, #tpu.memory_space<semaphore_mem>>
      %dma_start3A = arith.constant 0 : i32
      %dma_start3A_287 = tpu.memref_slice %arg17[%add3A_281, %dma_start3A] : memref<25600x128xf32, #tpu.memory_space<hbm>> -> memref<400x128xf32, #tpu.memory_space<hbm>>
      %dma_start3A_288 = arith.constant 0 : i32
      %dma_start3A_289 = tpu.memref_slice %arg23[%mul3A_283, %dma_start3A_288] : memref<6408x128xf32, #tpu.memory_space<vmem_shared>> -> memref<400x128xf32, #tpu.memory_space<vmem_shared>>
      tpu.enqueue_dma source(%dma_start3A_289 : memref<400x128xf32, #tpu.memory_space<vmem_shared>>) target(%dma_start3A_287 : memref<400x128xf32, #tpu.memory_space<hbm>>) target_semaphore(%run_scoped3A : memref<!tpu.dma_semaphore, #tpu.memory_space<semaphore_mem>>)
      %dma_wait3A = arith.constant 0 : i32
      %dma_wait3A_290 = tpu.memref_slice %arg17[%add3A_281, %dma_wait3A] : memref<25600x128xf32, #tpu.memory_space<hbm>> -> memref<400x128xf32, #tpu.memory_space<hbm>>
      %dma_wait3A_291 = arith.constant 0 : i32
      %dma_wait3A_292 = tpu.memref_slice %arg23[%mul3A_283, %dma_wait3A_291] : memref<6408x128xf32, #tpu.memory_space<vmem_shared>> -> memref<400x128xf32, #tpu.memory_space<vmem_shared>>
      tpu.wait_dma2 semaphore(%run_scoped3A : memref<!tpu.dma_semaphore, #tpu.memory_space<semaphore_mem>>) src(%dma_wait3A_292 : memref<400x128xf32, #tpu.memory_space<vmem_shared>>) dst(%dma_wait3A_290 : memref<400x128xf32, #tpu.memory_space<hbm>>)
      tpu.yield
    }) : () -> ()
    %mul3A_284 = arith.constant 400 : i32
    %mul3A_285 = arith.muli %arg1, %mul3A_284 : i32
    "tpu.region"() ({
      %run_scoped3A = tpu.sem_alloc : memref<!tpu.dma_semaphore, #tpu.memory_space<semaphore_mem>>
      %dma_start3A = arith.constant 0 : i32
      %dma_start3A_287 = tpu.memref_slice %arg18[%add3A_281, %dma_start3A] : memref<25600x128xf32, #tpu.memory_space<hbm>> -> memref<400x128xf32, #tpu.memory_space<hbm>>
      %dma_start3A_288 = arith.constant 0 : i32
      %dma_start3A_289 = tpu.memref_slice %arg24[%mul3A_285, %dma_start3A_288] : memref<6408x128xf32, #tpu.memory_space<vmem_shared>> -> memref<400x128xf32, #tpu.memory_space<vmem_shared>>
      tpu.enqueue_dma source(%dma_start3A_289 : memref<400x128xf32, #tpu.memory_space<vmem_shared>>) target(%dma_start3A_287 : memref<400x128xf32, #tpu.memory_space<hbm>>) target_semaphore(%run_scoped3A : memref<!tpu.dma_semaphore, #tpu.memory_space<semaphore_mem>>)
      %dma_wait3A = arith.constant 0 : i32
      %dma_wait3A_290 = tpu.memref_slice %arg18[%add3A_281, %dma_wait3A] : memref<25600x128xf32, #tpu.memory_space<hbm>> -> memref<400x128xf32, #tpu.memory_space<hbm>>
      %dma_wait3A_291 = arith.constant 0 : i32
      %dma_wait3A_292 = tpu.memref_slice %arg24[%mul3A_285, %dma_wait3A_291] : memref<6408x128xf32, #tpu.memory_space<vmem_shared>> -> memref<400x128xf32, #tpu.memory_space<vmem_shared>>
      tpu.wait_dma2 semaphore(%run_scoped3A : memref<!tpu.dma_semaphore, #tpu.memory_space<semaphore_mem>>) src(%dma_wait3A_292 : memref<400x128xf32, #tpu.memory_space<vmem_shared>>) dst(%dma_wait3A_290 : memref<400x128xf32, #tpu.memory_space<hbm>>)
      tpu.yield
    }) : () -> ()
    %barrier3A_286 = arith.constant 0 : index
    tpu.barrier barrier_id(%barrier3A_286)
    return
  }
}

module attributes {stable_mosaic.version = 14 : i64} {
  func.func @body(%arg0: i32, %arg1: memref<512x128xf32, #tpu.memory_space<vmem>>, %arg2: memref<512x128xf32, #tpu.memory_space<vmem>>, %arg3: memref<512x128xf32, #tpu.memory_space<vmem>>, %arg4: memref<512x128xf32, #tpu.memory_space<vmem>>, %arg5: memref<512x128xf32, #tpu.memory_space<vmem>>, %arg6: memref<512x128xf32, #tpu.memory_space<vmem>>, %arg7: memref<512x128xf32, #tpu.memory_space<vmem>>, %arg8: memref<512x128xf32, #tpu.memory_space<vmem>>, %arg9: memref<512x128xf32, #tpu.memory_space<vmem>>) attributes {dimension_semantics = [#tpu.dimension_semantics<arbitrary>], iteration_bounds = array<i64: 25>, scalar_prefetch = 0 : i64, scratch_operands = 0 : i64, tpu.core_type = #tpu.core_type<tc>, window_params = [{transform_indices = @transform_0, window_bounds = array<i64: 512, 128>}, {transform_indices = @transform_1, window_bounds = array<i64: 512, 128>}, {transform_indices = @transform_2, window_bounds = array<i64: 512, 128>}, {transform_indices = @transform_3, window_bounds = array<i64: 512, 128>}, {transform_indices = @transform_4, window_bounds = array<i64: 512, 128>}, {transform_indices = @transform_5, window_bounds = array<i64: 512, 128>}, {transform_indices = @transform_6, window_bounds = array<i64: 512, 128>}, {transform_indices = @transform_7, window_bounds = array<i64: 512, 128>}, {transform_indices = @transform_8, window_bounds = array<i64: 512, 128>}]} {
    %get3A = arith.constant 0 : index
    %get3A_0 = arith.constant 0 : index
    %get3A_1 = vector.load %arg1[%get3A, %get3A_0] : memref<512x128xf32, #tpu.memory_space<vmem>>, vector<512x128xf32>
    %get3A_2 = arith.constant 0 : index
    %get3A_3 = arith.constant 0 : index
    %get3A_4 = vector.load %arg2[%get3A_2, %get3A_3] : memref<512x128xf32, #tpu.memory_space<vmem>>, vector<512x128xf32>
    %add3A = arith.addf %get3A_1, %get3A_4 : vector<512x128xf32>
    %get3A_5 = arith.constant 0 : index
    %get3A_6 = arith.constant 0 : index
    %get3A_7 = vector.load %arg3[%get3A_5, %get3A_6] : memref<512x128xf32, #tpu.memory_space<vmem>>, vector<512x1xf32>
    %get3A_8 = arith.constant 0 : index
    %get3A_9 = arith.constant 0 : index
    %get3A_10 = vector.load %arg4[%get3A_8, %get3A_9] : memref<512x128xf32, #tpu.memory_space<vmem>>, vector<512x1xf32>
    %add3A_11 = arith.addf %get3A_7, %get3A_10 : vector<512x1xf32>
    %max3A = arith.constant 1.000000e+00 : f32
    %max3A_12 = vector.broadcast %max3A : f32 to vector<512x1xf32>
    %max3A_13 = arith.maximumf %add3A_11, %max3A_12 : vector<512x1xf32>
    %div3A = vector.broadcast %max3A_13 : vector<512x1xf32> to vector<512x128xf32>
    %div3A_14 = arith.divf %add3A, %div3A : vector<512x128xf32>
    %get3A_15 = arith.constant 0 : index
    %get3A_16 = arith.constant 0 : index
    %get3A_17 = vector.load %arg5[%get3A_15, %get3A_16] : memref<512x128xf32, #tpu.memory_space<vmem>>, vector<512x128xf32>
    %get3A_18 = arith.constant 0 : index
    %get3A_19 = arith.constant 0 : index
    %get3A_20 = vector.load %arg6[%get3A_18, %get3A_19] : memref<512x128xf32, #tpu.memory_space<vmem>>, vector<512x128xf32>
    %add3A_21 = arith.addf %get3A_17, %get3A_20 : vector<512x128xf32>
    %get3A_22 = arith.constant 0 : index
    %get3A_23 = arith.constant 0 : index
    %get3A_24 = vector.load %arg7[%get3A_22, %get3A_23] : memref<512x128xf32, #tpu.memory_space<vmem>>, vector<512x1xf32>
    %get3A_25 = arith.constant 0 : index
    %get3A_26 = arith.constant 0 : index
    %get3A_27 = vector.load %arg8[%get3A_25, %get3A_26] : memref<512x128xf32, #tpu.memory_space<vmem>>, vector<512x1xf32>
    %add3A_28 = arith.addf %get3A_24, %get3A_27 : vector<512x1xf32>
    %max3A_29 = arith.constant 1.000000e+00 : f32
    %max3A_30 = vector.broadcast %max3A_29 : f32 to vector<512x1xf32>
    %max3A_31 = arith.maximumf %add3A_28, %max3A_30 : vector<512x1xf32>
    %div3A_32 = vector.broadcast %max3A_31 : vector<512x1xf32> to vector<512x128xf32>
    %div3A_33 = arith.divf %add3A_21, %div3A_32 : vector<512x128xf32>
    %add3A_34 = arith.addf %div3A_14, %div3A_33 : vector<512x128xf32>
    %swap3A = arith.constant 0 : index
    %swap3A_35 = arith.constant 0 : index
    %swap3A_36 = vector.load %arg9[%swap3A, %swap3A_35] : memref<512x128xf32, #tpu.memory_space<vmem>>, vector<512x128xf32>
    tpu.vector_store %arg9[%swap3A, %swap3A_35], %add3A_34 {strides = array<i32>} : memref<512x128xf32, #tpu.memory_space<vmem>>, vector<512x128xf32>,
    return
  }
  func.func @transform_0(%arg0: i32) -> (i32, i32) {
    %c0_i32 = arith.constant 0 : i32
    %c0_i32_0 = arith.constant 0 : i32
    return %arg0, %c0_i32 : i32, i32
  }
  func.func @transform_1(%arg0: i32) -> (i32, i32) {
    %add3A = arith.constant 25 : i32
    %add3A_0 = arith.addi %arg0, %add3A : i32
    %c0_i32 = arith.constant 0 : i32
    %c0_i32_1 = arith.constant 0 : i32
    return %add3A_0, %c0_i32 : i32, i32
  }
  func.func @transform_2(%arg0: i32) -> (i32, i32) {
    %c0_i32 = arith.constant 0 : i32
    %c0_i32_0 = arith.constant 0 : i32
    return %arg0, %c0_i32 : i32, i32
  }
  func.func @transform_3(%arg0: i32) -> (i32, i32) {
    %add3A = arith.constant 25 : i32
    %add3A_0 = arith.addi %arg0, %add3A : i32
    %c0_i32 = arith.constant 0 : i32
    %c0_i32_1 = arith.constant 0 : i32
    return %add3A_0, %c0_i32 : i32, i32
  }
  func.func @transform_4(%arg0: i32) -> (i32, i32) {
    %c0_i32 = arith.constant 0 : i32
    %c0_i32_0 = arith.constant 0 : i32
    return %arg0, %c0_i32 : i32, i32
  }
  func.func @transform_5(%arg0: i32) -> (i32, i32) {
    %add3A = arith.constant 25 : i32
    %add3A_0 = arith.addi %arg0, %add3A : i32
    %c0_i32 = arith.constant 0 : i32
    %c0_i32_1 = arith.constant 0 : i32
    return %add3A_0, %c0_i32 : i32, i32
  }
  func.func @transform_6(%arg0: i32) -> (i32, i32) {
    %c0_i32 = arith.constant 0 : i32
    %c0_i32_0 = arith.constant 0 : i32
    return %arg0, %c0_i32 : i32, i32
  }
  func.func @transform_7(%arg0: i32) -> (i32, i32) {
    %add3A = arith.constant 25 : i32
    %add3A_0 = arith.addi %arg0, %add3A : i32
    %c0_i32 = arith.constant 0 : i32
    %c0_i32_1 = arith.constant 0 : i32
    return %add3A_0, %c0_i32 : i32, i32
  }
  func.func @transform_8(%arg0: i32) -> (i32, i32) {
    %c0_i32 = arith.constant 0 : i32
    %c0_i32_0 = arith.constant 0 : i32
    return %arg0, %c0_i32 : i32, i32
  }
}

module attributes {stable_mosaic.version = 14 : i64} {
  func.func @body(%arg0: i32, %arg1: memref<512x128xf32, #tpu.memory_space<vmem>>, %arg2: memref<512x128xf32, #tpu.memory_space<vmem>>, %arg3: memref<512x128xf32, #tpu.memory_space<vmem>>, %arg4: memref<512x128xf32, #tpu.memory_space<vmem>>, %arg5: memref<512x128xf32, #tpu.memory_space<vmem>>) attributes {dimension_semantics = [#tpu.dimension_semantics<arbitrary>], iteration_bounds = array<i64: 100>, scalar_prefetch = 0 : i64, scratch_operands = 0 : i64, tpu.core_type = #tpu.core_type<tc>, window_params = [{transform_indices = @transform_0, window_bounds = array<i64: 512, 128>}, {transform_indices = @transform_1, window_bounds = array<i64: 512, 128>}, {transform_indices = @transform_2, window_bounds = array<i64: 512, 128>}, {transform_indices = @transform_3, window_bounds = array<i64: 512, 128>}, {transform_indices = @transform_4, window_bounds = array<i64: 512, 128>}]} {
    %get3A = arith.constant 0 : index
    %get3A_0 = arith.constant 0 : index
    %get3A_1 = vector.load %arg1[%get3A, %get3A_0] : memref<512x128xf32, #tpu.memory_space<vmem>>, vector<512x128xf32>
    %get3A_2 = arith.constant 0 : index
    %get3A_3 = arith.constant 0 : index
    %get3A_4 = vector.load %arg2[%get3A_2, %get3A_3] : memref<512x128xf32, #tpu.memory_space<vmem>>, vector<512x128xf32>
    %add3A = arith.addf %get3A_1, %get3A_4 : vector<512x128xf32>
    %get3A_5 = arith.constant 0 : index
    %get3A_6 = arith.constant 0 : index
    %get3A_7 = vector.load %arg3[%get3A_5, %get3A_6] : memref<512x128xf32, #tpu.memory_space<vmem>>, vector<512x1xf32>
    %get3A_8 = arith.constant 0 : index
    %get3A_9 = arith.constant 0 : index
    %get3A_10 = vector.load %arg4[%get3A_8, %get3A_9] : memref<512x128xf32, #tpu.memory_space<vmem>>, vector<512x1xf32>
    %add3A_11 = arith.addf %get3A_7, %get3A_10 : vector<512x1xf32>
    %max3A = arith.constant 1.000000e+00 : f32
    %max3A_12 = vector.broadcast %max3A : f32 to vector<512x1xf32>
    %max3A_13 = arith.maximumf %add3A_11, %max3A_12 : vector<512x1xf32>
    %div3A = vector.broadcast %max3A_13 : vector<512x1xf32> to vector<512x128xf32>
    %div3A_14 = arith.divf %add3A, %div3A : vector<512x128xf32>
    %swap3A = arith.constant 0 : index
    %swap3A_15 = arith.constant 0 : index
    %swap3A_16 = vector.load %arg5[%swap3A, %swap3A_15] : memref<512x128xf32, #tpu.memory_space<vmem>>, vector<512x128xf32>
    tpu.vector_store %arg5[%swap3A, %swap3A_15], %div3A_14 {strides = array<i32>} : memref<512x128xf32, #tpu.memory_space<vmem>>, vector<512x128xf32>,
    return
  }
  func.func @transform_0(%arg0: i32) -> (i32, i32) {
    %c0_i32 = arith.constant 0 : i32
    %c0_i32_0 = arith.constant 0 : i32
    return %arg0, %c0_i32 : i32, i32
  }
  func.func @transform_1(%arg0: i32) -> (i32, i32) {
    %add3A = arith.constant 100 : i32
    %add3A_0 = arith.addi %arg0, %add3A : i32
    %c0_i32 = arith.constant 0 : i32
    %c0_i32_1 = arith.constant 0 : i32
    return %add3A_0, %c0_i32 : i32, i32
  }
  func.func @transform_2(%arg0: i32) -> (i32, i32) {
    %c0_i32 = arith.constant 0 : i32
    %c0_i32_0 = arith.constant 0 : i32
    return %arg0, %c0_i32 : i32, i32
  }
  func.func @transform_3(%arg0: i32) -> (i32, i32) {
    %add3A = arith.constant 100 : i32
    %add3A_0 = arith.addi %arg0, %add3A : i32
    %c0_i32 = arith.constant 0 : i32
    %c0_i32_1 = arith.constant 0 : i32
    return %add3A_0, %c0_i32 : i32, i32
  }
  func.func @transform_4(%arg0: i32) -> (i32, i32) {
    %c0_i32 = arith.constant 0 : i32
    %c0_i32_0 = arith.constant 0 : i32
    return %arg0, %c0_i32 : i32, i32
  }
}

</mosaic_0001>

<sc_bundles>
// kernel: kernel.5.cloned.1.call-start
scs
__scs_entry_jumppad:
0x0: {  	(pc) =	sbr.rel $0x88, $3  }
0x1: {  	(tag) =	ssettag $0x0;
	lr =	simm.s32 $0x1  }
0x2: {  	[smem:$0x3F98] =	sst lr;
	_ =	strace $0xD0000000  }
0x3: {  	_ = 	snop  }
0x4: {  	_ = 	snop  }
0x5: {  	_ = 	snop  }
0x6: {  	_ = 	snop  }
0x7: {  	_ = 	snop  }
__scs_overlays_trampoline_lowered:
0x8: {  	[smem:$0x3FA7] =	sst s0  }
0x9: {  	[smem:$0x3FA8] =	sst s1  }
0xa: {  	[smem:$0x3FA9] =	sst s2  }
0xb: {  	[smem:$0x3FAA] =	sst s3  }
0xc: {  	[smem:$0x3FAB] =	sst s4  }
0xd: {  	[smem:$0x3FAC] =	sst s5  }
0xe: {  	[smem:$0x3FAD] =	sst s6  }
0xf: {  	[smem:$0x3FAE] =	sst s7  }
0x10: {  	[smem:$0x3FAF] =	sst s8  }
0x11: {  	[smem:$0x3FB0] =	sst s9;
	s0 =	simm.s32 @!p0 $0x0  }
0x12: {  	s1 =	sld [smem:$0x3F96];
	s0 =	simm.s32 @p0 $0x1  }
0x13: {  	[smem:$0x3FB1] =	sst s0;
	s0 =	simm.s32 @!p1 $0x0  }
0x14: {  	s2 =	sld [smem:$0x3F95];
	s0 =	simm.s32 @p1 $0x1  }
0x15: {  	[smem:$0x3FB2] =	sst s0;
	s0 =	simm.s32 @!p2 $0x0  }
0x16: {  	s3 =	sld [smem:$0x3FDB];
	s0 =	simm.s32 @p2 $0x1  }
0x17: {  	s4 =	simm.s32 $0x1BF5;
	[smem:$0x3FB4] =	sst s0  }
0x18: {  	s0 =	sld [smem:$0x3F97];
	_ =	swait.ge [sflag:s4], $0x0  }
0x19: {  	s7 =	sld [smem:$0x3F98]  }
0x1a: {  	s8 =	sadd.s32 $0xFFFFE003, lr  }
0x1b: {  	s9 =	sadd.s32 $0xFFFFFEF7, lr;
	s5 =	simm.s32 $0xFFFFFFFF;
	p2 =	slt.u32 s8, $0xFFFFF086  }
0x1c: {  	p1 =	slt.u32 s9, $0xF7A;
	s5 =	simm.s32 @!p2 $0x0  }
0x1d: {  	s5 =	simm.s32 @p1 $0x1;
	p0 =	seq.s32 s7, s2  }
0x1e: {  	s7 =	smul.u32 @!p0 $0xF7A, s2;
	p2 =	seq.s32 @!p0 s5, $0x0  }
0x1f: {  	s9 =	smul.u32 $0xF7A, s1;
	s8 =	simm.s32 @!p0 $0x1BF5;
	p2 =	por !p2, p0  }
0x20: {  	[sflag:s8] =	ssyncset.s32 @!p0 $0xFFFFF086;
	s6 =	sadd.s32 @!p0 s3, s7;
	s7 =	simm.s32 @!p0 $0x108  }
0x21: {  	s3 =	sadd.s32 s3, s9;
	s6 =	sadd.s32 @!p0 $0x88, s6;
	s7 =	simm.s32 @p2 $0x1082  }
0x22: {  	[simem:s7], [sflag:s8] =	dma.local @!p0 [hbm:s6], $0xF7A  }
0x23: {  	s9 =	sor.u32 $0xD0000000, s2;
	s6 =	simm.s32 $0x108;
	_ =	swait.ge @!p0 [sflag:s8], $0x0  }
0x24: {  	s3 =	sadd.s32 $0x88, s3;
	s6 =	simm.s32 @!p1 $0x1082;
	[sflag:s4] =	ssyncset.s32 $0xFFFFF086  }
0x25: {  	[simem:s6], [sflag:s4] =	dma.local [hbm:s3], $0xF7A  }
0x26: {  	[smem:$0x3F98] =	sst s1;
	(tag) =	ssettag s2;
	_ =	strace s9  }
0x27: {  	s1 =	sld [smem:$0x3FA8]  }
0x28: {  	s2 =	sld [smem:$0x3FA9]  }
0x29: {  	s4 =	sld [smem:$0x3FAB]  }
0x2a: {  	p0 =	seq.s32 s5, $0x0;
	s5 =	sld [smem:$0x3FAC]  }
0x2b: {  	s6 =	sld [smem:$0x3FAD]  }
0x2c: {  	s7 =	sld [smem:$0x3FAE]  }
0x2d: {  	s3 =	simm.s32 $0x108;
	s8 =	sld [smem:$0x3FAF]  }
0x2e: {  	s3 =	simm.s32 @!p0 $0x1082;
	s9 =	sld [smem:$0x3FB0]  }
0x2f: {  	lr =	sadd.s32 s0, s3;
	s0 =	sld [smem:$0x3FA7]  }
0x30: {  	s3 =	sld [smem:$0x3FAA]  }
0x31: {  	[smem:$0x3FB3] =	sst s10  }
0x32: {  	s10 =	sld [smem:$0x3FB1];
	_ =	sdelay $0x3  }
0x33: {  	p0 =	seq.s32 s10, $0x1;
	s10 =	sld [smem:$0x3FB3];
	_ =	sdelay $0x3  }
0x34: {  	[smem:$0x3FB3] =	sst s10  }
0x35: {  	s10 =	sld [smem:$0x3FB2];
	_ =	sdelay $0x3  }
0x36: {  	p1 =	seq.s32 s10, $0x1;
	s10 =	sld [smem:$0x3FB3];
	_ =	sdelay $0x3  }
0x37: {  	[smem:$0x3FB3] =	sst s10  }
0x38: {  	s10 =	sld [smem:$0x3FB4]  }
0x39: {  	_ = 	snop;
	(pc) =	sbr.ind lr, $3  }
0x3a: {  	_ = 	snop  }
0x3b: {  	_ = 	snop  }
0x3c: {  	p2 =	seq.s32 s10, $0x1;
	s10 =	sld [smem:$0x3FB3]  }
0x3d: {  	_ =	shalt  }
0x3e: {  	_ =	shalt  }
0x3f: {  	_ =	shalt  }
0x40: {  	_ =	shalt  }
0x41: {  	_ =	shalt  }
0x42: {  	_ =	shalt  }
0x43: {  	_ =	shalt  }
0x44: {  	_ =	shalt  }
0x45: {  	_ =	shalt  }
0x46: {  	_ =	shalt  }
0x47: {  	_ =	shalt  }
0x48: {  	_ =	shalt  }
0x49: {  	_ =	shalt  }
0x4a: {  	_ =	shalt  }
0x4b: {  	_ =	shalt  }
0x4c: {  	_ =	shalt  }
0x4d: {  	_ =	shalt  }
0x4e: {  	_ =	shalt  }
0x4f: {  	_ =	shalt  }
0x50: {  	_ =	shalt  }
0x51: {  	_ =	shalt  }
0x52: {  	_ =	shalt  }
0x53: {  	_ =	shalt  }
0x54: {  	_ =	shalt  }
0x55: {  	_ =	shalt  }
0x56: {  	_ =	shalt  }
0x57: {  	_ =	shalt  }
0x58: {  	_ =	shalt  }
0x59: {  	_ =	shalt  }
0x5a: {  	_ =	shalt  }
0x5b: {  	_ =	shalt  }
0x5c: {  	_ =	shalt  }
0x5d: {  	_ =	shalt  }
0x5e: {  	_ =	shalt  }
0x5f: {  	_ =	shalt  }
0x60: {  	_ =	shalt  }
0x61: {  	_ =	shalt  }
0x62: {  	_ =	shalt  }
0x63: {  	_ =	shalt  }
0x64: {  	_ =	shalt  }
0x65: {  	_ =	shalt  }
0x66: {  	_ =	shalt  }
0x67: {  	_ =	shalt  }
0x68: {  	_ =	shalt  }
0x69: {  	_ =	shalt  }
0x6a: {  	_ =	shalt  }
0x6b: {  	_ =	shalt  }
0x6c: {  	_ =	shalt  }
0x6d: {  	_ =	shalt  }
0x6e: {  	_ =	shalt  }
0x6f: {  	_ =	shalt  }
0x70: {  	_ =	shalt  }
0x71: {  	_ =	shalt  }
0x72: {  	_ =	shalt  }
0x73: {  	_ =	shalt  }
0x74: {  	_ =	shalt  }
0x75: {  	_ =	shalt  }
0x76: {  	_ =	shalt  }
0x77: {  	_ =	shalt  }
0x78: {  	_ =	shalt  }
0x79: {  	_ =	shalt  }
0x7a: {  	_ =	shalt  }
0x7b: {  	_ =	shalt  }
0x7c: {  	_ =	shalt  }
0x7d: {  	_ =	shalt  }
0x7e: {  	_ =	shalt  }
0x7f: {  	_ =	shalt  }
0x80: {  	_ =	shalt  }
0x81: {  	_ =	shalt  }
0x82: {  	_ =	shalt  }
0x83: {  	_ =	shalt  }
0x84: {  	_ =	shalt  }
0x85: {  	_ =	shalt  }
0x86: {  	_ =	shalt  }
0x87: {  	_ =	shalt  }
.Lfunc_end0:
.L_simem_size_0:
called_computation_lowered:
.L_overlay_start_0:
0x88: {  	s2 =	sld [smem:$0x3FD9]  }
0x89: {  	s3 =	sld [smem:$0x3FFE];
	_ =	sdelay $0x1  }
0x8a: {  	s1 =	srdreg.scid  }
0x8b: {  	s0 =	sand.u32 $0x1, s1  }
0x8c: {  	s14 =	sshll.u32 s0, $0xA;
	s2 =	sadd.s32 s3, s2  }
0x8d: {  	s2 =	sadd.s32 s2, s14  }
0x8e: {  	[smem:$0x3FBF] =	sst s2  }
0x8f: {  	_ = 	snop  }
0x90: {  	s2 =	sld [smem:$0x3FC9]  }
0x91: {  	s15 =	sld [smem:$0x3FC8]  }
0x92: {  	s4 =	sld [smem:$0x3FC7]  }
0x93: {  	s5 =	sld [smem:$0x3FD0]  }
0x94: {  	s6 =	sld [smem:$0x3FC6]  }
0x95: {  	s7 =	sld [smem:$0x3FC4]  }
0x96: {  	s9 =	simm.s32 $0xA;
	s10 =	simm.s32 $0x10;
	s8 =	sld [smem:$0x3FC2]  }
0x97: {  	[smem:s10], [sflag:s9] =	dma.local [hbm:s5], $0x1  }
0x98: {  	_ =	swait.eq [sflag:s9], $0x1  }
0x99: {  	[sflag:s9] =	ssyncset.done $0x0  }
0x9a: {  	s16 =	sld [smem:$0x10];
	[sflag:s9] =	ssyncadd.s32 $0xFFFFFFFF  }
0x9b: {  	s17 =	sld [smem:$0x11];
	(tm) =	ssettm $0x1  }
0x9c: {  	s18 =	sld [smem:$0x3FFB];
	_ =	sdelay $0x3  }
0x9d: {  	_ =	strace s18  }
0x9e: {  	s10 =	sld [smem:$0x3FFC];
	_ =	sdelay $0x3  }
0x9f: {  	_ =	strace s10  }
0xa0: {  	s10 =	sld [smem:$0x3FFD];
	_ =	sdelay $0x3  }
0xa1: {  	_ =	strace s10  }
0xa2: {  	_ =	strace $0x8FFFFFFF  }
0xa3: {  	s19 =	sld [smem:$0x3FDB];
	_ =	sdelay $0x1  }
0xa4: {  	s11 =	simm.s32 $_scs_section_size  }
0xa5: {  	s12 =	simm.s32 $_size__tile_overlayer_lowered;
	s13 =	simm.s32 $_tile_overlayer_lowered  }
0xa6: {  	s22 =	simm.s32 $0x1BFF;
	s21 =	sshll.u32 s13, $0x1;
	s10 =	sadd.s32 s11, s19  }
0xa7: {  	s20 =	sshll.u32 s12, $0x1;
	s14 =	simm.s32 $0x0;
	s12 =	sadd.s32 s21, s10  }
0xa8: {  	[timem:s14], [sflag:s22] =	dma.local [hbm:s12], s20  }
0xa9: {  	_ =	swait.ge [sflag:s22], s20  }
0xaa: {  	s11 =	ssub.s32 $0x0, s20;
	[sflag:s22] =	ssyncset.done $0x0  }
0xab: {  	[sflag:s22] =	ssyncadd.s32 s11;
	_ =	sdelay $0x1  }
0xac: {  	s23 =	simm.s32 $0x1B8B  }
0xad: {  	_ =	swait.ge [sflag:s23], $0x1  }
0xae: {  	[sflag:s23] =	ssyncset.done $0x0  }
0xaf: {  	s25 =	simm.s32 $0x1B8E;
	s24 =	sld [smem:$0x3FFE];
	[sflag:s23] =	ssyncadd.s32 $0xFFFFFFFF  }
0xb0: {  	s26 =	simm.s32 $execute0_lowered;
	[smem:$0x3FD2] =	sst s25  }
0xb1: {  	s12 =	sshll.u32 s26, $0x1;
	_ =	strace $0x80000046;
	[dreg:$0x1] =	wrdreg $0xFFFFFFFF  }
0xb2: {  	s28 =	simm.s32 $_size_execute0_lowered;
	s10 =	sadd.s32 s10, s12;
	[dreg:$0x0] =	wrdreg $0x0  }
0xb3: {  	s12 =	sshll.u32 s28, $0x1;
	[dreg:$0x2] =	wrdreg s10  }
0xb4: {  	[dreg:$0x3] =	wrdreg s12  }
0xb5: {  	[dreg:$0x4] =	wrdreg $0xC0  }
0xb6: {  	_ =	task [dreg:s14], $0x5FFFF  }
0xb7: {  	[dreg:$0x1] =	wrdreg $0xFFFFFFFF  }
0xb8: {  	[dreg:$0x0] =	wrdreg $0x60  }
0xb9: {  	[dreg:$0x2] =	wrdreg s15  }
0xba: {  	[dreg:$0x3] =	wrdreg s7  }
0xbb: {  	[dreg:$0x4] =	wrdreg s2  }
0xbc: {  	[dreg:$0x5] =	wrdreg s6  }
0xbd: {  	[dreg:$0x6] =	wrdreg s4  }
0xbe: {  	[dreg:$0x7] =	wrdreg s8  }
0xbf: {  	[dreg:$0x8] =	wrdreg s24  }
0xc0: {  	[dreg:$0x9] =	wrdreg s17  }
0xc1: {  	[dreg:$0xa] =	wrdreg s16  }
0xc2: {  	[dreg:$0xb] =	wrdreg $0x51000  }
0xc3: {  	[dreg:$0xc] =	wrdreg $0x119400  }
0xc4: {  	[dreg:$0xd] =	wrdreg $0x9  }
0xc5: {  	_ =	task.clear_ibuf [dreg:s14], $0xEFFFF;
	_ =	strace $0x90000046  }
0xc6: {  	s29 =	simm.s32 $0x9;
	_ =	strace $0x80000048  }
0xc7: {  	_ =	swait.ge [sflag:s29], $0x1  }
0xc8: {  	[sflag:s29] =	ssyncadd.s32 $0xFFFFFFFF  }
0xc9: {  	_ =	strace $0x90000048  }
0xca: {  	_ =	sfence  }
0xcb: {  	s30 =	sld [smem:$0x0];
	_ =	sdelay $0x2  }
0xcc: {  	s31 =	sshll.u32 s1, $0xD;
	s1 =	sshrl.u32 s1, $0x2  }
0xcd: {  	s3 =	sand.u32 $0x4000, s31;
	s1 =	sadd.s32 s1, s30  }
0xce: {  	s0 =	sor.u32 s3, s0;
	s1 =	sshll.u32 s1, $0x11  }
0xcf: {  	s0 =	sor.u32 s1, s0  }
0xd0: {  	s0 =	sadd.s32 $0x8F2B, s0  }
0xd1: {  	[sflag:s0] =	ssyncadd.remote.s32 $0x1  }
0xd2: {  	_ =	sfence.sel $0xFFFF  }
0xd3: {  	[dreg:$0x0] =	wrdreg $0xFFFFFFFF;
	(pc) =	sbr.abs _section_cstart, $3  }
0xd4: {  	[dreg:$0x1] =	wrdreg $0xFFFFFFFF  }
0xd5: {  	_ =	task.clear_ibuf [dreg:s14], $0x2FFFF;
	_ =	strace $0x9FFFFFFF  }
0xd6: {  	(tm) =	ssettm $0x7FFFFFFF  }
0xd7: {  	_ =	shalt  }
tec
execute0_lowered:
.L_overlay_start_1:
0x0: {  	(tag) =	ssettag $0x1  }
0x1: {  	s0 =	srdreg.scid;
	s18 =	stileid.u32  }
0x2: {  	s15 =	rddreg [dreg:$0x6];
	s0 =	sand.u32 $0x1, s0;
	s1 =	smul.u32 $0x190, s18  }
0x3: {  	s3 =	rddreg [dreg:$0x8];
	s2 =	smul.u32 $0xC800, s0  }
0x4: {  	s30 =	rddreg [dreg:$0x0]  }
0x5: {  	s4 =	sadd.s32 $0x191400, s15;
	s9 =	smul.u32 $0x3200, s0;
	s2 =	sadd.s32 s1, s2  }
0x6: {  	s5 =	sadd.s32 $0x321400, s15;
	s6 =	ssub.s32 $0x2, s0;
	s2 =	sshll.u32 s2, $0x4  }
0x7: {  	s8 =	sshrl.u32 s6, $0x1;
	s1 =	sadd.s32 s1, s9;
	s16 =	sadd.s32 s4, s2  }
0x8: {  	s1 =	sshll.u32 s1, $0x4;
	s20 =	sadd.s32 s5, s2;
	[dreg:$0xc] =	wrdreg s16  }
0x9: {  	s19 =	sadd.s32 $0x19000, s2;
	s14 =	sadd.s32 s3, s1;
	[dreg:$0xd] =	wrdreg s20  }
0xa: {  	s17 =	ssub.s32 s6, s8;
	s21 =	sadd.s32 s4, s19;
	[dreg:$0x1c] =	wrdreg s14  }
0xb: {  	s22 =	sadd.s32 $0x32000, s2;
	s6 =	sadd.s32 s5, s19;
	[dreg:$0xe] =	wrdreg s21  }
0xc: {  	s23 =	sadd.s32 s4, s22;
	[dreg:$0xf] =	wrdreg s6  }
0xd: {  	s24 =	sadd.s32 $0x4B000, s2;
	s8 =	sadd.s32 s5, s22;
	[dreg:$0x10] =	wrdreg s23  }
0xe: {  	s26 =	sadd.s32 $0x64000, s2;
	s25 =	sadd.s32 s4, s24;
	[dreg:$0x11] =	wrdreg s8  }
0xf: {  	s28 =	sadd.s32 s4, s26;
	[dreg:$0x12] =	wrdreg s25  }
0x10: {  	s11 =	sadd.s32 $0x96000, s2;
	s29 =	sadd.s32 s5, s26;
	[dreg:$0x14] =	wrdreg s28  }
0x11: {  	s12 =	sadd.s32 s4, s11;
	[dreg:$0x15] =	wrdreg s29  }
0x12: {  	s7 =	sadd.s32 $0x65400, s15;
	s13 =	sadd.s32 s5, s11;
	[dreg:$0x18] =	wrdreg s12  }
0x13: {  	s16 =	sadd.s32 s7, s1;
	[dreg:$0x19] =	wrdreg s13  }
0x14: {  	s19 =	sadd.s32 $0x19000, s1;
	s6 =	sadd.s32 s5, s24;
	[dreg:$0x1d] =	wrdreg s16  }
0x15: {  	s3 =	sadd.s32 s3, s19;
	[dreg:$0x13] =	wrdreg s6  }
0x16: {  	s22 =	sadd.s32 $0x12D400, s15;
	s20 =	sadd.s32 s7, s19;
	[dreg:$0x1e] =	wrdreg s3  }
0x17: {  	s26 =	sadd.s32 s22, s19;
	[dreg:$0x1f] =	wrdreg s20  }
0x18: {  	s21 =	sadd.s32 $0xC9400, s15;
	[smem:$0x7F6] =	sst s26  }
0x19: {  	s8 =	sadd.s32 $0x7D000, s2;
	s25 =	sadd.s32 s21, s19;
	s19 =	rddreg [dreg:$0x3]  }
0x1a: {  	s10 =	sadd.s32 s4, s8;
	s24 =	sadd.s32 s21, s1;
	s21 =	rddreg [dreg:$0x7]  }
0x1b: {  	s2 =	sadd.s32 $0xAF000, s2;
	s6 =	sadd.s32 s5, s8;
	[dreg:$0x16] =	wrdreg s10  }
0x1c: {  	s4 =	sadd.s32 s4, s2;
	[dreg:$0x17] =	wrdreg s6  }
0x1d: {  	s2 =	sadd.s32 s5, s2;
	[dreg:$0x1a] =	wrdreg s4  }
0x1e: {  	[dreg:$0x1b] =	wrdreg s2  }
0x1f: {  	s0 =	smul.u32 $0x2710, s0;
	s1 =	sadd.s32 s22, s1;
	[smem:$0x7F3] =	sst s24  }
0x20: {  	s23 =	smul.u32 $0x4E20, s18;
	[smem:$0x7F4] =	sst s1  }
0x21: {  	s7 =	sadd.s32 $0x1800, s15;
	s18 =	smul.u32 $0xC800, s18;
	[smem:$0x7F5] =	sst s25  }
0x22: {  	s28 =	sadd.s32 s0, s23;
	s4 =	rddreg [dreg:$0x1];
	s25 =	simm.s32 $0x0  }
0x23: {  	s22 =	sadd.s32 $0x64E00, s15;
	s5 =	sadd.s32 $0x9C400, s28;
	[smem:$0x7FF] =	sst s25  }
0x24: {  	s8 =	sadd.s32 $0x4E200, s28;
	s9 =	sadd.s32 $0xEA600, s28;
	s11 =	sadd.s32 $0x138800, s28  }
0x25: {  	s13 =	sshrl.u32 s28, $0x3;
	s12 =	sadd.s32 $0x186A00, s28;
	s16 =	sadd.s32 $0x1D4C00, s28  }
0x26: {  	s2 =	sadd.s32 $0x222E00, s28;
	s28 =	smax.u32 s17, $0x1;
	s17 =	simm.s32 $0x0  }
0x27: {  	s26 =	sadd.s32 s13, s4;
	s6 =	sshrl.u32 s5, $0x3;
	s14 =	sshrl.u32 s8, $0x3  }
0x28: {  	s10 =	sshrl.u32 s9, $0x3;
	s20 =	sshrl.u32 s2, $0x3;
	s2 =	rddreg [dreg:$0x4]  }
0x29: {  	s1 =	sshrl.u32 s12, $0x3;
	s3 =	sshrl.u32 s16, $0x3;
	s8 =	rddreg [dreg:$0x9]  }
0x2a: {  	s5 =	sadd.s32 s13, s7;
	s9 =	sadd.s32 s13, s21;
	s12 =	rddreg [dreg:$0xa]  }
0x2b: {  	s16 =	sadd.s32 $0x4FA00, s15;
	s15 =	sadd.s32 $0x63400, s15;
	s0 =	sadd.s32 s6, s7  }
0x2c: {  	s29 =	sadd.s32 s10, s7;
	s3 =	sadd.s32 s3, s7;
	s4 =	sadd.s32 s20, s7  }
0x2d: {  	s6 =	sadd.s32 s14, s7;
	s10 =	sadd.s32 s14, s21;
	[smem:$0x7F7] =	sst s0  }
0x2e: {  	s14 =	sadd.s32 s14, s16;
	s0 =	sshrl.u32 s11, $0x3;
	s11 =	rddreg [dreg:$0x5]  }
0x2f: {  	s31 =	sadd.s32 s0, s7;
	s0 =	sadd.s32 s1, s7;
	s1 =	rddreg [dreg:$0x2]  }
0x30: {  	s23 =	sadd.s32 s18, s8;
	_ =	strace $0x80000047;
	[smem:$0x7F8] =	sst s22  }
0x31: {  	s24 =	sadd.s32 s18, s12;
	s20 =	simm.s32 $0x2900;
	[smem:$0x7F9] =	sst s15  }
0x32: {  	s21 =	simm.s32 $0x2;
	s7 =	sadd.s32 s13, s19;
	[smem:$0x7FA] =	sst s23  }
0x33: {  	s11 =	sadd.s32 s13, s11;
	s13 =	sadd.s32 s13, s16;
	[smem:$0x7FB] =	sst s24  }
0x34: {  	[smem:$0x7FC] =	sst s28;
	s22 =	simm.s32 $0x80;
	s23 =	simm.s32 $0x50  }
0x35: {  	s24 =	simm.s32 $0x100;
	s15 =	simm.s32 $0x1;
	[smem:$0x7FD] =	sst s29  }
.LBB2_1:
0x36: {  	s16 =	sld [smem:$0x7F8];
	_ =	sdelay $0x1  }
0x37: {  	[smem:$0x7EF] =	sst s17  }
0x38: {  	[tilespmem:s20], [sflag:$0x2] =	stream.linear.gather [hbm4b:s16+s25], $0x2800, $0x38;
	[tilespmem:$0x1E180] =	vst v63  }
0x39: {  	_ =	swait.ge [sflag:s21], $0x2800  }
0x3a: {  	s19 =	sld [smem:$0x7FA];
	_ =	sdelay $0x1  }
0x3b: {  	s18 =	stileid.u32;
	s29 =	sld [smem:$0x7F9]  }
0x3c: {  	s16 =	sshll.u32 s18, $0x6;
	[sflag:s21] =	ssyncset.done $0x0;
	s28 =	sshrl.u32 s19, $0x3  }
0x3d: {  	s18 =	sor.u32 $0x1C02, s16;
	[sflag:s21] =	ssyncadd.s32 $0xFFFFD800;
	[smem:$0x7F0] =	sst s28  }
0x3e: {  	[spmem:s28], [sflag:s18] =	dma.local [hbm:s29], $0x1900  }
0x3f: {  	_ =	swait.ge [sflag:s21], $0x1900  }
0x40: {  	s19 =	sld [smem:$0x7FB];
	_ =	sdelay $0x2  }
0x41: {  	[sflag:s21] =	ssyncset.done $0x0;
	[smem:$0x7F1] =	sst s18;
	s17 =	sshrl.u32 s19, $0x3  }
0x42: {  	[sflag:s21] =	ssyncadd.s32 $0xFFFFE700;
	[smem:$0x7F2] =	sst s17  }
0x43: {  	[spmem:s17], [sflag:s18] =	dma.local [hbm:s29], $0x1900  }
0x44: {  	_ =	swait.ge [sflag:s21], $0x1900  }
0x45: {  	[sflag:s21] =	ssyncset.done $0x0  }
0x46: {  	[sflag:s21] =	ssyncadd.s32 $0xFFFFE700  }
0x47: {  	s28 =	sadd.s32 $0x0, s26;
	[bflag:$0x0] =	sbarrier.arrive $0xFFFF  }
0x48: {  	[tilespmem:s25], [sflag:$0x2] =	stream.linear.gather [hbm4b:s28+s25], $0x50, $0x38;
	[tilespmem:$0x1E180] =	vst v63  }
0x49: {  	_ =	swait.ge [sflag:s21], $0x50  }
0x4a: {  	[sflag:s21] =	ssyncset.done $0x0  }
0x4b: {  	s29 =	sadd.s32 $0x0, s5;
	[sflag:s21] =	ssyncadd.s32 $0xFFFFFFB0  }
0x4c: {  	[tilespmem:s22], [sflag:$0x2] =	stream.linear.gather [hbm4b:s29+s25], $0x50, $0x38;
	[tilespmem:$0x1E180] =	vst v63  }
0x4d: {  	_ =	swait.ge [sflag:s21], $0x50  }
0x4e: {  	[sflag:s21] =	ssyncset.done $0x0  }
0x4f: {  	[sflag:s21] =	ssyncadd.s32 $0xFFFFFFB0  }
0x50: {  	[tilespmem:s24], [sflag:$0x1] =	stream.indirect.gather [hbm4b:s30+s23], $0x80, s25, s23, $0xb8;
	[tilespmem:$0x1E180] =	vst v63  }
0x51: {  	_ =	swait.ge [sflag:s15], $0x2800  }
0x52: {  	[sflag:s15] =	ssyncset.done $0x0  }
0x53: {  	[sflag:s15] =	ssyncadd.s32 $0xFFFFD800  }
0x54: {  	[spmem:s8] =	stream.indirect.scatter.add.f32 [tilespmem:s24], [sflag:$0x2], $0x80, s22, s23, $0xb8;
	[tilespmem:$0x1E180] =	vst v63  }
0x55: {  	_ =	swait.ge [sflag:s21], $0x2800  }
0x56: {  	[sflag:s21] =	ssyncset.done $0x0  }
0x57: {  	[sflag:s21] =	ssyncadd.s32 $0xFFFFD800  }
0x58: {  	[spmem:s12] =	stream.indirect.scatter.add.f32 [tilespmem:s20], [sflag:$0x2], $0x80, s22, s23, $0xb8;
	[tilespmem:$0x1E180] =	vst v63  }
0x59: {  	_ =	swait.ge [sflag:s21], $0x2800  }
0x5a: {  	s16 =	simm.s32 $0xA;
	s19 =	simm.s32 $0x14;
	[sflag:s21] =	ssyncset.done $0x0  }
.LBB2_2:
0x5b: {  	s17 =	sadd.s32 s16, s26  }
0x5c: {  	[sflag:s21] =	ssyncadd.s32 $0xFFFFD800;
	s18 =	smov.u32 s19;
	s28 =	sadd.s32 $0xA, s19  }
0x5d: {  	[tilespmem:s25], [sflag:$0x2] =	stream.linear.gather [hbm4b:s17+s25], $0x50, $0x38;
	[tilespmem:$0x1E180] =	vst v63  }
0x5e: {  	p0 =	sne.s32 s19, $0x4D8;
	_ =	swait.ge [sflag:s21], $0x50  }
0x5f: {  	[sflag:s21] =	ssyncset.done $0x0  }
0x60: {  	s17 =	sadd.s32 s16, s5;
	s16 =	smov.u32 s18;
	[sflag:s21] =	ssyncadd.s32 $0xFFFFFFB0  }
0x61: {  	[tilespmem:s22], [sflag:$0x2] =	stream.linear.gather [hbm4b:s17+s25], $0x50, $0x38;
	[tilespmem:$0x1E180] =	vst v63  }
0x62: {  	_ =	swait.ge [sflag:s21], $0x50  }
0x63: {  	[sflag:s21] =	ssyncset.done $0x0  }
0x64: {  	[sflag:s21] =	ssyncadd.s32 $0xFFFFFFB0  }
0x65: {  	[tilespmem:s24], [sflag:$0x1] =	stream.indirect.gather [hbm4b:s30+s23], $0x80, s25, s23, $0xb8;
	[tilespmem:$0x1E180] =	vst v63  }
0x66: {  	_ =	swait.ge [sflag:s15], $0x2800  }
0x67: {  	[sflag:s15] =	ssyncset.done $0x0  }
0x68: {  	[sflag:s15] =	ssyncadd.s32 $0xFFFFD800  }
0x69: {  	[spmem:s8] =	stream.indirect.scatter.add.f32 [tilespmem:s24], [sflag:$0x2], $0x80, s22, s23, $0xb8;
	[tilespmem:$0x1E180] =	vst v63  }
0x6a: {  	_ =	swait.ge [sflag:s21], $0x2800  }
.Ltmp0:
0x6b: {  	[sflag:s21] =	ssyncset.done $0x0;
	(pc) =	sbr.rel @p0 .LBB2_2-.Ltmp0, $4  }
0x6c: {  	[sflag:s21] =	ssyncadd.s32 $0xFFFFD800  }
0x6d: {  	[spmem:s12] =	stream.indirect.scatter.add.f32 [tilespmem:s20], [sflag:$0x2], $0x80, s22, s23, $0xb8;
	[tilespmem:$0x1E180] =	vst v63  }
0x6e: {  	_ =	swait.ge [sflag:s21], $0x2800  }
0x6f: {  	s19 =	smov.u32 s28;
	[sflag:s21] =	ssyncset.done $0x0  }
0x70: {  	s17 =	sadd.s32 s16, s26;
	[sflag:s21] =	ssyncadd.s32 $0xFFFFD800  }
0x71: {  	[tilespmem:s25], [sflag:$0x2] =	stream.linear.gather [hbm4b:s17+s25], $0x50, $0x38;
	[tilespmem:$0x1E180] =	vst v63  }
0x72: {  	_ =	swait.ge [sflag:s21], $0x50  }
0x73: {  	[sflag:s21] =	ssyncset.done $0x0  }
0x74: {  	s18 =	sadd.s32 s16, s5;
	[sflag:s21] =	ssyncadd.s32 $0xFFFFFFB0  }
0x75: {  	[tilespmem:s22], [sflag:$0x2] =	stream.linear.gather [hbm4b:s18+s25], $0x50, $0x38;
	[tilespmem:$0x1E180] =	vst v63  }
0x76: {  	_ =	swait.ge [sflag:s21], $0x50  }
0x77: {  	[sflag:s21] =	ssyncset.done $0x0  }
0x78: {  	[sflag:s21] =	ssyncadd.s32 $0xFFFFFFB0  }
0x79: {  	[tilespmem:s24], [sflag:$0x1] =	stream.indirect.gather [hbm4b:s30+s23], $0x80, s25, s23, $0xb8;
	[tilespmem:$0x1E180] =	vst v63  }
0x7a: {  	_ =	swait.ge [sflag:s15], $0x2800  }
0x7b: {  	[sflag:s15] =	ssyncset.done $0x0  }
0x7c: {  	[sflag:s15] =	ssyncadd.s32 $0xFFFFD800  }
0x7d: {  	[spmem:s8] =	stream.indirect.scatter.add.f32 [tilespmem:s24], [sflag:$0x2], $0x80, s22, s23, $0xb8;
	[tilespmem:$0x1E180] =	vst v63  }
0x7e: {  	_ =	swait.ge [sflag:s21], $0x2800  }
0x7f: {  	[sflag:s21] =	ssyncset.done $0x0  }
0x80: {  	[sflag:s21] =	ssyncadd.s32 $0xFFFFD800  }
0x81: {  	[spmem:s12] =	stream.indirect.scatter.add.f32 [tilespmem:s20], [sflag:$0x2], $0x80, s22, s23, $0xb8;
	[tilespmem:$0x1E180] =	vst v63  }
0x82: {  	_ =	swait.ge [sflag:s21], $0x2800  }
0x83: {  	[sflag:s21] =	ssyncset.done $0x0  }
0x84: {  	[sflag:s21] =	ssyncadd.s32 $0xFFFFD800  }
0x85: {  	[bflag:$0x0] =	sbarrier.arrive $0xFFFF  }
0x86: {  	s17 =	sld [smem:$0x7F1]  }
0x87: {  	s18 =	sld [smem:$0x7F0];
	_ =	sdelay $0x1  }
0x88: {  	s19 =	rddreg [dreg:$0xc]  }
0x89: {  	[hbm:s19], [sflag:s17] =	dma.local [spmem:s18], $0x1900  }
0x8a: {  	_ =	swait.ge [sflag:s21], $0x1900  }
0x8b: {  	s19 =	sld [smem:$0x7F2]  }
0x8c: {  	[sflag:s21] =	ssyncset.done $0x0  }
0x8d: {  	s28 =	rddreg [dreg:$0xd];
	[sflag:s21] =	ssyncadd.s32 $0xFFFFE700  }
0x8e: {  	[hbm:s28], [sflag:s17] =	dma.local [spmem:s19], $0x1900  }
0x8f: {  	_ =	swait.ge [sflag:s21], $0x1900  }
0x90: {  	[sflag:s21] =	ssyncset.done $0x0  }
0x91: {  	[sflag:s21] =	ssyncadd.s32 $0xFFFFE700  }
0x92: {  	[bflag:$0x0] =	sbarrier.arrive $0xFFFF  }
0x93: {  	s29 =	sld [smem:$0x7F9];
	_ =	sdelay $0x2  }
0x94: {  	[spmem:s18], [sflag:s17] =	dma.local [hbm:s29], $0x1900  }
0x95: {  	_ =	swait.ge [sflag:s21], $0x1900  }
0x96: {  	[sflag:s21] =	ssyncset.done $0x0  }
0x97: {  	[sflag:s21] =	ssyncadd.s32 $0xFFFFE700  }
0x98: {  	[spmem:s19], [sflag:s17] =	dma.local [hbm:s29], $0x1900  }
0x99: {  	_ =	swait.ge [sflag:s21], $0x1900  }
0x9a: {  	[sflag:s21] =	ssyncset.done $0x0  }
0x9b: {  	[sflag:s21] =	ssyncadd.s32 $0xFFFFE700  }
0x9c: {  	s28 =	sadd.s32 $0x0, s26;
	[bflag:$0x0] =	sbarrier.arrive $0xFFFF  }
0x9d: {  	[tilespmem:s25], [sflag:$0x2] =	stream.linear.gather [hbm4b:s28+s25], $0x50, $0x38;
	[tilespmem:$0x1E180] =	vst v63  }
0x9e: {  	_ =	swait.ge [sflag:s21], $0x50  }
0x9f: {  	[sflag:s21] =	ssyncset.done $0x0  }
0xa0: {  	s29 =	sadd.s32 $0x0, s6;
	[sflag:s21] =	ssyncadd.s32 $0xFFFFFFB0  }
0xa1: {  	[tilespmem:s22], [sflag:$0x2] =	stream.linear.gather [hbm4b:s29+s25], $0x50, $0x38;
	[tilespmem:$0x1E180] =	vst v63  }
0xa2: {  	_ =	swait.ge [sflag:s21], $0x50  }
0xa3: {  	[sflag:s21] =	ssyncset.done $0x0  }
0xa4: {  	[sflag:s21] =	ssyncadd.s32 $0xFFFFFFB0  }
0xa5: {  	[tilespmem:s24], [sflag:$0x1] =	stream.indirect.gather [hbm4b:s30+s23], $0x80, s25, s23, $0xb8;
	[tilespmem:$0x1E180] =	vst v63  }
0xa6: {  	_ =	swait.ge [sflag:s15], $0x2800  }
0xa7: {  	[sflag:s15] =	ssyncset.done $0x0  }
0xa8: {  	[sflag:s15] =	ssyncadd.s32 $0xFFFFD800  }
0xa9: {  	[spmem:s8] =	stream.indirect.scatter.add.f32 [tilespmem:s24], [sflag:$0x2], $0x80, s22, s23, $0xb8;
	[tilespmem:$0x1E180] =	vst v63  }
0xaa: {  	_ =	swait.ge [sflag:s21], $0x2800  }
0xab: {  	[sflag:s21] =	ssyncset.done $0x0  }
0xac: {  	[sflag:s21] =	ssyncadd.s32 $0xFFFFD800  }
0xad: {  	[spmem:s12] =	stream.indirect.scatter.add.f32 [tilespmem:s20], [sflag:$0x2], $0x80, s22, s23, $0xb8;
	[tilespmem:$0x1E180] =	vst v63  }
0xae: {  	_ =	swait.ge [sflag:s21], $0x2800  }
0xaf: {  	s16 =	simm.s32 $0xA;
	s19 =	simm.s32 $0x14;
	[sflag:s21] =	ssyncset.done $0x0  }
.LBB2_4:
0xb0: {  	s17 =	sadd.s32 s16, s26  }
0xb1: {  	[sflag:s21] =	ssyncadd.s32 $0xFFFFD800;
	s18 =	smov.u32 s19;
	s28 =	sadd.s32 $0xA, s19  }
0xb2: {  	[tilespmem:s25], [sflag:$0x2] =	stream.linear.gather [hbm4b:s17+s25], $0x50, $0x38;
	[tilespmem:$0x1E180] =	vst v63  }
0xb3: {  	p0 =	sne.s32 s19, $0x4D8;
	_ =	swait.ge [sflag:s21], $0x50  }
0xb4: {  	[sflag:s21] =	ssyncset.done $0x0  }
0xb5: {  	s17 =	sadd.s32 s16, s6;
	s16 =	smov.u32 s18;
	[sflag:s21] =	ssyncadd.s32 $0xFFFFFFB0  }
0xb6: {  	[tilespmem:s22], [sflag:$0x2] =	stream.linear.gather [hbm4b:s17+s25], $0x50, $0x38;
	[tilespmem:$0x1E180] =	vst v63  }
0xb7: {  	_ =	swait.ge [sflag:s21], $0x50  }
0xb8: {  	[sflag:s21] =	ssyncset.done $0x0  }
0xb9: {  	[sflag:s21] =	ssyncadd.s32 $0xFFFFFFB0  }
0xba: {  	[tilespmem:s24], [sflag:$0x1] =	stream.indirect.gather [hbm4b:s30+s23], $0x80, s25, s23, $0xb8;
	[tilespmem:$0x1E180] =	vst v63  }
0xbb: {  	_ =	swait.ge [sflag:s15], $0x2800  }
0xbc: {  	[sflag:s15] =	ssyncset.done $0x0  }
0xbd: {  	[sflag:s15] =	ssyncadd.s32 $0xFFFFD800  }
0xbe: {  	[spmem:s8] =	stream.indirect.scatter.add.f32 [tilespmem:s24], [sflag:$0x2], $0x80, s22, s23, $0xb8;
	[tilespmem:$0x1E180] =	vst v63  }
0xbf: {  	_ =	swait.ge [sflag:s21], $0x2800  }
.Ltmp1:
0xc0: {  	[sflag:s21] =	ssyncset.done $0x0;
	(pc) =	sbr.rel @p0 .LBB2_4-.Ltmp1, $4  }
0xc1: {  	[sflag:s21] =	ssyncadd.s32 $0xFFFFD800  }
0xc2: {  	[spmem:s12] =	stream.indirect.scatter.add.f32 [tilespmem:s20], [sflag:$0x2], $0x80, s22, s23, $0xb8;
	[tilespmem:$0x1E180] =	vst v63  }
0xc3: {  	_ =	swait.ge [sflag:s21], $0x2800  }
0xc4: {  	s19 =	smov.u32 s28;
	[sflag:s21] =	ssyncset.done $0x0  }
0xc5: {  	s17 =	sadd.s32 s16, s26;
	[sflag:s21] =	ssyncadd.s32 $0xFFFFD800  }
0xc6: {  	[tilespmem:s25], [sflag:$0x2] =	stream.linear.gather [hbm4b:s17+s25], $0x50, $0x38;
	[tilespmem:$0x1E180] =	vst v63  }
0xc7: {  	_ =	swait.ge [sflag:s21], $0x50  }
0xc8: {  	[sflag:s21] =	ssyncset.done $0x0  }
0xc9: {  	s18 =	sadd.s32 s16, s6;
	[sflag:s21] =	ssyncadd.s32 $0xFFFFFFB0  }
0xca: {  	[tilespmem:s22], [sflag:$0x2] =	stream.linear.gather [hbm4b:s18+s25], $0x50, $0x38;
	[tilespmem:$0x1E180] =	vst v63  }
0xcb: {  	_ =	swait.ge [sflag:s21], $0x50  }
0xcc: {  	[sflag:s21] =	ssyncset.done $0x0  }
0xcd: {  	[sflag:s21] =	ssyncadd.s32 $0xFFFFFFB0  }
0xce: {  	[tilespmem:s24], [sflag:$0x1] =	stream.indirect.gather [hbm4b:s30+s23], $0x80, s25, s23, $0xb8;
	[tilespmem:$0x1E180] =	vst v63  }
0xcf: {  	_ =	swait.ge [sflag:s15], $0x2800  }
0xd0: {  	[sflag:s15] =	ssyncset.done $0x0  }
0xd1: {  	[sflag:s15] =	ssyncadd.s32 $0xFFFFD800  }
0xd2: {  	[spmem:s8] =	stream.indirect.scatter.add.f32 [tilespmem:s24], [sflag:$0x2], $0x80, s22, s23, $0xb8;
	[tilespmem:$0x1E180] =	vst v63  }
0xd3: {  	_ =	swait.ge [sflag:s21], $0x2800  }
0xd4: {  	[sflag:s21] =	ssyncset.done $0x0  }
0xd5: {  	[sflag:s21] =	ssyncadd.s32 $0xFFFFD800  }
0xd6: {  	[spmem:s12] =	stream.indirect.scatter.add.f32 [tilespmem:s20], [sflag:$0x2], $0x80, s22, s23, $0xb8;
	[tilespmem:$0x1E180] =	vst v63  }
0xd7: {  	_ =	swait.ge [sflag:s21], $0x2800  }
0xd8: {  	[sflag:s21] =	ssyncset.done $0x0  }
0xd9: {  	[sflag:s21] =	ssyncadd.s32 $0xFFFFD800  }
0xda: {  	[bflag:$0x0] =	sbarrier.arrive $0xFFFF  }
0xdb: {  	s17 =	sld [smem:$0x7F1]  }
0xdc: {  	s18 =	sld [smem:$0x7F0];
	_ =	sdelay $0x1  }
0xdd: {  	s19 =	rddreg [dreg:$0xe]  }
0xde: {  	[hbm:s19], [sflag:s17] =	dma.local [spmem:s18], $0x1900  }
0xdf: {  	_ =	swait.ge [sflag:s21], $0x1900  }
0xe0: {  	s19 =	sld [smem:$0x7F2]  }
0xe1: {  	[sflag:s21] =	ssyncset.done $0x0  }
0xe2: {  	s28 =	rddreg [dreg:$0xf];
	[sflag:s21] =	ssyncadd.s32 $0xFFFFE700  }
0xe3: {  	[hbm:s28], [sflag:s17] =	dma.local [spmem:s19], $0x1900  }
0xe4: {  	_ =	swait.ge [sflag:s21], $0x1900  }
0xe5: {  	[sflag:s21] =	ssyncset.done $0x0  }
0xe6: {  	[sflag:s21] =	ssyncadd.s32 $0xFFFFE700  }
0xe7: {  	[bflag:$0x0] =	sbarrier.arrive $0xFFFF  }
0xe8: {  	s28 =	sld [smem:$0x7F9];
	_ =	sdelay $0x2  }
0xe9: {  	[spmem:s18], [sflag:s17] =	dma.local [hbm:s28], $0x1900  }
0xea: {  	_ =	swait.ge [sflag:s21], $0x1900  }
0xeb: {  	[sflag:s21] =	ssyncset.done $0x0  }
0xec: {  	[sflag:s21] =	ssyncadd.s32 $0xFFFFE700  }
0xed: {  	[spmem:s19], [sflag:s17] =	dma.local [hbm:s28], $0x1900  }
0xee: {  	_ =	swait.ge [sflag:s21], $0x1900  }
0xef: {  	[sflag:s21] =	ssyncset.done $0x0  }
0xf0: {  	[sflag:s21] =	ssyncadd.s32 $0xFFFFE700  }
0xf1: {  	s19 =	sadd.s32 $0x0, s26;
	[bflag:$0x0] =	sbarrier.arrive $0xFFFF  }
0xf2: {  	[tilespmem:s25], [sflag:$0x2] =	stream.linear.gather [hbm4b:s19+s25], $0x50, $0x38;
	[tilespmem:$0x1E180] =	vst v63  }
0xf3: {  	_ =	swait.ge [sflag:s21], $0x50  }
0xf4: {  	s29 =	sld [smem:$0x7F7];
	_ =	sdelay $0x1  }
0xf5: {  	[sflag:s21] =	ssyncset.done $0x0  }
0xf6: {  	[sflag:s21] =	ssyncadd.s32 $0xFFFFFFB0;
	s28 =	sadd.s32 $0x0, s29  }
0xf7: {  	[tilespmem:s22], [sflag:$0x2] =	stream.linear.gather [hbm4b:s28+s25], $0x50, $0x38;
	[tilespmem:$0x1E180] =	vst v63  }
0xf8: {  	_ =	swait.ge [sflag:s21], $0x50  }
0xf9: {  	[sflag:s21] =	ssyncset.done $0x0  }
0xfa: {  	[sflag:s21] =	ssyncadd.s32 $0xFFFFFFB0  }
0xfb: {  	[tilespmem:s24], [sflag:$0x1] =	stream.indirect.gather [hbm4b:s30+s23], $0x80, s25, s23, $0xb8;
	[tilespmem:$0x1E180] =	vst v63  }
0xfc: {  	_ =	swait.ge [sflag:s15], $0x2800  }
0xfd: {  	[sflag:s15] =	ssyncset.done $0x0  }
0xfe: {  	[sflag:s15] =	ssyncadd.s32 $0xFFFFD800  }
0xff: {  	[spmem:s8] =	stream.indirect.scatter.add.f32 [tilespmem:s24], [sflag:$0x2], $0x80, s22, s23, $0xb8;
	[tilespmem:$0x1E180] =	vst v63  }
0x100: {  	_ =	swait.ge [sflag:s21], $0x2800  }
0x101: {  	[sflag:s21] =	ssyncset.done $0x0  }
0x102: {  	[sflag:s21] =	ssyncadd.s32 $0xFFFFD800  }
0x103: {  	[spmem:s12] =	stream.indirect.scatter.add.f32 [tilespmem:s20], [sflag:$0x2], $0x80, s22, s23, $0xb8;
	[tilespmem:$0x1E180] =	vst v63  }
0x104: {  	_ =	swait.ge [sflag:s21], $0x2800  }
0x105: {  	s16 =	simm.s32 $0xA;
	s19 =	simm.s32 $0x14;
	[sflag:s21] =	ssyncset.done $0x0  }
.LBB2_6:
0x106: {  	s17 =	sadd.s32 s16, s26  }
0x107: {  	[sflag:s21] =	ssyncadd.s32 $0xFFFFD800;
	s18 =	smov.u32 s19;
	s28 =	sadd.s32 $0xA, s19  }
0x108: {  	[tilespmem:s25], [sflag:$0x2] =	stream.linear.gather [hbm4b:s17+s25], $0x50, $0x38;
	[tilespmem:$0x1E180] =	vst v63  }
0x109: {  	p0 =	sne.s32 s19, $0x4D8;
	_ =	swait.ge [sflag:s21], $0x50  }
0x10a: {  	[sflag:s21] =	ssyncset.done $0x0  }
0x10b: {  	s17 =	sadd.s32 s16, s29;
	s16 =	smov.u32 s18;
	[sflag:s21] =	ssyncadd.s32 $0xFFFFFFB0  }
0x10c: {  	[tilespmem:s22], [sflag:$0x2] =	stream.linear.gather [hbm4b:s17+s25], $0x50, $0x38;
	[tilespmem:$0x1E180] =	vst v63  }
0x10d: {  	_ =	swait.ge [sflag:s21], $0x50  }
0x10e: {  	[sflag:s21] =	ssyncset.done $0x0  }
0x10f: {  	[sflag:s21] =	ssyncadd.s32 $0xFFFFFFB0  }
0x110: {  	[tilespmem:s24], [sflag:$0x1] =	stream.indirect.gather [hbm4b:s30+s23], $0x80, s25, s23, $0xb8;
	[tilespmem:$0x1E180] =	vst v63  }
0x111: {  	_ =	swait.ge [sflag:s15], $0x2800  }
0x112: {  	[sflag:s15] =	ssyncset.done $0x0  }
0x113: {  	[sflag:s15] =	ssyncadd.s32 $0xFFFFD800  }
0x114: {  	[spmem:s8] =	stream.indirect.scatter.add.f32 [tilespmem:s24], [sflag:$0x2], $0x80, s22, s23, $0xb8;
	[tilespmem:$0x1E180] =	vst v63  }
0x115: {  	_ =	swait.ge [sflag:s21], $0x2800  }
.Ltmp2:
0x116: {  	[sflag:s21] =	ssyncset.done $0x0;
	(pc) =	sbr.rel @p0 .LBB2_6-.Ltmp2, $4  }
0x117: {  	[sflag:s21] =	ssyncadd.s32 $0xFFFFD800  }
0x118: {  	[spmem:s12] =	stream.indirect.scatter.add.f32 [tilespmem:s20], [sflag:$0x2], $0x80, s22, s23, $0xb8;
	[tilespmem:$0x1E180] =	vst v63  }
0x119: {  	_ =	swait.ge [sflag:s21], $0x2800  }
0x11a: {  	s19 =	smov.u32 s28;
	[sflag:s21] =	ssyncset.done $0x0  }
0x11b: {  	s17 =	sadd.s32 s16, s26;
	[sflag:s21] =	ssyncadd.s32 $0xFFFFD800  }
0x11c: {  	[tilespmem:s25], [sflag:$0x2] =	stream.linear.gather [hbm4b:s17+s25], $0x50, $0x38;
	[tilespmem:$0x1E180] =	vst v63  }
0x11d: {  	_ =	swait.ge [sflag:s21], $0x50  }
0x11e: {  	[sflag:s21] =	ssyncset.done $0x0  }
0x11f: {  	s18 =	sadd.s32 s16, s29;
	[sflag:s21] =	ssyncadd.s32 $0xFFFFFFB0  }
0x120: {  	[tilespmem:s22], [sflag:$0x2] =	stream.linear.gather [hbm4b:s18+s25], $0x50, $0x38;
	[tilespmem:$0x1E180] =	vst v63  }
0x121: {  	_ =	swait.ge [sflag:s21], $0x50  }
0x122: {  	[sflag:s21] =	ssyncset.done $0x0  }
0x123: {  	[sflag:s21] =	ssyncadd.s32 $0xFFFFFFB0  }
0x124: {  	[tilespmem:s24], [sflag:$0x1] =	stream.indirect.gather [hbm4b:s30+s23], $0x80, s25, s23, $0xb8;
	[tilespmem:$0x1E180] =	vst v63  }
0x125: {  	_ =	swait.ge [sflag:s15], $0x2800  }
0x126: {  	[sflag:s15] =	ssyncset.done $0x0  }
0x127: {  	[sflag:s15] =	ssyncadd.s32 $0xFFFFD800  }
0x128: {  	[spmem:s8] =	stream.indirect.scatter.add.f32 [tilespmem:s24], [sflag:$0x2], $0x80, s22, s23, $0xb8;
	[tilespmem:$0x1E180] =	vst v63  }
0x129: {  	_ =	swait.ge [sflag:s21], $0x2800  }
0x12a: {  	[sflag:s21] =	ssyncset.done $0x0  }
0x12b: {  	[sflag:s21] =	ssyncadd.s32 $0xFFFFD800  }
0x12c: {  	[spmem:s12] =	stream.indirect.scatter.add.f32 [tilespmem:s20], [sflag:$0x2], $0x80, s22, s23, $0xb8;
	[tilespmem:$0x1E180] =	vst v63  }
0x12d: {  	_ =	swait.ge [sflag:s21], $0x2800  }
0x12e: {  	[sflag:s21] =	ssyncset.done $0x0  }
0x12f: {  	[sflag:s21] =	ssyncadd.s32 $0xFFFFD800  }
0x130: {  	[bflag:$0x0] =	sbarrier.arrive $0xFFFF  }
0x131: {  	s17 =	sld [smem:$0x7F1]  }
0x132: {  	s18 =	sld [smem:$0x7F0];
	_ =	sdelay $0x1  }
0x133: {  	s19 =	rddreg [dreg:$0x10]  }
0x134: {  	[hbm:s19], [sflag:s17] =	dma.local [spmem:s18], $0x1900  }
0x135: {  	_ =	swait.ge [sflag:s21], $0x1900  }
0x136: {  	s19 =	sld [smem:$0x7F2]  }
0x137: {  	[sflag:s21] =	ssyncset.done $0x0  }
0x138: {  	s28 =	rddreg [dreg:$0x11];
	[sflag:s21] =	ssyncadd.s32 $0xFFFFE700  }
0x139: {  	[hbm:s28], [sflag:s17] =	dma.local [spmem:s19], $0x1900  }
0x13a: {  	_ =	swait.ge [sflag:s21], $0x1900  }
0x13b: {  	[sflag:s21] =	ssyncset.done $0x0  }
0x13c: {  	[sflag:s21] =	ssyncadd.s32 $0xFFFFE700  }
0x13d: {  	[bflag:$0x0] =	sbarrier.arrive $0xFFFF  }
0x13e: {  	s28 =	sld [smem:$0x7F9];
	_ =	sdelay $0x2  }
0x13f: {  	[spmem:s18], [sflag:s17] =	dma.local [hbm:s28], $0x1900  }
0x140: {  	_ =	swait.ge [sflag:s21], $0x1900  }
0x141: {  	[sflag:s21] =	ssyncset.done $0x0  }
0x142: {  	[sflag:s21] =	ssyncadd.s32 $0xFFFFE700  }
0x143: {  	[spmem:s19], [sflag:s17] =	dma.local [hbm:s28], $0x1900  }
0x144: {  	_ =	swait.ge [sflag:s21], $0x1900  }
0x145: {  	[sflag:s21] =	ssyncset.done $0x0  }
0x146: {  	[sflag:s21] =	ssyncadd.s32 $0xFFFFE700  }
0x147: {  	s19 =	sadd.s32 $0x0, s26;
	[bflag:$0x0] =	sbarrier.arrive $0xFFFF  }
0x148: {  	[tilespmem:s25], [sflag:$0x2] =	stream.linear.gather [hbm4b:s19+s25], $0x50, $0x38;
	[tilespmem:$0x1E180] =	vst v63  }
0x149: {  	_ =	swait.ge [sflag:s21], $0x50  }
0x14a: {  	s29 =	sld [smem:$0x7FD];
	_ =	sdelay $0x1  }
0x14b: {  	[sflag:s21] =	ssyncset.done $0x0  }
0x14c: {  	[sflag:s21] =	ssyncadd.s32 $0xFFFFFFB0;
	s28 =	sadd.s32 $0x0, s29  }
0x14d: {  	[tilespmem:s22], [sflag:$0x2] =	stream.linear.gather [hbm4b:s28+s25], $0x50, $0x38;
	[tilespmem:$0x1E180] =	vst v63  }
0x14e: {  	_ =	swait.ge [sflag:s21], $0x50  }
0x14f: {  	[sflag:s21] =	ssyncset.done $0x0  }
0x150: {  	[sflag:s21] =	ssyncadd.s32 $0xFFFFFFB0  }
0x151: {  	[tilespmem:s24], [sflag:$0x1] =	stream.indirect.gather [hbm4b:s30+s23], $0x80, s25, s23, $0xb8;
	[tilespmem:$0x1E180] =	vst v63  }
0x152: {  	_ =	swait.ge [sflag:s15], $0x2800  }
0x153: {  	[sflag:s15] =	ssyncset.done $0x0  }
0x154: {  	[sflag:s15] =	ssyncadd.s32 $0xFFFFD800  }
0x155: {  	[spmem:s8] =	stream.indirect.scatter.add.f32 [tilespmem:s24], [sflag:$0x2], $0x80, s22, s23, $0xb8;
	[tilespmem:$0x1E180] =	vst v63  }
0x156: {  	_ =	swait.ge [sflag:s21], $0x2800  }
0x157: {  	[sflag:s21] =	ssyncset.done $0x0  }
0x158: {  	[sflag:s21] =	ssyncadd.s32 $0xFFFFD800  }
0x159: {  	[spmem:s12] =	stream.indirect.scatter.add.f32 [tilespmem:s20], [sflag:$0x2], $0x80, s22, s23, $0xb8;
	[tilespmem:$0x1E180] =	vst v63  }
0x15a: {  	_ =	swait.ge [sflag:s21], $0x2800  }
0x15b: {  	s16 =	simm.s32 $0xA;
	s19 =	simm.s32 $0x14;
	[sflag:s21] =	ssyncset.done $0x0  }
.LBB2_8:
0x15c: {  	s17 =	sadd.s32 s16, s26  }
0x15d: {  	[sflag:s21] =	ssyncadd.s32 $0xFFFFD800;
	s18 =	smov.u32 s19;
	s28 =	sadd.s32 $0xA, s19  }
0x15e: {  	[tilespmem:s25], [sflag:$0x2] =	stream.linear.gather [hbm4b:s17+s25], $0x50, $0x38;
	[tilespmem:$0x1E180] =	vst v63  }
0x15f: {  	p0 =	sne.s32 s19, $0x4D8;
	_ =	swait.ge [sflag:s21], $0x50  }
0x160: {  	[sflag:s21] =	ssyncset.done $0x0  }
0x161: {  	s17 =	sadd.s32 s16, s29;
	s16 =	smov.u32 s18;
	[sflag:s21] =	ssyncadd.s32 $0xFFFFFFB0  }
0x162: {  	[tilespmem:s22], [sflag:$0x2] =	stream.linear.gather [hbm4b:s17+s25], $0x50, $0x38;
	[tilespmem:$0x1E180] =	vst v63  }
0x163: {  	_ =	swait.ge [sflag:s21], $0x50  }
0x164: {  	[sflag:s21] =	ssyncset.done $0x0  }
0x165: {  	[sflag:s21] =	ssyncadd.s32 $0xFFFFFFB0  }
0x166: {  	[tilespmem:s24], [sflag:$0x1] =	stream.indirect.gather [hbm4b:s30+s23], $0x80, s25, s23, $0xb8;
	[tilespmem:$0x1E180] =	vst v63  }
0x167: {  	_ =	swait.ge [sflag:s15], $0x2800  }
0x168: {  	[sflag:s15] =	ssyncset.done $0x0  }
0x169: {  	[sflag:s15] =	ssyncadd.s32 $0xFFFFD800  }
0x16a: {  	[spmem:s8] =	stream.indirect.scatter.add.f32 [tilespmem:s24], [sflag:$0x2], $0x80, s22, s23, $0xb8;
	[tilespmem:$0x1E180] =	vst v63  }
0x16b: {  	_ =	swait.ge [sflag:s21], $0x2800  }
.Ltmp3:
0x16c: {  	[sflag:s21] =	ssyncset.done $0x0;
	(pc) =	sbr.rel @p0 .LBB2_8-.Ltmp3, $4  }
0x16d: {  	[sflag:s21] =	ssyncadd.s32 $0xFFFFD800  }
0x16e: {  	[spmem:s12] =	stream.indirect.scatter.add.f32 [tilespmem:s20], [sflag:$0x2], $0x80, s22, s23, $0xb8;
	[tilespmem:$0x1E180] =	vst v63  }
0x16f: {  	_ =	swait.ge [sflag:s21], $0x2800  }
0x170: {  	s19 =	smov.u32 s28;
	[sflag:s21] =	ssyncset.done $0x0  }
0x171: {  	s17 =	sadd.s32 s16, s26;
	[sflag:s21] =	ssyncadd.s32 $0xFFFFD800  }
0x172: {  	[tilespmem:s25], [sflag:$0x2] =	stream.linear.gather [hbm4b:s17+s25], $0x50, $0x38;
	[tilespmem:$0x1E180] =	vst v63  }
0x173: {  	_ =	swait.ge [sflag:s21], $0x50  }
0x174: {  	[sflag:s21] =	ssyncset.done $0x0  }
0x175: {  	s18 =	sadd.s32 s16, s29;
	[sflag:s21] =	ssyncadd.s32 $0xFFFFFFB0  }
0x176: {  	[tilespmem:s22], [sflag:$0x2] =	stream.linear.gather [hbm4b:s18+s25], $0x50, $0x38;
	[tilespmem:$0x1E180] =	vst v63  }
0x177: {  	_ =	swait.ge [sflag:s21], $0x50  }
0x178: {  	[sflag:s21] =	ssyncset.done $0x0  }
0x179: {  	[sflag:s21] =	ssyncadd.s32 $0xFFFFFFB0  }
0x17a: {  	[tilespmem:s24], [sflag:$0x1] =	stream.indirect.gather [hbm4b:s30+s23], $0x80, s25, s23, $0xb8;
	[tilespmem:$0x1E180] =	vst v63  }
0x17b: {  	_ =	swait.ge [sflag:s15], $0x2800  }
0x17c: {  	[sflag:s15] =	ssyncset.done $0x0  }
0x17d: {  	[sflag:s15] =	ssyncadd.s32 $0xFFFFD800  }
0x17e: {  	[spmem:s8] =	stream.indirect.scatter.add.f32 [tilespmem:s24], [sflag:$0x2], $0x80, s22, s23, $0xb8;
	[tilespmem:$0x1E180] =	vst v63  }
0x17f: {  	_ =	swait.ge [sflag:s21], $0x2800  }
0x180: {  	[sflag:s21] =	ssyncset.done $0x0  }
0x181: {  	[sflag:s21] =	ssyncadd.s32 $0xFFFFD800  }
0x182: {  	[spmem:s12] =	stream.indirect.scatter.add.f32 [tilespmem:s20], [sflag:$0x2], $0x80, s22, s23, $0xb8;
	[tilespmem:$0x1E180] =	vst v63  }
0x183: {  	_ =	swait.ge [sflag:s21], $0x2800  }
0x184: {  	[sflag:s21] =	ssyncset.done $0x0  }
0x185: {  	[sflag:s21] =	ssyncadd.s32 $0xFFFFD800  }
0x186: {  	[bflag:$0x0] =	sbarrier.arrive $0xFFFF  }
0x187: {  	s17 =	sld [smem:$0x7F1]  }
0x188: {  	s18 =	sld [smem:$0x7F0];
	_ =	sdelay $0x1  }
0x189: {  	s19 =	rddreg [dreg:$0x12]  }
0x18a: {  	[hbm:s19], [sflag:s17] =	dma.local [spmem:s18], $0x1900  }
0x18b: {  	_ =	swait.ge [sflag:s21], $0x1900  }
0x18c: {  	s19 =	sld [smem:$0x7F2]  }
0x18d: {  	[sflag:s21] =	ssyncset.done $0x0  }
0x18e: {  	s28 =	rddreg [dreg:$0x13];
	[sflag:s21] =	ssyncadd.s32 $0xFFFFE700  }
0x18f: {  	[hbm:s28], [sflag:s17] =	dma.local [spmem:s19], $0x1900  }
0x190: {  	_ =	swait.ge [sflag:s21], $0x1900  }
0x191: {  	[sflag:s21] =	ssyncset.done $0x0  }
0x192: {  	[sflag:s21] =	ssyncadd.s32 $0xFFFFE700  }
0x193: {  	[bflag:$0x0] =	sbarrier.arrive $0xFFFF  }
0x194: {  	s29 =	sld [smem:$0x7F9];
	_ =	sdelay $0x2  }
0x195: {  	[spmem:s18], [sflag:s17] =	dma.local [hbm:s29], $0x1900  }
0x196: {  	_ =	swait.ge [sflag:s21], $0x1900  }
0x197: {  	[sflag:s21] =	ssyncset.done $0x0  }
0x198: {  	[sflag:s21] =	ssyncadd.s32 $0xFFFFE700  }
0x199: {  	[spmem:s19], [sflag:s17] =	dma.local [hbm:s29], $0x1900  }
0x19a: {  	_ =	swait.ge [sflag:s21], $0x1900  }
0x19b: {  	[sflag:s21] =	ssyncset.done $0x0  }
0x19c: {  	[sflag:s21] =	ssyncadd.s32 $0xFFFFE700  }
0x19d: {  	s28 =	sadd.s32 $0x0, s26;
	[bflag:$0x0] =	sbarrier.arrive $0xFFFF  }
0x19e: {  	[tilespmem:s25], [sflag:$0x2] =	stream.linear.gather [hbm4b:s28+s25], $0x50, $0x38;
	[tilespmem:$0x1E180] =	vst v63  }
0x19f: {  	_ =	swait.ge [sflag:s21], $0x50  }
0x1a0: {  	[sflag:s21] =	ssyncset.done $0x0  }
0x1a1: {  	s29 =	sadd.s32 $0x0, s31;
	[sflag:s21] =	ssyncadd.s32 $0xFFFFFFB0  }
0x1a2: {  	[tilespmem:s22], [sflag:$0x2] =	stream.linear.gather [hbm4b:s29+s25], $0x50, $0x38;
	[tilespmem:$0x1E180] =	vst v63  }
0x1a3: {  	_ =	swait.ge [sflag:s21], $0x50  }
0x1a4: {  	[sflag:s21] =	ssyncset.done $0x0  }
0x1a5: {  	[sflag:s21] =	ssyncadd.s32 $0xFFFFFFB0  }
0x1a6: {  	[tilespmem:s24], [sflag:$0x1] =	stream.indirect.gather [hbm4b:s30+s23], $0x80, s25, s23, $0xb8;
	[tilespmem:$0x1E180] =	vst v63  }
0x1a7: {  	_ =	swait.ge [sflag:s15], $0x2800  }
0x1a8: {  	[sflag:s15] =	ssyncset.done $0x0  }
0x1a9: {  	[sflag:s15] =	ssyncadd.s32 $0xFFFFD800  }
0x1aa: {  	[spmem:s8] =	stream.indirect.scatter.add.f32 [tilespmem:s24], [sflag:$0x2], $0x80, s22, s23, $0xb8;
	[tilespmem:$0x1E180] =	vst v63  }
0x1ab: {  	_ =	swait.ge [sflag:s21], $0x2800  }
0x1ac: {  	[sflag:s21] =	ssyncset.done $0x0  }
0x1ad: {  	[sflag:s21] =	ssyncadd.s32 $0xFFFFD800  }
0x1ae: {  	[spmem:s12] =	stream.indirect.scatter.add.f32 [tilespmem:s20], [sflag:$0x2], $0x80, s22, s23, $0xb8;
	[tilespmem:$0x1E180] =	vst v63  }
0x1af: {  	_ =	swait.ge [sflag:s21], $0x2800  }
0x1b0: {  	s16 =	simm.s32 $0xA;
	s19 =	simm.s32 $0x14;
	[sflag:s21] =	ssyncset.done $0x0  }
.LBB2_10:
0x1b1: {  	s17 =	sadd.s32 s16, s26  }
0x1b2: {  	[sflag:s21] =	ssyncadd.s32 $0xFFFFD800;
	s18 =	smov.u32 s19;
	s28 =	sadd.s32 $0xA, s19  }
0x1b3: {  	[tilespmem:s25], [sflag:$0x2] =	stream.linear.gather [hbm4b:s17+s25], $0x50, $0x38;
	[tilespmem:$0x1E180] =	vst v63  }
0x1b4: {  	p0 =	sne.s32 s19, $0x4D8;
	_ =	swait.ge [sflag:s21], $0x50  }
0x1b5: {  	[sflag:s21] =	ssyncset.done $0x0  }
0x1b6: {  	s17 =	sadd.s32 s16, s31;
	s16 =	smov.u32 s18;
	[sflag:s21] =	ssyncadd.s32 $0xFFFFFFB0  }
0x1b7: {  	[tilespmem:s22], [sflag:$0x2] =	stream.linear.gather [hbm4b:s17+s25], $0x50, $0x38;
	[tilespmem:$0x1E180] =	vst v63  }
0x1b8: {  	_ =	swait.ge [sflag:s21], $0x50  }
0x1b9: {  	[sflag:s21] =	ssyncset.done $0x0  }
0x1ba: {  	[sflag:s21] =	ssyncadd.s32 $0xFFFFFFB0  }
0x1bb: {  	[tilespmem:s24], [sflag:$0x1] =	stream.indirect.gather [hbm4b:s30+s23], $0x80, s25, s23, $0xb8;
	[tilespmem:$0x1E180] =	vst v63  }
0x1bc: {  	_ =	swait.ge [sflag:s15], $0x2800  }
0x1bd: {  	[sflag:s15] =	ssyncset.done $0x0  }
0x1be: {  	[sflag:s15] =	ssyncadd.s32 $0xFFFFD800  }
0x1bf: {  	[spmem:s8] =	stream.indirect.scatter.add.f32 [tilespmem:s24], [sflag:$0x2], $0x80, s22, s23, $0xb8;
	[tilespmem:$0x1E180] =	vst v63  }
0x1c0: {  	_ =	swait.ge [sflag:s21], $0x2800  }
.Ltmp4:
0x1c1: {  	[sflag:s21] =	ssyncset.done $0x0;
	(pc) =	sbr.rel @p0 .LBB2_10-.Ltmp4, $4  }
0x1c2: {  	[sflag:s21] =	ssyncadd.s32 $0xFFFFD800  }
0x1c3: {  	[spmem:s12] =	stream.indirect.scatter.add.f32 [tilespmem:s20], [sflag:$0x2], $0x80, s22, s23, $0xb8;
	[tilespmem:$0x1E180] =	vst v63  }
0x1c4: {  	_ =	swait.ge [sflag:s21], $0x2800  }
0x1c5: {  	s19 =	smov.u32 s28;
	[sflag:s21] =	ssyncset.done $0x0  }
0x1c6: {  	s17 =	sadd.s32 s16, s26;
	[sflag:s21] =	ssyncadd.s32 $0xFFFFD800  }
0x1c7: {  	[tilespmem:s25], [sflag:$0x2] =	stream.linear.gather [hbm4b:s17+s25], $0x50, $0x38;
	[tilespmem:$0x1E180] =	vst v63  }
0x1c8: {  	_ =	swait.ge [sflag:s21], $0x50  }
0x1c9: {  	[sflag:s21] =	ssyncset.done $0x0  }
0x1ca: {  	s18 =	sadd.s32 s16, s31;
	[sflag:s21] =	ssyncadd.s32 $0xFFFFFFB0  }
0x1cb: {  	[tilespmem:s22], [sflag:$0x2] =	stream.linear.gather [hbm4b:s18+s25], $0x50, $0x38;
	[tilespmem:$0x1E180] =	vst v63  }
0x1cc: {  	_ =	swait.ge [sflag:s21], $0x50  }
0x1cd: {  	[sflag:s21] =	ssyncset.done $0x0  }
0x1ce: {  	[sflag:s21] =	ssyncadd.s32 $0xFFFFFFB0  }
0x1cf: {  	[tilespmem:s24], [sflag:$0x1] =	stream.indirect.gather [hbm4b:s30+s23], $0x80, s25, s23, $0xb8;
	[tilespmem:$0x1E180] =	vst v63  }
0x1d0: {  	_ =	swait.ge [sflag:s15], $0x2800  }
0x1d1: {  	[sflag:s15] =	ssyncset.done $0x0  }
0x1d2: {  	[sflag:s15] =	ssyncadd.s32 $0xFFFFD800  }
0x1d3: {  	[spmem:s8] =	stream.indirect.scatter.add.f32 [tilespmem:s24], [sflag:$0x2], $0x80, s22, s23, $0xb8;
	[tilespmem:$0x1E180] =	vst v63  }
0x1d4: {  	_ =	swait.ge [sflag:s21], $0x2800  }
0x1d5: {  	[sflag:s21] =	ssyncset.done $0x0  }
0x1d6: {  	[sflag:s21] =	ssyncadd.s32 $0xFFFFD800  }
0x1d7: {  	[spmem:s12] =	stream.indirect.scatter.add.f32 [tilespmem:s20], [sflag:$0x2], $0x80, s22, s23, $0xb8;
	[tilespmem:$0x1E180] =	vst v63  }
0x1d8: {  	_ =	swait.ge [sflag:s21], $0x2800  }
0x1d9: {  	[sflag:s21] =	ssyncset.done $0x0  }
0x1da: {  	[sflag:s21] =	ssyncadd.s32 $0xFFFFD800  }
0x1db: {  	[bflag:$0x0] =	sbarrier.arrive $0xFFFF  }
0x1dc: {  	s17 =	sld [smem:$0x7F1]  }
0x1dd: {  	s18 =	sld [smem:$0x7F0];
	_ =	sdelay $0x1  }
0x1de: {  	s19 =	rddreg [dreg:$0x14]  }
0x1df: {  	[hbm:s19], [sflag:s17] =	dma.local [spmem:s18], $0x1900  }
0x1e0: {  	_ =	swait.ge [sflag:s21], $0x1900  }
0x1e1: {  	s19 =	sld [smem:$0x7F2]  }
0x1e2: {  	[sflag:s21] =	ssyncset.done $0x0  }
0x1e3: {  	s28 =	rddreg [dreg:$0x15];
	[sflag:s21] =	ssyncadd.s32 $0xFFFFE700  }
0x1e4: {  	[hbm:s28], [sflag:s17] =	dma.local [spmem:s19], $0x1900  }
0x1e5: {  	_ =	swait.ge [sflag:s21], $0x1900  }
0x1e6: {  	[sflag:s21] =	ssyncset.done $0x0  }
0x1e7: {  	[sflag:s21] =	ssyncadd.s32 $0xFFFFE700  }
0x1e8: {  	[bflag:$0x0] =	sbarrier.arrive $0xFFFF  }
0x1e9: {  	s29 =	sld [smem:$0x7F9];
	_ =	sdelay $0x2  }
0x1ea: {  	[spmem:s18], [sflag:s17] =	dma.local [hbm:s29], $0x1900  }
0x1eb: {  	_ =	swait.ge [sflag:s21], $0x1900  }
0x1ec: {  	[sflag:s21] =	ssyncset.done $0x0  }
0x1ed: {  	[sflag:s21] =	ssyncadd.s32 $0xFFFFE700  }
0x1ee: {  	[spmem:s19], [sflag:s17] =	dma.local [hbm:s29], $0x1900  }
0x1ef: {  	_ =	swait.ge [sflag:s21], $0x1900  }
0x1f0: {  	[sflag:s21] =	ssyncset.done $0x0  }
0x1f1: {  	[sflag:s21] =	ssyncadd.s32 $0xFFFFE700  }
0x1f2: {  	s28 =	sadd.s32 $0x0, s26;
	[bflag:$0x0] =	sbarrier.arrive $0xFFFF  }
0x1f3: {  	[tilespmem:s25], [sflag:$0x2] =	stream.linear.gather [hbm4b:s28+s25], $0x50, $0x38;
	[tilespmem:$0x1E180] =	vst v63  }
0x1f4: {  	_ =	swait.ge [sflag:s21], $0x50  }
0x1f5: {  	[sflag:s21] =	ssyncset.done $0x0  }
0x1f6: {  	s29 =	sadd.s32 $0x0, s0;
	[sflag:s21] =	ssyncadd.s32 $0xFFFFFFB0  }
0x1f7: {  	[tilespmem:s22], [sflag:$0x2] =	stream.linear.gather [hbm4b:s29+s25], $0x50, $0x38;
	[tilespmem:$0x1E180] =	vst v63  }
0x1f8: {  	_ =	swait.ge [sflag:s21], $0x50  }
0x1f9: {  	[sflag:s21] =	ssyncset.done $0x0  }
0x1fa: {  	[sflag:s21] =	ssyncadd.s32 $0xFFFFFFB0  }
0x1fb: {  	[tilespmem:s24], [sflag:$0x1] =	stream.indirect.gather [hbm4b:s30+s23], $0x80, s25, s23, $0xb8;
	[tilespmem:$0x1E180] =	vst v63  }
0x1fc: {  	_ =	swait.ge [sflag:s15], $0x2800  }
0x1fd: {  	[sflag:s15] =	ssyncset.done $0x0  }
0x1fe: {  	[sflag:s15] =	ssyncadd.s32 $0xFFFFD800  }
0x1ff: {  	[spmem:s8] =	stream.indirect.scatter.add.f32 [tilespmem:s24], [sflag:$0x2], $0x80, s22, s23, $0xb8;
	[tilespmem:$0x1E180] =	vst v63  }
0x200: {  	_ =	swait.ge [sflag:s21], $0x2800  }
0x201: {  	[sflag:s21] =	ssyncset.done $0x0  }
0x202: {  	[sflag:s21] =	ssyncadd.s32 $0xFFFFD800  }
0x203: {  	[spmem:s12] =	stream.indirect.scatter.add.f32 [tilespmem:s20], [sflag:$0x2], $0x80, s22, s23, $0xb8;
	[tilespmem:$0x1E180] =	vst v63  }
0x204: {  	_ =	swait.ge [sflag:s21], $0x2800  }
0x205: {  	s16 =	simm.s32 $0xA;
	s19 =	simm.s32 $0x14;
	[sflag:s21] =	ssyncset.done $0x0  }
.LBB2_12:
0x206: {  	s17 =	sadd.s32 s16, s26  }
0x207: {  	[sflag:s21] =	ssyncadd.s32 $0xFFFFD800;
	s18 =	smov.u32 s19;
	s28 =	sadd.s32 $0xA, s19  }
0x208: {  	[tilespmem:s25], [sflag:$0x2] =	stream.linear.gather [hbm4b:s17+s25], $0x50, $0x38;
	[tilespmem:$0x1E180] =	vst v63  }
0x209: {  	p0 =	sne.s32 s19, $0x4D8;
	_ =	swait.ge [sflag:s21], $0x50  }
0x20a: {  	[sflag:s21] =	ssyncset.done $0x0  }
0x20b: {  	s17 =	sadd.s32 s16, s0;
	s16 =	smov.u32 s18;
	[sflag:s21] =	ssyncadd.s32 $0xFFFFFFB0  }
0x20c: {  	[tilespmem:s22], [sflag:$0x2] =	stream.linear.gather [hbm4b:s17+s25], $0x50, $0x38;
	[tilespmem:$0x1E180] =	vst v63  }
0x20d: {  	_ =	swait.ge [sflag:s21], $0x50  }
0x20e: {  	[sflag:s21] =	ssyncset.done $0x0  }
0x20f: {  	[sflag:s21] =	ssyncadd.s32 $0xFFFFFFB0  }
0x210: {  	[tilespmem:s24], [sflag:$0x1] =	stream.indirect.gather [hbm4b:s30+s23], $0x80, s25, s23, $0xb8;
	[tilespmem:$0x1E180] =	vst v63  }
0x211: {  	_ =	swait.ge [sflag:s15], $0x2800  }
0x212: {  	[sflag:s15] =	ssyncset.done $0x0  }
0x213: {  	[sflag:s15] =	ssyncadd.s32 $0xFFFFD800  }
0x214: {  	[spmem:s8] =	stream.indirect.scatter.add.f32 [tilespmem:s24], [sflag:$0x2], $0x80, s22, s23, $0xb8;
	[tilespmem:$0x1E180] =	vst v63  }
0x215: {  	_ =	swait.ge [sflag:s21], $0x2800  }
.Ltmp5:
0x216: {  	[sflag:s21] =	ssyncset.done $0x0;
	(pc) =	sbr.rel @p0 .LBB2_12-.Ltmp5, $4  }
0x217: {  	[sflag:s21] =	ssyncadd.s32 $0xFFFFD800  }
0x218: {  	[spmem:s12] =	stream.indirect.scatter.add.f32 [tilespmem:s20], [sflag:$0x2], $0x80, s22, s23, $0xb8;
	[tilespmem:$0x1E180] =	vst v63  }
0x219: {  	_ =	swait.ge [sflag:s21], $0x2800  }
0x21a: {  	s19 =	smov.u32 s28;
	[sflag:s21] =	ssyncset.done $0x0  }
0x21b: {  	s17 =	sadd.s32 s16, s26;
	[sflag:s21] =	ssyncadd.s32 $0xFFFFD800  }
0x21c: {  	[tilespmem:s25], [sflag:$0x2] =	stream.linear.gather [hbm4b:s17+s25], $0x50, $0x38;
	[tilespmem:$0x1E180] =	vst v63  }
0x21d: {  	_ =	swait.ge [sflag:s21], $0x50  }
0x21e: {  	[sflag:s21] =	ssyncset.done $0x0  }
0x21f: {  	s18 =	sadd.s32 s16, s0;
	[sflag:s21] =	ssyncadd.s32 $0xFFFFFFB0  }
0x220: {  	[tilespmem:s22], [sflag:$0x2] =	stream.linear.gather [hbm4b:s18+s25], $0x50, $0x38;
	[tilespmem:$0x1E180] =	vst v63  }
0x221: {  	_ =	swait.ge [sflag:s21], $0x50  }
0x222: {  	[sflag:s21] =	ssyncset.done $0x0  }
0x223: {  	[sflag:s21] =	ssyncadd.s32 $0xFFFFFFB0  }
0x224: {  	[tilespmem:s24], [sflag:$0x1] =	stream.indirect.gather [hbm4b:s30+s23], $0x80, s25, s23, $0xb8;
	[tilespmem:$0x1E180] =	vst v63  }
0x225: {  	_ =	swait.ge [sflag:s15], $0x2800  }
0x226: {  	[sflag:s15] =	ssyncset.done $0x0  }
0x227: {  	[sflag:s15] =	ssyncadd.s32 $0xFFFFD800  }
0x228: {  	[spmem:s8] =	stream.indirect.scatter.add.f32 [tilespmem:s24], [sflag:$0x2], $0x80, s22, s23, $0xb8;
	[tilespmem:$0x1E180] =	vst v63  }
0x229: {  	_ =	swait.ge [sflag:s21], $0x2800  }
0x22a: {  	[sflag:s21] =	ssyncset.done $0x0  }
0x22b: {  	[sflag:s21] =	ssyncadd.s32 $0xFFFFD800  }
0x22c: {  	[spmem:s12] =	stream.indirect.scatter.add.f32 [tilespmem:s20], [sflag:$0x2], $0x80, s22, s23, $0xb8;
	[tilespmem:$0x1E180] =	vst v63  }
0x22d: {  	_ =	swait.ge [sflag:s21], $0x2800  }
0x22e: {  	[sflag:s21] =	ssyncset.done $0x0  }
0x22f: {  	[sflag:s21] =	ssyncadd.s32 $0xFFFFD800  }
0x230: {  	[bflag:$0x0] =	sbarrier.arrive $0xFFFF  }
0x231: {  	s17 =	sld [smem:$0x7F1]  }
0x232: {  	s18 =	sld [smem:$0x7F0];
	_ =	sdelay $0x1  }
0x233: {  	s19 =	rddreg [dreg:$0x16]  }
0x234: {  	[hbm:s19], [sflag:s17] =	dma.local [spmem:s18], $0x1900  }
0x235: {  	_ =	swait.ge [sflag:s21], $0x1900  }
0x236: {  	s19 =	sld [smem:$0x7F2]  }
0x237: {  	[sflag:s21] =	ssyncset.done $0x0  }
0x238: {  	s28 =	rddreg [dreg:$0x17];
	[sflag:s21] =	ssyncadd.s32 $0xFFFFE700  }
0x239: {  	[hbm:s28], [sflag:s17] =	dma.local [spmem:s19], $0x1900  }
0x23a: {  	_ =	swait.ge [sflag:s21], $0x1900  }
0x23b: {  	[sflag:s21] =	ssyncset.done $0x0  }
0x23c: {  	[sflag:s21] =	ssyncadd.s32 $0xFFFFE700  }
0x23d: {  	[bflag:$0x0] =	sbarrier.arrive $0xFFFF  }
0x23e: {  	s29 =	sld [smem:$0x7F9];
	_ =	sdelay $0x2  }
0x23f: {  	[spmem:s18], [sflag:s17] =	dma.local [hbm:s29], $0x1900  }
0x240: {  	_ =	swait.ge [sflag:s21], $0x1900  }
0x241: {  	[sflag:s21] =	ssyncset.done $0x0  }
0x242: {  	[sflag:s21] =	ssyncadd.s32 $0xFFFFE700  }
0x243: {  	[spmem:s19], [sflag:s17] =	dma.local [hbm:s29], $0x1900  }
0x244: {  	_ =	swait.ge [sflag:s21], $0x1900  }
0x245: {  	[sflag:s21] =	ssyncset.done $0x0  }
0x246: {  	[sflag:s21] =	ssyncadd.s32 $0xFFFFE700  }
0x247: {  	s28 =	sadd.s32 $0x0, s26;
	[bflag:$0x0] =	sbarrier.arrive $0xFFFF  }
0x248: {  	[tilespmem:s25], [sflag:$0x2] =	stream.linear.gather [hbm4b:s28+s25], $0x50, $0x38;
	[tilespmem:$0x1E180] =	vst v63  }
0x249: {  	_ =	swait.ge [sflag:s21], $0x50  }
0x24a: {  	[sflag:s21] =	ssyncset.done $0x0  }
0x24b: {  	s29 =	sadd.s32 $0x0, s3;
	[sflag:s21] =	ssyncadd.s32 $0xFFFFFFB0  }
0x24c: {  	[tilespmem:s22], [sflag:$0x2] =	stream.linear.gather [hbm4b:s29+s25], $0x50, $0x38;
	[tilespmem:$0x1E180] =	vst v63  }
0x24d: {  	_ =	swait.ge [sflag:s21], $0x50  }
0x24e: {  	[sflag:s21] =	ssyncset.done $0x0  }
0x24f: {  	[sflag:s21] =	ssyncadd.s32 $0xFFFFFFB0  }
0x250: {  	[tilespmem:s24], [sflag:$0x1] =	stream.indirect.gather [hbm4b:s30+s23], $0x80, s25, s23, $0xb8;
	[tilespmem:$0x1E180] =	vst v63  }
0x251: {  	_ =	swait.ge [sflag:s15], $0x2800  }
0x252: {  	[sflag:s15] =	ssyncset.done $0x0  }
0x253: {  	[sflag:s15] =	ssyncadd.s32 $0xFFFFD800  }
0x254: {  	[spmem:s8] =	stream.indirect.scatter.add.f32 [tilespmem:s24], [sflag:$0x2], $0x80, s22, s23, $0xb8;
	[tilespmem:$0x1E180] =	vst v63  }
0x255: {  	_ =	swait.ge [sflag:s21], $0x2800  }
0x256: {  	[sflag:s21] =	ssyncset.done $0x0  }
0x257: {  	[sflag:s21] =	ssyncadd.s32 $0xFFFFD800  }
0x258: {  	[spmem:s12] =	stream.indirect.scatter.add.f32 [tilespmem:s20], [sflag:$0x2], $0x80, s22, s23, $0xb8;
	[tilespmem:$0x1E180] =	vst v63  }
0x259: {  	_ =	swait.ge [sflag:s21], $0x2800  }
0x25a: {  	s16 =	simm.s32 $0xA;
	s19 =	simm.s32 $0x14;
	[sflag:s21] =	ssyncset.done $0x0  }
.LBB2_14:
0x25b: {  	s17 =	sadd.s32 s16, s26  }
0x25c: {  	[sflag:s21] =	ssyncadd.s32 $0xFFFFD800;
	s18 =	smov.u32 s19;
	s28 =	sadd.s32 $0xA, s19  }
0x25d: {  	[tilespmem:s25], [sflag:$0x2] =	stream.linear.gather [hbm4b:s17+s25], $0x50, $0x38;
	[tilespmem:$0x1E180] =	vst v63  }
0x25e: {  	p0 =	sne.s32 s19, $0x4D8;
	_ =	swait.ge [sflag:s21], $0x50  }
0x25f: {  	[sflag:s21] =	ssyncset.done $0x0  }
0x260: {  	s17 =	sadd.s32 s16, s3;
	s16 =	smov.u32 s18;
	[sflag:s21] =	ssyncadd.s32 $0xFFFFFFB0  }
0x261: {  	[tilespmem:s22], [sflag:$0x2] =	stream.linear.gather [hbm4b:s17+s25], $0x50, $0x38;
	[tilespmem:$0x1E180] =	vst v63  }
0x262: {  	_ =	swait.ge [sflag:s21], $0x50  }
0x263: {  	[sflag:s21] =	ssyncset.done $0x0  }
0x264: {  	[sflag:s21] =	ssyncadd.s32 $0xFFFFFFB0  }
0x265: {  	[tilespmem:s24], [sflag:$0x1] =	stream.indirect.gather [hbm4b:s30+s23], $0x80, s25, s23, $0xb8;
	[tilespmem:$0x1E180] =	vst v63  }
0x266: {  	_ =	swait.ge [sflag:s15], $0x2800  }
0x267: {  	[sflag:s15] =	ssyncset.done $0x0  }
0x268: {  	[sflag:s15] =	ssyncadd.s32 $0xFFFFD800  }
0x269: {  	[spmem:s8] =	stream.indirect.scatter.add.f32 [tilespmem:s24], [sflag:$0x2], $0x80, s22, s23, $0xb8;
	[tilespmem:$0x1E180] =	vst v63  }
0x26a: {  	_ =	swait.ge [sflag:s21], $0x2800  }
.Ltmp6:
0x26b: {  	[sflag:s21] =	ssyncset.done $0x0;
	(pc) =	sbr.rel @p0 .LBB2_14-.Ltmp6, $4  }
0x26c: {  	[sflag:s21] =	ssyncadd.s32 $0xFFFFD800  }
0x26d: {  	[spmem:s12] =	stream.indirect.scatter.add.f32 [tilespmem:s20], [sflag:$0x2], $0x80, s22, s23, $0xb8;
	[tilespmem:$0x1E180] =	vst v63  }
0x26e: {  	_ =	swait.ge [sflag:s21], $0x2800  }
0x26f: {  	s19 =	smov.u32 s28;
	[sflag:s21] =	ssyncset.done $0x0  }
0x270: {  	s17 =	sadd.s32 s16, s26;
	[sflag:s21] =	ssyncadd.s32 $0xFFFFD800  }
0x271: {  	[tilespmem:s25], [sflag:$0x2] =	stream.linear.gather [hbm4b:s17+s25], $0x50, $0x38;
	[tilespmem:$0x1E180] =	vst v63  }
0x272: {  	_ =	swait.ge [sflag:s21], $0x50  }
0x273: {  	[sflag:s21] =	ssyncset.done $0x0  }
0x274: {  	s18 =	sadd.s32 s16, s3;
	[sflag:s21] =	ssyncadd.s32 $0xFFFFFFB0  }
0x275: {  	[tilespmem:s22], [sflag:$0x2] =	stream.linear.gather [hbm4b:s18+s25], $0x50, $0x38;
	[tilespmem:$0x1E180] =	vst v63  }
0x276: {  	_ =	swait.ge [sflag:s21], $0x50  }
0x277: {  	[sflag:s21] =	ssyncset.done $0x0  }
0x278: {  	[sflag:s21] =	ssyncadd.s32 $0xFFFFFFB0  }
0x279: {  	[tilespmem:s24], [sflag:$0x1] =	stream.indirect.gather [hbm4b:s30+s23], $0x80, s25, s23, $0xb8;
	[tilespmem:$0x1E180] =	vst v63  }
0x27a: {  	_ =	swait.ge [sflag:s15], $0x2800  }
0x27b: {  	[sflag:s15] =	ssyncset.done $0x0  }
0x27c: {  	[sflag:s15] =	ssyncadd.s32 $0xFFFFD800  }
0x27d: {  	[spmem:s8] =	stream.indirect.scatter.add.f32 [tilespmem:s24], [sflag:$0x2], $0x80, s22, s23, $0xb8;
	[tilespmem:$0x1E180] =	vst v63  }
0x27e: {  	_ =	swait.ge [sflag:s21], $0x2800  }
0x27f: {  	[sflag:s21] =	ssyncset.done $0x0  }
0x280: {  	[sflag:s21] =	ssyncadd.s32 $0xFFFFD800  }
0x281: {  	[spmem:s12] =	stream.indirect.scatter.add.f32 [tilespmem:s20], [sflag:$0x2], $0x80, s22, s23, $0xb8;
	[tilespmem:$0x1E180] =	vst v63  }
0x282: {  	_ =	swait.ge [sflag:s21], $0x2800  }
0x283: {  	[sflag:s21] =	ssyncset.done $0x0  }
0x284: {  	[sflag:s21] =	ssyncadd.s32 $0xFFFFD800  }
0x285: {  	[bflag:$0x0] =	sbarrier.arrive $0xFFFF  }
0x286: {  	s17 =	sld [smem:$0x7F1]  }
0x287: {  	s18 =	sld [smem:$0x7F0];
	_ =	sdelay $0x1  }
0x288: {  	s19 =	rddreg [dreg:$0x18]  }
0x289: {  	[hbm:s19], [sflag:s17] =	dma.local [spmem:s18], $0x1900  }
0x28a: {  	_ =	swait.ge [sflag:s21], $0x1900  }
0x28b: {  	s19 =	sld [smem:$0x7F2]  }
0x28c: {  	[sflag:s21] =	ssyncset.done $0x0  }
0x28d: {  	s28 =	rddreg [dreg:$0x19];
	[sflag:s21] =	ssyncadd.s32 $0xFFFFE700  }
0x28e: {  	[hbm:s28], [sflag:s17] =	dma.local [spmem:s19], $0x1900  }
0x28f: {  	_ =	swait.ge [sflag:s21], $0x1900  }
0x290: {  	[sflag:s21] =	ssyncset.done $0x0  }
0x291: {  	[sflag:s21] =	ssyncadd.s32 $0xFFFFE700  }
0x292: {  	[bflag:$0x0] =	sbarrier.arrive $0xFFFF  }
0x293: {  	s29 =	sld [smem:$0x7F9];
	_ =	sdelay $0x2  }
0x294: {  	[spmem:s18], [sflag:s17] =	dma.local [hbm:s29], $0x1900  }
0x295: {  	_ =	swait.ge [sflag:s21], $0x1900  }
0x296: {  	[sflag:s21] =	ssyncset.done $0x0  }
0x297: {  	[sflag:s21] =	ssyncadd.s32 $0xFFFFE700  }
0x298: {  	[spmem:s19], [sflag:s17] =	dma.local [hbm:s29], $0x1900  }
0x299: {  	_ =	swait.ge [sflag:s21], $0x1900  }
0x29a: {  	[sflag:s21] =	ssyncset.done $0x0  }
0x29b: {  	[sflag:s21] =	ssyncadd.s32 $0xFFFFE700  }
0x29c: {  	s28 =	sadd.s32 $0x0, s26;
	[bflag:$0x0] =	sbarrier.arrive $0xFFFF  }
0x29d: {  	[tilespmem:s25], [sflag:$0x2] =	stream.linear.gather [hbm4b:s28+s25], $0x50, $0x38;
	[tilespmem:$0x1E180] =	vst v63  }
0x29e: {  	_ =	swait.ge [sflag:s21], $0x50  }
0x29f: {  	[sflag:s21] =	ssyncset.done $0x0  }
0x2a0: {  	s29 =	sadd.s32 $0x0, s4;
	[sflag:s21] =	ssyncadd.s32 $0xFFFFFFB0  }
0x2a1: {  	[tilespmem:s22], [sflag:$0x2] =	stream.linear.gather [hbm4b:s29+s25], $0x50, $0x38;
	[tilespmem:$0x1E180] =	vst v63  }
0x2a2: {  	_ =	swait.ge [sflag:s21], $0x50  }
0x2a3: {  	[sflag:s21] =	ssyncset.done $0x0  }
0x2a4: {  	[sflag:s21] =	ssyncadd.s32 $0xFFFFFFB0  }
0x2a5: {  	[tilespmem:s24], [sflag:$0x1] =	stream.indirect.gather [hbm4b:s30+s23], $0x80, s25, s23, $0xb8;
	[tilespmem:$0x1E180] =	vst v63  }
0x2a6: {  	_ =	swait.ge [sflag:s15], $0x2800  }
0x2a7: {  	[sflag:s15] =	ssyncset.done $0x0  }
0x2a8: {  	[sflag:s15] =	ssyncadd.s32 $0xFFFFD800  }
0x2a9: {  	[spmem:s8] =	stream.indirect.scatter.add.f32 [tilespmem:s24], [sflag:$0x2], $0x80, s22, s23, $0xb8;
	[tilespmem:$0x1E180] =	vst v63  }
0x2aa: {  	_ =	swait.ge [sflag:s21], $0x2800  }
0x2ab: {  	[sflag:s21] =	ssyncset.done $0x0  }
0x2ac: {  	[sflag:s21] =	ssyncadd.s32 $0xFFFFD800  }
0x2ad: {  	[spmem:s12] =	stream.indirect.scatter.add.f32 [tilespmem:s20], [sflag:$0x2], $0x80, s22, s23, $0xb8;
	[tilespmem:$0x1E180] =	vst v63  }
0x2ae: {  	_ =	swait.ge [sflag:s21], $0x2800  }
0x2af: {  	s16 =	simm.s32 $0xA;
	s19 =	simm.s32 $0x14;
	[sflag:s21] =	ssyncset.done $0x0  }
.LBB2_16:
0x2b0: {  	s17 =	sadd.s32 s16, s26  }
0x2b1: {  	[sflag:s21] =	ssyncadd.s32 $0xFFFFD800;
	s18 =	smov.u32 s19;
	s28 =	sadd.s32 $0xA, s19  }
0x2b2: {  	[tilespmem:s25], [sflag:$0x2] =	stream.linear.gather [hbm4b:s17+s25], $0x50, $0x38;
	[tilespmem:$0x1E180] =	vst v63  }
0x2b3: {  	p0 =	sne.s32 s19, $0x4D8;
	_ =	swait.ge [sflag:s21], $0x50  }
0x2b4: {  	[sflag:s21] =	ssyncset.done $0x0  }
0x2b5: {  	s17 =	sadd.s32 s16, s4;
	s16 =	smov.u32 s18;
	[sflag:s21] =	ssyncadd.s32 $0xFFFFFFB0  }
0x2b6: {  	[tilespmem:s22], [sflag:$0x2] =	stream.linear.gather [hbm4b:s17+s25], $0x50, $0x38;
	[tilespmem:$0x1E180] =	vst v63  }
0x2b7: {  	_ =	swait.ge [sflag:s21], $0x50  }
0x2b8: {  	[sflag:s21] =	ssyncset.done $0x0  }
0x2b9: {  	[sflag:s21] =	ssyncadd.s32 $0xFFFFFFB0  }
0x2ba: {  	[tilespmem:s24], [sflag:$0x1] =	stream.indirect.gather [hbm4b:s30+s23], $0x80, s25, s23, $0xb8;
	[tilespmem:$0x1E180] =	vst v63  }
0x2bb: {  	_ =	swait.ge [sflag:s15], $0x2800  }
0x2bc: {  	[sflag:s15] =	ssyncset.done $0x0  }
0x2bd: {  	[sflag:s15] =	ssyncadd.s32 $0xFFFFD800  }
0x2be: {  	[spmem:s8] =	stream.indirect.scatter.add.f32 [tilespmem:s24], [sflag:$0x2], $0x80, s22, s23, $0xb8;
	[tilespmem:$0x1E180] =	vst v63  }
0x2bf: {  	_ =	swait.ge [sflag:s21], $0x2800  }
.Ltmp7:
0x2c0: {  	[sflag:s21] =	ssyncset.done $0x0;
	(pc) =	sbr.rel @p0 .LBB2_16-.Ltmp7, $4  }
0x2c1: {  	[sflag:s21] =	ssyncadd.s32 $0xFFFFD800  }
0x2c2: {  	[spmem:s12] =	stream.indirect.scatter.add.f32 [tilespmem:s20], [sflag:$0x2], $0x80, s22, s23, $0xb8;
	[tilespmem:$0x1E180] =	vst v63  }
0x2c3: {  	_ =	swait.ge [sflag:s21], $0x2800  }
0x2c4: {  	s19 =	smov.u32 s28;
	[sflag:s21] =	ssyncset.done $0x0  }
0x2c5: {  	s17 =	sadd.s32 s16, s26;
	[sflag:s21] =	ssyncadd.s32 $0xFFFFD800  }
0x2c6: {  	[tilespmem:s25], [sflag:$0x2] =	stream.linear.gather [hbm4b:s17+s25], $0x50, $0x38;
	[tilespmem:$0x1E180] =	vst v63  }
0x2c7: {  	_ =	swait.ge [sflag:s21], $0x50  }
0x2c8: {  	[sflag:s21] =	ssyncset.done $0x0  }
0x2c9: {  	s18 =	sadd.s32 s16, s4;
	[sflag:s21] =	ssyncadd.s32 $0xFFFFFFB0  }
0x2ca: {  	[tilespmem:s22], [sflag:$0x2] =	stream.linear.gather [hbm4b:s18+s25], $0x50, $0x38;
	[tilespmem:$0x1E180] =	vst v63  }
0x2cb: {  	_ =	swait.ge [sflag:s21], $0x50  }
0x2cc: {  	[sflag:s21] =	ssyncset.done $0x0  }
0x2cd: {  	[sflag:s21] =	ssyncadd.s32 $0xFFFFFFB0  }
0x2ce: {  	[tilespmem:s24], [sflag:$0x1] =	stream.indirect.gather [hbm4b:s30+s23], $0x80, s25, s23, $0xb8;
	[tilespmem:$0x1E180] =	vst v63  }
0x2cf: {  	_ =	swait.ge [sflag:s15], $0x2800  }
0x2d0: {  	[sflag:s15] =	ssyncset.done $0x0  }
0x2d1: {  	[sflag:s15] =	ssyncadd.s32 $0xFFFFD800  }
0x2d2: {  	[spmem:s8] =	stream.indirect.scatter.add.f32 [tilespmem:s24], [sflag:$0x2], $0x80, s22, s23, $0xb8;
	[tilespmem:$0x1E180] =	vst v63  }
0x2d3: {  	_ =	swait.ge [sflag:s21], $0x2800  }
0x2d4: {  	[sflag:s21] =	ssyncset.done $0x0  }
0x2d5: {  	[sflag:s21] =	ssyncadd.s32 $0xFFFFD800  }
0x2d6: {  	[spmem:s12] =	stream.indirect.scatter.add.f32 [tilespmem:s20], [sflag:$0x2], $0x80, s22, s23, $0xb8;
	[tilespmem:$0x1E180] =	vst v63  }
0x2d7: {  	_ =	swait.ge [sflag:s21], $0x2800  }
0x2d8: {  	[sflag:s21] =	ssyncset.done $0x0  }
0x2d9: {  	[sflag:s21] =	ssyncadd.s32 $0xFFFFD800  }
0x2da: {  	[bflag:$0x0] =	sbarrier.arrive $0xFFFF  }
0x2db: {  	s17 =	sld [smem:$0x7F1]  }
0x2dc: {  	s18 =	sld [smem:$0x7F0];
	_ =	sdelay $0x1  }
0x2dd: {  	s19 =	rddreg [dreg:$0x1a]  }
0x2de: {  	[hbm:s19], [sflag:s17] =	dma.local [spmem:s18], $0x1900  }
0x2df: {  	_ =	swait.ge [sflag:s21], $0x1900  }
0x2e0: {  	s19 =	sld [smem:$0x7F2]  }
0x2e1: {  	[sflag:s21] =	ssyncset.done $0x0  }
0x2e2: {  	s28 =	rddreg [dreg:$0x1b];
	[sflag:s21] =	ssyncadd.s32 $0xFFFFE700  }
0x2e3: {  	[hbm:s28], [sflag:s17] =	dma.local [spmem:s19], $0x1900  }
0x2e4: {  	_ =	swait.ge [sflag:s21], $0x1900  }
0x2e5: {  	[sflag:s21] =	ssyncset.done $0x0  }
0x2e6: {  	[sflag:s21] =	ssyncadd.s32 $0xFFFFE700  }
0x2e7: {  	[bflag:$0x0] =	sbarrier.arrive $0xFFFF  }
0x2e8: {  	s29 =	sld [smem:$0x7F9];
	_ =	sdelay $0x2  }
0x2e9: {  	[spmem:s18], [sflag:s17] =	dma.local [hbm:s29], $0x1900  }
0x2ea: {  	_ =	swait.ge [sflag:s21], $0x1900  }
0x2eb: {  	[sflag:s21] =	ssyncset.done $0x0  }
0x2ec: {  	[sflag:s21] =	ssyncadd.s32 $0xFFFFE700  }
0x2ed: {  	[spmem:s19], [sflag:s17] =	dma.local [hbm:s29], $0x1900  }
0x2ee: {  	_ =	swait.ge [sflag:s21], $0x1900  }
0x2ef: {  	[sflag:s21] =	ssyncset.done $0x0  }
0x2f0: {  	[sflag:s21] =	ssyncadd.s32 $0xFFFFE700  }
0x2f1: {  	s28 =	sadd.s32 $0x0, s7;
	[bflag:$0x0] =	sbarrier.arrive $0xFFFF  }
0x2f2: {  	[tilespmem:s25], [sflag:$0x2] =	stream.linear.gather [hbm4b:s28+s25], $0x50, $0x38;
	[tilespmem:$0x1E180] =	vst v63  }
0x2f3: {  	_ =	swait.ge [sflag:s21], $0x50  }
0x2f4: {  	[sflag:s21] =	ssyncset.done $0x0  }
0x2f5: {  	s29 =	sadd.s32 $0x0, s9;
	[sflag:s21] =	ssyncadd.s32 $0xFFFFFFB0  }
0x2f6: {  	[tilespmem:s22], [sflag:$0x2] =	stream.linear.gather [hbm4b:s29+s25], $0x50, $0x38;
	[tilespmem:$0x1E180] =	vst v63  }
0x2f7: {  	_ =	swait.ge [sflag:s21], $0x50  }
0x2f8: {  	[sflag:s21] =	ssyncset.done $0x0  }
0x2f9: {  	[sflag:s21] =	ssyncadd.s32 $0xFFFFFFB0  }
0x2fa: {  	[tilespmem:s24], [sflag:$0x1] =	stream.indirect.gather [hbm4b:s1+s23], $0x80, s25, s23, $0xb8;
	[tilespmem:$0x1E180] =	vst v63  }
0x2fb: {  	_ =	swait.ge [sflag:s15], $0x2800  }
0x2fc: {  	[sflag:s15] =	ssyncset.done $0x0  }
0x2fd: {  	[sflag:s15] =	ssyncadd.s32 $0xFFFFD800  }
0x2fe: {  	[spmem:s8] =	stream.indirect.scatter.add.f32 [tilespmem:s24], [sflag:$0x2], $0x80, s22, s23, $0xb8;
	[tilespmem:$0x1E180] =	vst v63  }
0x2ff: {  	_ =	swait.ge [sflag:s21], $0x2800  }
0x300: {  	[sflag:s21] =	ssyncset.done $0x0  }
0x301: {  	[sflag:s21] =	ssyncadd.s32 $0xFFFFD800  }
0x302: {  	[spmem:s12] =	stream.indirect.scatter.add.f32 [tilespmem:s20], [sflag:$0x2], $0x80, s22, s23, $0xb8;
	[tilespmem:$0x1E180] =	vst v63  }
0x303: {  	_ =	swait.ge [sflag:s21], $0x2800  }
0x304: {  	s16 =	simm.s32 $0xA;
	s19 =	simm.s32 $0x14;
	[sflag:s21] =	ssyncset.done $0x0  }
.LBB2_18:
0x305: {  	s17 =	sadd.s32 s16, s7  }
0x306: {  	[sflag:s21] =	ssyncadd.s32 $0xFFFFD800;
	s18 =	smov.u32 s19;
	s28 =	sadd.s32 $0xA, s19  }
0x307: {  	[tilespmem:s25], [sflag:$0x2] =	stream.linear.gather [hbm4b:s17+s25], $0x50, $0x38;
	[tilespmem:$0x1E180] =	vst v63  }
0x308: {  	p0 =	sne.s32 s19, $0x4D8;
	_ =	swait.ge [sflag:s21], $0x50  }
0x309: {  	[sflag:s21] =	ssyncset.done $0x0  }
0x30a: {  	s17 =	sadd.s32 s16, s9;
	s16 =	smov.u32 s18;
	[sflag:s21] =	ssyncadd.s32 $0xFFFFFFB0  }
0x30b: {  	[tilespmem:s22], [sflag:$0x2] =	stream.linear.gather [hbm4b:s17+s25], $0x50, $0x38;
	[tilespmem:$0x1E180] =	vst v63  }
0x30c: {  	_ =	swait.ge [sflag:s21], $0x50  }
0x30d: {  	[sflag:s21] =	ssyncset.done $0x0  }
0x30e: {  	[sflag:s21] =	ssyncadd.s32 $0xFFFFFFB0  }
0x30f: {  	[tilespmem:s24], [sflag:$0x1] =	stream.indirect.gather [hbm4b:s1+s23], $0x80, s25, s23, $0xb8;
	[tilespmem:$0x1E180] =	vst v63  }
0x310: {  	_ =	swait.ge [sflag:s15], $0x2800  }
0x311: {  	[sflag:s15] =	ssyncset.done $0x0  }
0x312: {  	[sflag:s15] =	ssyncadd.s32 $0xFFFFD800  }
0x313: {  	[spmem:s8] =	stream.indirect.scatter.add.f32 [tilespmem:s24], [sflag:$0x2], $0x80, s22, s23, $0xb8;
	[tilespmem:$0x1E180] =	vst v63  }
0x314: {  	_ =	swait.ge [sflag:s21], $0x2800  }
.Ltmp8:
0x315: {  	[sflag:s21] =	ssyncset.done $0x0;
	(pc) =	sbr.rel @p0 .LBB2_18-.Ltmp8, $4  }
0x316: {  	[sflag:s21] =	ssyncadd.s32 $0xFFFFD800  }
0x317: {  	[spmem:s12] =	stream.indirect.scatter.add.f32 [tilespmem:s20], [sflag:$0x2], $0x80, s22, s23, $0xb8;
	[tilespmem:$0x1E180] =	vst v63  }
0x318: {  	_ =	swait.ge [sflag:s21], $0x2800  }
0x319: {  	s19 =	smov.u32 s28;
	[sflag:s21] =	ssyncset.done $0x0  }
0x31a: {  	s17 =	sadd.s32 s16, s7;
	[sflag:s21] =	ssyncadd.s32 $0xFFFFD800  }
0x31b: {  	[tilespmem:s25], [sflag:$0x2] =	stream.linear.gather [hbm4b:s17+s25], $0x50, $0x38;
	[tilespmem:$0x1E180] =	vst v63  }
0x31c: {  	_ =	swait.ge [sflag:s21], $0x50  }
0x31d: {  	[sflag:s21] =	ssyncset.done $0x0  }
0x31e: {  	s18 =	sadd.s32 s16, s9;
	[sflag:s21] =	ssyncadd.s32 $0xFFFFFFB0  }
0x31f: {  	[tilespmem:s22], [sflag:$0x2] =	stream.linear.gather [hbm4b:s18+s25], $0x50, $0x38;
	[tilespmem:$0x1E180] =	vst v63  }
0x320: {  	_ =	swait.ge [sflag:s21], $0x50  }
0x321: {  	[sflag:s21] =	ssyncset.done $0x0  }
0x322: {  	[sflag:s21] =	ssyncadd.s32 $0xFFFFFFB0  }
0x323: {  	[tilespmem:s24], [sflag:$0x1] =	stream.indirect.gather [hbm4b:s1+s23], $0x80, s25, s23, $0xb8;
	[tilespmem:$0x1E180] =	vst v63  }
0x324: {  	_ =	swait.ge [sflag:s15], $0x2800  }
0x325: {  	[sflag:s15] =	ssyncset.done $0x0  }
0x326: {  	[sflag:s15] =	ssyncadd.s32 $0xFFFFD800  }
0x327: {  	[spmem:s8] =	stream.indirect.scatter.add.f32 [tilespmem:s24], [sflag:$0x2], $0x80, s22, s23, $0xb8;
	[tilespmem:$0x1E180] =	vst v63  }
0x328: {  	_ =	swait.ge [sflag:s21], $0x2800  }
0x329: {  	[sflag:s21] =	ssyncset.done $0x0  }
0x32a: {  	[sflag:s21] =	ssyncadd.s32 $0xFFFFD800  }
0x32b: {  	[spmem:s12] =	stream.indirect.scatter.add.f32 [tilespmem:s20], [sflag:$0x2], $0x80, s22, s23, $0xb8;
	[tilespmem:$0x1E180] =	vst v63  }
0x32c: {  	_ =	swait.ge [sflag:s21], $0x2800  }
0x32d: {  	[sflag:s21] =	ssyncset.done $0x0  }
0x32e: {  	[sflag:s21] =	ssyncadd.s32 $0xFFFFD800  }
0x32f: {  	[bflag:$0x0] =	sbarrier.arrive $0xFFFF  }
0x330: {  	s17 =	sld [smem:$0x7F1]  }
0x331: {  	s18 =	sld [smem:$0x7F0];
	_ =	sdelay $0x1  }
0x332: {  	s19 =	rddreg [dreg:$0x1c]  }
0x333: {  	[hbm:s19], [sflag:s17] =	dma.local [spmem:s18], $0x1900  }
0x334: {  	_ =	swait.ge [sflag:s21], $0x1900  }
0x335: {  	s19 =	sld [smem:$0x7F2]  }
0x336: {  	[sflag:s21] =	ssyncset.done $0x0  }
0x337: {  	s28 =	rddreg [dreg:$0x1d];
	[sflag:s21] =	ssyncadd.s32 $0xFFFFE700  }
0x338: {  	[hbm:s28], [sflag:s17] =	dma.local [spmem:s19], $0x1900  }
0x339: {  	_ =	swait.ge [sflag:s21], $0x1900  }
0x33a: {  	[sflag:s21] =	ssyncset.done $0x0  }
0x33b: {  	[sflag:s21] =	ssyncadd.s32 $0xFFFFE700  }
0x33c: {  	[bflag:$0x0] =	sbarrier.arrive $0xFFFF  }
0x33d: {  	s29 =	sld [smem:$0x7F9];
	_ =	sdelay $0x2  }
0x33e: {  	[spmem:s18], [sflag:s17] =	dma.local [hbm:s29], $0x1900  }
0x33f: {  	_ =	swait.ge [sflag:s21], $0x1900  }
0x340: {  	[sflag:s21] =	ssyncset.done $0x0  }
0x341: {  	[sflag:s21] =	ssyncadd.s32 $0xFFFFE700  }
0x342: {  	[spmem:s19], [sflag:s17] =	dma.local [hbm:s29], $0x1900  }
0x343: {  	_ =	swait.ge [sflag:s21], $0x1900  }
0x344: {  	[sflag:s21] =	ssyncset.done $0x0  }
0x345: {  	[sflag:s21] =	ssyncadd.s32 $0xFFFFE700  }
0x346: {  	s28 =	sadd.s32 $0x0, s7;
	[bflag:$0x0] =	sbarrier.arrive $0xFFFF  }
0x347: {  	[tilespmem:s25], [sflag:$0x2] =	stream.linear.gather [hbm4b:s28+s25], $0x50, $0x38;
	[tilespmem:$0x1E180] =	vst v63  }
0x348: {  	_ =	swait.ge [sflag:s21], $0x50  }
0x349: {  	[sflag:s21] =	ssyncset.done $0x0  }
0x34a: {  	s29 =	sadd.s32 $0x0, s10;
	[sflag:s21] =	ssyncadd.s32 $0xFFFFFFB0  }
0x34b: {  	[tilespmem:s22], [sflag:$0x2] =	stream.linear.gather [hbm4b:s29+s25], $0x50, $0x38;
	[tilespmem:$0x1E180] =	vst v63  }
0x34c: {  	_ =	swait.ge [sflag:s21], $0x50  }
0x34d: {  	[sflag:s21] =	ssyncset.done $0x0  }
0x34e: {  	[sflag:s21] =	ssyncadd.s32 $0xFFFFFFB0  }
0x34f: {  	[tilespmem:s24], [sflag:$0x1] =	stream.indirect.gather [hbm4b:s1+s23], $0x80, s25, s23, $0xb8;
	[tilespmem:$0x1E180] =	vst v63  }
0x350: {  	_ =	swait.ge [sflag:s15], $0x2800  }
0x351: {  	[sflag:s15] =	ssyncset.done $0x0  }
0x352: {  	[sflag:s15] =	ssyncadd.s32 $0xFFFFD800  }
0x353: {  	[spmem:s8] =	stream.indirect.scatter.add.f32 [tilespmem:s24], [sflag:$0x2], $0x80, s22, s23, $0xb8;
	[tilespmem:$0x1E180] =	vst v63  }
0x354: {  	_ =	swait.ge [sflag:s21], $0x2800  }
0x355: {  	[sflag:s21] =	ssyncset.done $0x0  }
0x356: {  	[sflag:s21] =	ssyncadd.s32 $0xFFFFD800  }
0x357: {  	[spmem:s12] =	stream.indirect.scatter.add.f32 [tilespmem:s20], [sflag:$0x2], $0x80, s22, s23, $0xb8;
	[tilespmem:$0x1E180] =	vst v63  }
0x358: {  	_ =	swait.ge [sflag:s21], $0x2800  }
0x359: {  	s16 =	simm.s32 $0xA;
	s19 =	simm.s32 $0x14;
	[sflag:s21] =	ssyncset.done $0x0  }
.LBB2_20:
0x35a: {  	s17 =	sadd.s32 s16, s7  }
0x35b: {  	[sflag:s21] =	ssyncadd.s32 $0xFFFFD800;
	s18 =	smov.u32 s19;
	s28 =	sadd.s32 $0xA, s19  }
0x35c: {  	[tilespmem:s25], [sflag:$0x2] =	stream.linear.gather [hbm4b:s17+s25], $0x50, $0x38;
	[tilespmem:$0x1E180] =	vst v63  }
0x35d: {  	p0 =	sne.s32 s19, $0x4D8;
	_ =	swait.ge [sflag:s21], $0x50  }
0x35e: {  	[sflag:s21] =	ssyncset.done $0x0  }
0x35f: {  	s17 =	sadd.s32 s16, s10;
	s16 =	smov.u32 s18;
	[sflag:s21] =	ssyncadd.s32 $0xFFFFFFB0  }
0x360: {  	[tilespmem:s22], [sflag:$0x2] =	stream.linear.gather [hbm4b:s17+s25], $0x50, $0x38;
	[tilespmem:$0x1E180] =	vst v63  }
0x361: {  	_ =	swait.ge [sflag:s21], $0x50  }
0x362: {  	[sflag:s21] =	ssyncset.done $0x0  }
0x363: {  	[sflag:s21] =	ssyncadd.s32 $0xFFFFFFB0  }
0x364: {  	[tilespmem:s24], [sflag:$0x1] =	stream.indirect.gather [hbm4b:s1+s23], $0x80, s25, s23, $0xb8;
	[tilespmem:$0x1E180] =	vst v63  }
0x365: {  	_ =	swait.ge [sflag:s15], $0x2800  }
0x366: {  	[sflag:s15] =	ssyncset.done $0x0  }
0x367: {  	[sflag:s15] =	ssyncadd.s32 $0xFFFFD800  }
0x368: {  	[spmem:s8] =	stream.indirect.scatter.add.f32 [tilespmem:s24], [sflag:$0x2], $0x80, s22, s23, $0xb8;
	[tilespmem:$0x1E180] =	vst v63  }
0x369: {  	_ =	swait.ge [sflag:s21], $0x2800  }
.Ltmp9:
0x36a: {  	[sflag:s21] =	ssyncset.done $0x0;
	(pc) =	sbr.rel @p0 .LBB2_20-.Ltmp9, $4  }
0x36b: {  	[sflag:s21] =	ssyncadd.s32 $0xFFFFD800  }
0x36c: {  	[spmem:s12] =	stream.indirect.scatter.add.f32 [tilespmem:s20], [sflag:$0x2], $0x80, s22, s23, $0xb8;
	[tilespmem:$0x1E180] =	vst v63  }
0x36d: {  	_ =	swait.ge [sflag:s21], $0x2800  }
0x36e: {  	s19 =	smov.u32 s28;
	[sflag:s21] =	ssyncset.done $0x0  }
0x36f: {  	s17 =	sadd.s32 s16, s7;
	[sflag:s21] =	ssyncadd.s32 $0xFFFFD800  }
0x370: {  	[tilespmem:s25], [sflag:$0x2] =	stream.linear.gather [hbm4b:s17+s25], $0x50, $0x38;
	[tilespmem:$0x1E180] =	vst v63  }
0x371: {  	_ =	swait.ge [sflag:s21], $0x50  }
0x372: {  	[sflag:s21] =	ssyncset.done $0x0  }
0x373: {  	s18 =	sadd.s32 s16, s10;
	[sflag:s21] =	ssyncadd.s32 $0xFFFFFFB0  }
0x374: {  	[tilespmem:s22], [sflag:$0x2] =	stream.linear.gather [hbm4b:s18+s25], $0x50, $0x38;
	[tilespmem:$0x1E180] =	vst v63  }
0x375: {  	_ =	swait.ge [sflag:s21], $0x50  }
0x376: {  	[sflag:s21] =	ssyncset.done $0x0  }
0x377: {  	[sflag:s21] =	ssyncadd.s32 $0xFFFFFFB0  }
0x378: {  	[tilespmem:s24], [sflag:$0x1] =	stream.indirect.gather [hbm4b:s1+s23], $0x80, s25, s23, $0xb8;
	[tilespmem:$0x1E180] =	vst v63  }
0x379: {  	_ =	swait.ge [sflag:s15], $0x2800  }
0x37a: {  	[sflag:s15] =	ssyncset.done $0x0  }
0x37b: {  	[sflag:s15] =	ssyncadd.s32 $0xFFFFD800  }
0x37c: {  	[spmem:s8] =	stream.indirect.scatter.add.f32 [tilespmem:s24], [sflag:$0x2], $0x80, s22, s23, $0xb8;
	[tilespmem:$0x1E180] =	vst v63  }
0x37d: {  	_ =	swait.ge [sflag:s21], $0x2800  }
0x37e: {  	[sflag:s21] =	ssyncset.done $0x0  }
0x37f: {  	[sflag:s21] =	ssyncadd.s32 $0xFFFFD800  }
0x380: {  	[spmem:s12] =	stream.indirect.scatter.add.f32 [tilespmem:s20], [sflag:$0x2], $0x80, s22, s23, $0xb8;
	[tilespmem:$0x1E180] =	vst v63  }
0x381: {  	_ =	swait.ge [sflag:s21], $0x2800  }
0x382: {  	[sflag:s21] =	ssyncset.done $0x0  }
0x383: {  	[sflag:s21] =	ssyncadd.s32 $0xFFFFD800  }
0x384: {  	[bflag:$0x0] =	sbarrier.arrive $0xFFFF  }
0x385: {  	s17 =	sld [smem:$0x7F1]  }
0x386: {  	s18 =	sld [smem:$0x7F0];
	_ =	sdelay $0x1  }
0x387: {  	s19 =	rddreg [dreg:$0x1e]  }
0x388: {  	[hbm:s19], [sflag:s17] =	dma.local [spmem:s18], $0x1900  }
0x389: {  	_ =	swait.ge [sflag:s21], $0x1900  }
0x38a: {  	s19 =	sld [smem:$0x7F2]  }
0x38b: {  	[sflag:s21] =	ssyncset.done $0x0  }
0x38c: {  	s28 =	rddreg [dreg:$0x1f];
	[sflag:s21] =	ssyncadd.s32 $0xFFFFE700  }
0x38d: {  	[hbm:s28], [sflag:s17] =	dma.local [spmem:s19], $0x1900  }
0x38e: {  	_ =	swait.ge [sflag:s21], $0x1900  }
0x38f: {  	[sflag:s21] =	ssyncset.done $0x0  }
0x390: {  	[sflag:s21] =	ssyncadd.s32 $0xFFFFE700  }
0x391: {  	[bflag:$0x0] =	sbarrier.arrive $0xFFFF  }
0x392: {  	s29 =	sld [smem:$0x7F9];
	_ =	sdelay $0x2  }
0x393: {  	[spmem:s18], [sflag:s17] =	dma.local [hbm:s29], $0x1900  }
0x394: {  	_ =	swait.ge [sflag:s21], $0x1900  }
0x395: {  	[sflag:s21] =	ssyncset.done $0x0  }
0x396: {  	[sflag:s21] =	ssyncadd.s32 $0xFFFFE700  }
0x397: {  	[spmem:s19], [sflag:s17] =	dma.local [hbm:s29], $0x1900  }
0x398: {  	_ =	swait.ge [sflag:s21], $0x1900  }
0x399: {  	[sflag:s21] =	ssyncset.done $0x0  }
0x39a: {  	[sflag:s21] =	ssyncadd.s32 $0xFFFFE700  }
0x39b: {  	s28 =	sadd.s32 $0x0, s11;
	[bflag:$0x0] =	sbarrier.arrive $0xFFFF  }
0x39c: {  	[tilespmem:s25], [sflag:$0x2] =	stream.linear.gather [hbm4b:s28+s25], $0x50, $0x38;
	[tilespmem:$0x1E180] =	vst v63  }
0x39d: {  	_ =	swait.ge [sflag:s21], $0x50  }
0x39e: {  	[sflag:s21] =	ssyncset.done $0x0  }
0x39f: {  	s29 =	sadd.s32 $0x0, s13;
	[sflag:s21] =	ssyncadd.s32 $0xFFFFFFB0  }
0x3a0: {  	[tilespmem:s22], [sflag:$0x2] =	stream.linear.gather [hbm4b:s29+s25], $0x50, $0x38;
	[tilespmem:$0x1E180] =	vst v63  }
0x3a1: {  	_ =	swait.ge [sflag:s21], $0x50  }
0x3a2: {  	[sflag:s21] =	ssyncset.done $0x0  }
0x3a3: {  	[sflag:s21] =	ssyncadd.s32 $0xFFFFFFB0  }
0x3a4: {  	[tilespmem:s24], [sflag:$0x1] =	stream.indirect.gather [hbm4b:s2+s23], $0x80, s25, s23, $0xb8;
	[tilespmem:$0x1E180] =	vst v63  }
0x3a5: {  	_ =	swait.ge [sflag:s15], $0x2800  }
0x3a6: {  	[sflag:s15] =	ssyncset.done $0x0  }
0x3a7: {  	[sflag:s15] =	ssyncadd.s32 $0xFFFFD800  }
0x3a8: {  	[spmem:s8] =	stream.indirect.scatter.add.f32 [tilespmem:s24], [sflag:$0x2], $0x80, s22, s23, $0xb8;
	[tilespmem:$0x1E180] =	vst v63  }
0x3a9: {  	_ =	swait.ge [sflag:s21], $0x2800  }
0x3aa: {  	[sflag:s21] =	ssyncset.done $0x0  }
0x3ab: {  	[sflag:s21] =	ssyncadd.s32 $0xFFFFD800  }
0x3ac: {  	[spmem:s12] =	stream.indirect.scatter.add.f32 [tilespmem:s20], [sflag:$0x2], $0x80, s22, s23, $0xb8;
	[tilespmem:$0x1E180] =	vst v63  }
0x3ad: {  	_ =	swait.ge [sflag:s21], $0x2800  }
0x3ae: {  	s16 =	simm.s32 $0xA;
	s19 =	simm.s32 $0x14;
	[sflag:s21] =	ssyncset.done $0x0  }
.LBB2_22:
0x3af: {  	s17 =	sadd.s32 s16, s11  }
0x3b0: {  	[sflag:s21] =	ssyncadd.s32 $0xFFFFD800;
	s18 =	smov.u32 s19;
	s28 =	sadd.s32 $0xA, s19  }
0x3b1: {  	[tilespmem:s25], [sflag:$0x2] =	stream.linear.gather [hbm4b:s17+s25], $0x50, $0x38;
	[tilespmem:$0x1E180] =	vst v63  }
0x3b2: {  	p0 =	sne.s32 s19, $0x4D8;
	_ =	swait.ge [sflag:s21], $0x50  }
0x3b3: {  	[sflag:s21] =	ssyncset.done $0x0  }
0x3b4: {  	s17 =	sadd.s32 s16, s13;
	s16 =	smov.u32 s18;
	[sflag:s21] =	ssyncadd.s32 $0xFFFFFFB0  }
0x3b5: {  	[tilespmem:s22], [sflag:$0x2] =	stream.linear.gather [hbm4b:s17+s25], $0x50, $0x38;
	[tilespmem:$0x1E180] =	vst v63  }
0x3b6: {  	_ =	swait.ge [sflag:s21], $0x50  }
0x3b7: {  	[sflag:s21] =	ssyncset.done $0x0  }
0x3b8: {  	[sflag:s21] =	ssyncadd.s32 $0xFFFFFFB0  }
0x3b9: {  	[tilespmem:s24], [sflag:$0x1] =	stream.indirect.gather [hbm4b:s2+s23], $0x80, s25, s23, $0xb8;
	[tilespmem:$0x1E180] =	vst v63  }
0x3ba: {  	_ =	swait.ge [sflag:s15], $0x2800  }
0x3bb: {  	[sflag:s15] =	ssyncset.done $0x0  }
0x3bc: {  	[sflag:s15] =	ssyncadd.s32 $0xFFFFD800  }
0x3bd: {  	[spmem:s8] =	stream.indirect.scatter.add.f32 [tilespmem:s24], [sflag:$0x2], $0x80, s22, s23, $0xb8;
	[tilespmem:$0x1E180] =	vst v63  }
0x3be: {  	_ =	swait.ge [sflag:s21], $0x2800  }
.Ltmp10:
0x3bf: {  	[sflag:s21] =	ssyncset.done $0x0;
	(pc) =	sbr.rel @p0 .LBB2_22-.Ltmp10, $4  }
0x3c0: {  	[sflag:s21] =	ssyncadd.s32 $0xFFFFD800  }
0x3c1: {  	[spmem:s12] =	stream.indirect.scatter.add.f32 [tilespmem:s20], [sflag:$0x2], $0x80, s22, s23, $0xb8;
	[tilespmem:$0x1E180] =	vst v63  }
0x3c2: {  	_ =	swait.ge [sflag:s21], $0x2800  }
0x3c3: {  	s19 =	smov.u32 s28;
	[sflag:s21] =	ssyncset.done $0x0  }
0x3c4: {  	s17 =	sadd.s32 s16, s11;
	[sflag:s21] =	ssyncadd.s32 $0xFFFFD800  }
0x3c5: {  	[tilespmem:s25], [sflag:$0x2] =	stream.linear.gather [hbm4b:s17+s25], $0x50, $0x38;
	[tilespmem:$0x1E180] =	vst v63  }
0x3c6: {  	_ =	swait.ge [sflag:s21], $0x50  }
0x3c7: {  	[sflag:s21] =	ssyncset.done $0x0  }
0x3c8: {  	s18 =	sadd.s32 s16, s13;
	[sflag:s21] =	ssyncadd.s32 $0xFFFFFFB0  }
0x3c9: {  	[tilespmem:s22], [sflag:$0x2] =	stream.linear.gather [hbm4b:s18+s25], $0x50, $0x38;
	[tilespmem:$0x1E180] =	vst v63  }
0x3ca: {  	_ =	swait.ge [sflag:s21], $0x50  }
0x3cb: {  	[sflag:s21] =	ssyncset.done $0x0  }
0x3cc: {  	[sflag:s21] =	ssyncadd.s32 $0xFFFFFFB0  }
0x3cd: {  	[tilespmem:s24], [sflag:$0x1] =	stream.indirect.gather [hbm4b:s2+s23], $0x80, s25, s23, $0xb8;
	[tilespmem:$0x1E180] =	vst v63  }
0x3ce: {  	_ =	swait.ge [sflag:s15], $0x2800  }
0x3cf: {  	[sflag:s15] =	ssyncset.done $0x0  }
0x3d0: {  	[sflag:s15] =	ssyncadd.s32 $0xFFFFD800  }
0x3d1: {  	[spmem:s8] =	stream.indirect.scatter.add.f32 [tilespmem:s24], [sflag:$0x2], $0x80, s22, s23, $0xb8;
	[tilespmem:$0x1E180] =	vst v63  }
0x3d2: {  	_ =	swait.ge [sflag:s21], $0x2800  }
0x3d3: {  	[sflag:s21] =	ssyncset.done $0x0  }
0x3d4: {  	[sflag:s21] =	ssyncadd.s32 $0xFFFFD800  }
0x3d5: {  	[spmem:s12] =	stream.indirect.scatter.add.f32 [tilespmem:s20], [sflag:$0x2], $0x80, s22, s23, $0xb8;
	[tilespmem:$0x1E180] =	vst v63  }
0x3d6: {  	_ =	swait.ge [sflag:s21], $0x2800  }
0x3d7: {  	[sflag:s21] =	ssyncset.done $0x0  }
0x3d8: {  	[sflag:s21] =	ssyncadd.s32 $0xFFFFD800  }
0x3d9: {  	[bflag:$0x0] =	sbarrier.arrive $0xFFFF  }
0x3da: {  	s19 =	sld [smem:$0x7F3]  }
0x3db: {  	s17 =	sld [smem:$0x7F1]  }
0x3dc: {  	s18 =	sld [smem:$0x7F0];
	_ =	sdelay $0x2  }
0x3dd: {  	[hbm:s19], [sflag:s17] =	dma.local [spmem:s18], $0x1900  }
0x3de: {  	_ =	swait.ge [sflag:s21], $0x1900  }
0x3df: {  	s28 =	sld [smem:$0x7F4]  }
0x3e0: {  	s19 =	sld [smem:$0x7F2]  }
0x3e1: {  	[sflag:s21] =	ssyncset.done $0x0  }
0x3e2: {  	[sflag:s21] =	ssyncadd.s32 $0xFFFFE700  }
0x3e3: {  	[hbm:s28], [sflag:s17] =	dma.local [spmem:s19], $0x1900  }
0x3e4: {  	_ =	swait.ge [sflag:s21], $0x1900  }
0x3e5: {  	[sflag:s21] =	ssyncset.done $0x0  }
0x3e6: {  	[sflag:s21] =	ssyncadd.s32 $0xFFFFE700  }
0x3e7: {  	[bflag:$0x0] =	sbarrier.arrive $0xFFFF  }
0x3e8: {  	s29 =	sld [smem:$0x7F9];
	_ =	sdelay $0x2  }
0x3e9: {  	[spmem:s18], [sflag:s17] =	dma.local [hbm:s29], $0x1900  }
0x3ea: {  	_ =	swait.ge [sflag:s21], $0x1900  }
0x3eb: {  	[sflag:s21] =	ssyncset.done $0x0  }
0x3ec: {  	[sflag:s21] =	ssyncadd.s32 $0xFFFFE700  }
0x3ed: {  	[spmem:s19], [sflag:s17] =	dma.local [hbm:s29], $0x1900  }
0x3ee: {  	_ =	swait.ge [sflag:s21], $0x1900  }
0x3ef: {  	[sflag:s21] =	ssyncset.done $0x0  }
0x3f0: {  	[sflag:s21] =	ssyncadd.s32 $0xFFFFE700  }
0x3f1: {  	s28 =	sadd.s32 $0x0, s11;
	[bflag:$0x0] =	sbarrier.arrive $0xFFFF  }
0x3f2: {  	[tilespmem:s25], [sflag:$0x2] =	stream.linear.gather [hbm4b:s28+s25], $0x50, $0x38;
	[tilespmem:$0x1E180] =	vst v63  }
0x3f3: {  	_ =	swait.ge [sflag:s21], $0x50  }
0x3f4: {  	[sflag:s21] =	ssyncset.done $0x0  }
0x3f5: {  	s29 =	sadd.s32 $0x0, s14;
	[sflag:s21] =	ssyncadd.s32 $0xFFFFFFB0  }
0x3f6: {  	[tilespmem:s22], [sflag:$0x2] =	stream.linear.gather [hbm4b:s29+s25], $0x50, $0x38;
	[tilespmem:$0x1E180] =	vst v63  }
0x3f7: {  	_ =	swait.ge [sflag:s21], $0x50  }
0x3f8: {  	[sflag:s21] =	ssyncset.done $0x0  }
0x3f9: {  	[sflag:s21] =	ssyncadd.s32 $0xFFFFFFB0  }
0x3fa: {  	[tilespmem:s24], [sflag:$0x1] =	stream.indirect.gather [hbm4b:s2+s23], $0x80, s25, s23, $0xb8;
	[tilespmem:$0x1E180] =	vst v63  }
0x3fb: {  	_ =	swait.ge [sflag:s15], $0x2800  }
0x3fc: {  	[sflag:s15] =	ssyncset.done $0x0  }
0x3fd: {  	[sflag:s15] =	ssyncadd.s32 $0xFFFFD800  }
0x3fe: {  	[spmem:s8] =	stream.indirect.scatter.add.f32 [tilespmem:s24], [sflag:$0x2], $0x80, s22, s23, $0xb8;
	[tilespmem:$0x1E180] =	vst v63  }
0x3ff: {  	_ =	swait.ge [sflag:s21], $0x2800  }
0x400: {  	[sflag:s21] =	ssyncset.done $0x0  }
0x401: {  	[sflag:s21] =	ssyncadd.s32 $0xFFFFD800  }
0x402: {  	[spmem:s12] =	stream.indirect.scatter.add.f32 [tilespmem:s20], [sflag:$0x2], $0x80, s22, s23, $0xb8;
	[tilespmem:$0x1E180] =	vst v63  }
0x403: {  	_ =	swait.ge [sflag:s21], $0x2800  }
0x404: {  	s16 =	simm.s32 $0xA;
	s19 =	simm.s32 $0x14;
	[sflag:s21] =	ssyncset.done $0x0  }
.LBB2_24:
0x405: {  	s17 =	sadd.s32 s16, s11  }
0x406: {  	[sflag:s21] =	ssyncadd.s32 $0xFFFFD800;
	s18 =	smov.u32 s19;
	s28 =	sadd.s32 $0xA, s19  }
0x407: {  	[tilespmem:s25], [sflag:$0x2] =	stream.linear.gather [hbm4b:s17+s25], $0x50, $0x38;
	[tilespmem:$0x1E180] =	vst v63  }
0x408: {  	p0 =	sne.s32 s19, $0x4D8;
	_ =	swait.ge [sflag:s21], $0x50  }
0x409: {  	[sflag:s21] =	ssyncset.done $0x0  }
0x40a: {  	s17 =	sadd.s32 s16, s14;
	s16 =	smov.u32 s18;
	[sflag:s21] =	ssyncadd.s32 $0xFFFFFFB0  }
0x40b: {  	[tilespmem:s22], [sflag:$0x2] =	stream.linear.gather [hbm4b:s17+s25], $0x50, $0x38;
	[tilespmem:$0x1E180] =	vst v63  }
0x40c: {  	_ =	swait.ge [sflag:s21], $0x50  }
0x40d: {  	[sflag:s21] =	ssyncset.done $0x0  }
0x40e: {  	[sflag:s21] =	ssyncadd.s32 $0xFFFFFFB0  }
0x40f: {  	[tilespmem:s24], [sflag:$0x1] =	stream.indirect.gather [hbm4b:s2+s23], $0x80, s25, s23, $0xb8;
	[tilespmem:$0x1E180] =	vst v63  }
0x410: {  	_ =	swait.ge [sflag:s15], $0x2800  }
0x411: {  	[sflag:s15] =	ssyncset.done $0x0  }
0x412: {  	[sflag:s15] =	ssyncadd.s32 $0xFFFFD800  }
0x413: {  	[spmem:s8] =	stream.indirect.scatter.add.f32 [tilespmem:s24], [sflag:$0x2], $0x80, s22, s23, $0xb8;
	[tilespmem:$0x1E180] =	vst v63  }
0x414: {  	_ =	swait.ge [sflag:s21], $0x2800  }
.Ltmp11:
0x415: {  	[sflag:s21] =	ssyncset.done $0x0;
	(pc) =	sbr.rel @p0 .LBB2_24-.Ltmp11, $4  }
0x416: {  	[sflag:s21] =	ssyncadd.s32 $0xFFFFD800  }
0x417: {  	[spmem:s12] =	stream.indirect.scatter.add.f32 [tilespmem:s20], [sflag:$0x2], $0x80, s22, s23, $0xb8;
	[tilespmem:$0x1E180] =	vst v63  }
0x418: {  	_ =	swait.ge [sflag:s21], $0x2800  }
0x419: {  	s19 =	smov.u32 s28;
	[sflag:s21] =	ssyncset.done $0x0  }
0x41a: {  	s17 =	sadd.s32 s16, s11;
	[sflag:s21] =	ssyncadd.s32 $0xFFFFD800  }
0x41b: {  	[tilespmem:s25], [sflag:$0x2] =	stream.linear.gather [hbm4b:s17+s25], $0x50, $0x38;
	[tilespmem:$0x1E180] =	vst v63  }
0x41c: {  	_ =	swait.ge [sflag:s21], $0x50  }
0x41d: {  	[sflag:s21] =	ssyncset.done $0x0  }
0x41e: {  	s19 =	sadd.s32 s16, s14;
	[sflag:s21] =	ssyncadd.s32 $0xFFFFFFB0  }
0x41f: {  	[tilespmem:s22], [sflag:$0x2] =	stream.linear.gather [hbm4b:s19+s25], $0x50, $0x38;
	[tilespmem:$0x1E180] =	vst v63  }
0x420: {  	_ =	swait.ge [sflag:s21], $0x50  }
0x421: {  	[sflag:s21] =	ssyncset.done $0x0  }
0x422: {  	[sflag:s21] =	ssyncadd.s32 $0xFFFFFFB0  }
0x423: {  	[tilespmem:s24], [sflag:$0x1] =	stream.indirect.gather [hbm4b:s2+s23], $0x80, s25, s23, $0xb8;
	[tilespmem:$0x1E180] =	vst v63  }
0x424: {  	_ =	swait.ge [sflag:s15], $0x2800  }
0x425: {  	[sflag:s15] =	ssyncset.done $0x0  }
0x426: {  	[sflag:s15] =	ssyncadd.s32 $0xFFFFD800  }
0x427: {  	[spmem:s8] =	stream.indirect.scatter.add.f32 [tilespmem:s24], [sflag:$0x2], $0x80, s22, s23, $0xb8;
	[tilespmem:$0x1E180] =	vst v63  }
0x428: {  	_ =	swait.ge [sflag:s21], $0x2800  }
0x429: {  	[sflag:s21] =	ssyncset.done $0x0  }
0x42a: {  	[sflag:s21] =	ssyncadd.s32 $0xFFFFD800  }
0x42b: {  	[spmem:s12] =	stream.indirect.scatter.add.f32 [tilespmem:s20], [sflag:$0x2], $0x80, s22, s23, $0xb8;
	[tilespmem:$0x1E180] =	vst v63  }
0x42c: {  	_ =	swait.ge [sflag:s21], $0x2800  }
0x42d: {  	[sflag:s21] =	ssyncset.done $0x0  }
0x42e: {  	[sflag:s21] =	ssyncadd.s32 $0xFFFFD800  }
0x42f: {  	[bflag:$0x0] =	sbarrier.arrive $0xFFFF  }
0x430: {  	s28 =	sld [smem:$0x7F5]  }
0x431: {  	s29 =	sld [smem:$0x7F1]  }
0x432: {  	s18 =	sld [smem:$0x7F0];
	_ =	sdelay $0x2  }
0x433: {  	[hbm:s28], [sflag:s29] =	dma.local [spmem:s18], $0x1900  }
0x434: {  	_ =	swait.ge [sflag:s21], $0x1900  }
0x435: {  	s18 =	sld [smem:$0x7F6]  }
0x436: {  	s19 =	sld [smem:$0x7F2]  }
0x437: {  	[sflag:s21] =	ssyncset.done $0x0  }
0x438: {  	[sflag:s21] =	ssyncadd.s32 $0xFFFFE700  }
0x439: {  	[hbm:s18], [sflag:s29] =	dma.local [spmem:s19], $0x1900  }
0x43a: {  	_ =	swait.ge [sflag:s21], $0x1900  }
0x43b: {  	s28 =	sld [smem:$0x7EF]  }
0x43c: {  	s29 =	sld [smem:$0x7FC];
	_ =	sdelay $0x1  }
0x43d: {  	s17 =	sadd.s32 $0x1, s28  }
0x43e: {  	p0 =	sne.s32 s17, s29  }
.Ltmp12:
0x43f: {  	_ = 	snop;
	(pc) =	sbr.rel @p0 .LBB2_1-.Ltmp12, $3  }
0x440: {  	[sflag:s21] =	ssyncset.done $0x0  }
0x441: {  	[sflag:s21] =	ssyncadd.s32 $0xFFFFE700  }
0x442: {  	[bflag:$0x0] =	sbarrier.arrive $0xFFFF;
	_ =	sdelay $0x1  }
0x443: {  	_ =	sfence.sel $0x180000  }
0x444: {  	[bflag:$0x0] =	sbarrier.arrive $0xFFFF  }
0x445: {  	_ =	strace $0x90000047  }
0x446: {  	s0 =	stileid.u32;
	[bflag:$0x2] =	sbarrier.arrive $0xFFFF  }
0x447: {  	p0 =	sne.s32 s0, $0x0;
	s0 =	rddreg [dreg:$0xb]  }
0x448: {  	s0 =	sadd.s32 @!p0 $0x100000, s0  }
0x449: {  	[sflag:s0] =	ssyncadd.tile.s32 @!p0 $0x1;
	_ =	shalt  }
.Lfunc_end2:
_tile_overlayer_lowered:
.L_overlay_start_2:
0x44a: {  	(tag) =	ssettag $0x2  }
0x44b: {  	s0 =	rddreg [dreg:$0x0];
	s2 =	stileid.u32  }
0x44c: {  	s1 =	rddreg [dreg:$0x1];
	p0 =	sne.s32 s2, $0x0  }
0x44d: {  	s3 =	rddreg [dreg:$0x2];
	[bflag:$0x3] =	sbarrier.arrive $0xFFFF;
	s2 =	simm.s32 @!p0 $0x1C02  }
0x44e: {  	[timem:s3], [sflag:s2] =	dma.local @!p0 [hbm:s0], s1  }
0x44f: {  	s0 =	simm.s32 @!p0 $0x2  }
0x450: {  	_ =	swait.ge @!p0 [sflag:s0], s1  }
0x451: {  	s1 =	ssub.s32 @!p0 $0x0, s1;
	[sflag:s0] =	ssyncset.done @!p0 $0x0  }
0x452: {  	[sflag:s0] =	ssyncadd.s32 @!p0 s1  }
0x453: {  	[bflag:$0x3] =	sbarrier.arrive $0xFFFF  }
0x454: {  	_ =	shalt  }

</sc_bundles>
